<compile_context>
chip_gen: v7x
topology: tpu7x:2x2x1
jax: 0.10.2.dev20260603
libtpu: 0.0.44.dev20260713+nightly
codegen_flags: <defaults>
</compile_context>

<pallas_src>
import functools

import numpy as np
import jax
import jax.numpy as jnp
from jax import lax
from jax.experimental import pallas as pl
from jax.experimental.pallas import tpu as pltpu
from jax.experimental.pallas import tpu_sc as plsc

_NBINS = 100
_CUTOFF = 0.35
_NA = 500
_NAP = 512
_W = _CUTOFF / (_NBINS - 1)
_INVW = (_NBINS - 1) / _CUTOFF
_J = 4
_NH = 128
_R2T = (_CUTOFF + _J * _W) ** 2
_NW = 32
_REG = 544
_NAOS = 3 * _NA * 2
_SOA = 2 * _NAP

_mesh = plsc.VectorSubcoreMesh(core_axis_name="c", subcore_axis_name="s")


@functools.partial(
    pl.kernel,
    out_type=jax.ShapeDtypeStruct((_NW * 5 * _NH,), jnp.float32),
    mesh=_mesh,
    compiler_params=pltpu.CompilerParams(needs_layout_passes=False),
    scratch_types=[
        pltpu.VMEM((_NAOS,), jnp.float32),
        pltpu.VMEM((3 * _SOA + 16,), jnp.float32),
        pltpu.VMEM((16 * _REG,), jnp.float32),
        pltpu.VMEM((16,), jnp.int32),
        pltpu.VMEM((16 * 5 * _NH,), jnp.float32),
        pltpu.VMEM((5 * _NH,), jnp.float32),
    ],
)
def _sc_hist(coords_hbm, out_hbm, cvm, soa, buf, cntv, hist, outv):
    wid = lax.axis_index("s") * 2 + lax.axis_index("c")
    pltpu.sync_copy(coords_hbm, cvm)
    iota = lax.iota(jnp.int32, 16)
    iota3 = iota * 3
    zero16 = jnp.zeros((16,), jnp.float32)
    one16 = jnp.ones((16,), jnp.float32)

    def zh(k, carry):
        hist[pl.ds(k * 16, 16)] = zero16
        return carry

    lax.fori_loop(0, 16 * 5 * _NH // 16, zh, 0)

    def tr(k, carry):
        p = k // 64
        b = (k // 32) % 2
        c = k % 32
        gi = iota3 + (b * 3 * _NA + c * 48 + p)
        gi = jnp.minimum(gi, _NAOS - 1)
        soa[pl.ds(p * _SOA + b * _NAP + c * 16, 16)] = (
            plsc.load_gather(cvm, [gi]))
        return carry

    lax.fori_loop(0, 192, tr, 0)

    def wrap_sq(d):
        a = jnp.abs(d)
        b = 1.0 - a
        return jnp.minimum(a * a, b * b)

    lane_base = iota * _REG

    def one_batch(b, cnt0):
        base = b * _NAP
        nrows = (_NA - 1 - wid) // _NW + 1
        nrows2 = (nrows + 1) // 2

        def row_body(ri, cnt):
            ia = wid + 2 * _NW * ri
            ib = ia + _NW
            has_b = ib <= _NA - 1
            civ = jnp.full((16,), base + ia, jnp.int32)
            xa = plsc.load_gather(soa, [civ])
            ya = plsc.load_gather(soa, [civ + _SOA])
            za = plsc.load_gather(soa, [civ + 2 * _SOA])
            cjv = jnp.full((16,), base + jnp.where(has_b, ib, ia), jnp.int32)
            xb = plsc.load_gather(soa, [cjv])
            yb = plsc.load_gather(soa, [cjv + _SOA])
            zb = plsc.load_gather(soa, [cjv + 2 * _SOA])
            ihi = jnp.where(has_b, ib, ia)
            nj2 = (ihi + 31) // 32

            def jv_body(jv2, cnt1):
                off = base + jv2 * 32
                ja = jv2 * 32 + iota
                cx0 = soa[pl.ds(off, 16)]
                cx1 = soa[pl.ds(off + 16, 16)]
                cy0 = soa[pl.ds(off + _SOA, 16)]
                cy1 = soa[pl.ds(off + _SOA + 16, 16)]
                cz0 = soa[pl.ds(off + 2 * _SOA, 16)]
                cz1 = soa[pl.ds(off + 2 * _SOA + 16, 16)]
                d_a0 = wrap_sq(xa - cx0) + wrap_sq(ya - cy0) + wrap_sq(za - cz0)
                d_a1 = wrap_sq(xa - cx1) + wrap_sq(ya - cy1) + wrap_sq(za - cz1)
                d_b0 = wrap_sq(xb - cx0) + wrap_sq(yb - cy0) + wrap_sq(zb - cz0)
                d_b1 = wrap_sq(xb - cx1) + wrap_sq(yb - cy1) + wrap_sq(zb - cz1)
                m_a0 = (d_a0 < _R2T) & (d_a0 != 0.0) & (ja < ia)
                m_a1 = (d_a1 < _R2T) & (d_a1 != 0.0) & (ja + 16 < ia)
                m_b0 = (d_b0 < _R2T) & (d_b0 != 0.0) & (ja < ib) & has_b
                m_b1 = (d_b1 < _R2T) & (d_b1 != 0.0) & (ja + 16 < ib) & has_b
                plsc.store_scatter(buf, [lane_base + cnt1], d_a0, mask=m_a0)
                c2 = cnt1 + m_a0.astype(jnp.int32)
                plsc.store_scatter(buf, [lane_base + c2], d_a1, mask=m_a1)
                c3 = c2 + m_a1.astype(jnp.int32)
                plsc.store_scatter(buf, [lane_base + c3], d_b0, mask=m_b0)
                c4 = c3 + m_b0.astype(jnp.int32)
                plsc.store_scatter(buf, [lane_base + c4], d_b1, mask=m_b1)
                return c4 + m_b1.astype(jnp.int32)

            return lax.fori_loop(0, nj2, jv_body, cnt)

        return lax.fori_loop(0, nrows2, row_body, cnt0)

    cnt = one_batch(0, jnp.zeros((16,), jnp.int32))
    cnt = one_batch(1, cnt)
    cntv[pl.ds(0, 16)] = cnt


    def smear(dsq, valid):
        bits = plsc.bitcast(dsq, jnp.int32)
        y = plsc.bitcast(
            jnp.int32(0x5F3759DF) - lax.shift_right_logical(bits, 1),
            jnp.float32)
        for _ in range(3):
            y = y * (1.5 - 0.5 * dsq * y * y)
        t = dsq * y * _INVW
        i0 = (t + 0.5).astype(jnp.int32)
        i0 = jnp.minimum(jnp.maximum(i0, 0), _NBINS + _J)
        f = t - i0.astype(jnp.float32)
        base_idx = iota * (5 * _NH) + (i0 + _J)
        f2 = f * f
        plsc.addupdate_scatter(hist, [base_idx], one16, mask=valid)
        plsc.addupdate_scatter(hist, [base_idx + _NH], f, mask=valid)
        plsc.addupdate_scatter(hist, [base_idx + 2 * _NH], f2, mask=valid)
        plsc.addupdate_scatter(hist, [base_idx + 3 * _NH], f2 * f,
                               mask=valid)
        plsc.addupdate_scatter(hist, [base_idx + 4 * _NH], f2 * f2,
                               mask=valid)

    def lane_loop(l, carry):
        clv = plsc.load_gather(cntv, [jnp.full((16,), l, jnp.int32)])
        nvl2 = (clv[0] + 31) // 32
        lb = l * _REG

        def pv(v, carry2):
            off = lb + v * 32
            dsq_a = buf[pl.ds(off, 16)]
            dsq_b = buf[pl.ds(off + 16, 16)]
            smear(dsq_a, (v * 32 + iota) < clv)
            smear(dsq_b, (v * 32 + 16 + iota) < clv)
            return carry2

        return lax.fori_loop(0, nvl2, pv, carry)

    lax.fori_loop(0, 16, lane_loop, jnp.int32(0))

    def red(c, carry):
        acc = hist[pl.ds(c * 16, 16)]
        for r in range(1, 16):
            acc = acc + hist[pl.ds(r * 5 * _NH + c * 16, 16)]
        outv[pl.ds(c * 16, 16)] = acc
        return carry

    lax.fori_loop(0, 5 * _NH // 16, red, 0)
    pltpu.sync_copy(outv, out_hbm.at[pl.ds(wid * 5 * _NH, 5 * _NH)])


_FS = np.linspace(-0.5, 0.5, 2001)
_POLY = {j: np.polyfit(_FS, np.exp(-0.5 * (_FS - j) ** 2), 4)[::-1]
         for j in range(-_J, _J + 1)}


def _finish_body(part_ref, volr_ref, count_ref, rdf_ref):
    x = part_ref[...]
    acc = x[0:5 * _NH]
    for r in range(1, _NW):
        acc = acc + x[r * 5 * _NH:(r + 1) * 5 * _NH]
    w = jnp.zeros((_NBINS,), jnp.float32)
    for j in range(-_J, _J + 1):
        lo = _J - j
        for m in range(5):
            w = w + float(_POLY[j][m]) * acc[m * _NH + lo:m * _NH + lo
                                             + _NBINS]
    count = w / jnp.sum(w)
    count_ref[...] = count
    rdf_ref[...] = count * volr_ref[...]


def kernel(xyz):
    coords = xyz.reshape(-1)
    part = _sc_hist(coords)
    bins = jnp.linspace(0.0, _CUTOFF, _NBINS + 1)
    npbins = np.linspace(0.0, _CUTOFF, _NBINS + 1, dtype=np.float32)
    vol_bins = 4.0 * np.pi / 3.0 * (npbins[1:] ** 3 - npbins[:-1] ** 3)
    V = 4.0 / 3.0 * np.pi * _CUTOFF ** 3
    volr = jnp.asarray(V / vol_bins, dtype=jnp.float32)
    count, rdf_out = pl.pallas_call(
        _finish_body,
        out_shape=(jax.ShapeDtypeStruct((_NBINS,), jnp.float32),
                   jax.ShapeDtypeStruct((_NBINS,), jnp.float32)),
    )(part, volr)
    return (count, bins, rdf_out)

# --- scband reference (transcript-rebuilt; emitter-appended) ---
"""Pipeline reference for scband-rdf-61770219651753 (READ-ONLY COPY).

The authoritative reference and input builder live on the scoring server;
editing this copy changes nothing except your own understanding.
"""

import jax, jax.numpy as jnp
import numpy as np

NBINS = 100
CUTOFF = 0.35
NATOMS = 500
BATCH = 2


def setup_inputs(seed: int = 0) -> dict:
    key = jax.random.key(seed)
    xyz = jax.random.uniform(key, (BATCH, NATOMS, 3), dtype=jnp.float32)
    return {"xyz": xyz}


def reference(xyz):
    nbins = NBINS
    cutoff = CUTOFF
    cell = jnp.ones(3, dtype=jnp.float32)  # diag of unit cubic cell
    bins = jnp.linspace(0.0, cutoff, nbins + 1)
    vol_bins = 4.0 * np.pi / 3.0 * (bins[1:] ** 3 - bins[:-1] ** 3)
    cutoff_boundary = cutoff + 0.5

    # minimum-image pairwise displacement
    dis_mat = xyz[:, None, :, :] - xyz[:, :, None, :]
    offsets = -(dis_mat >= 0.5 * cell).astype(jnp.float32) + (dis_mat < -0.5 * cell).astype(jnp.float32)
    dis_mat = dis_mat + offsets * cell
    dis_sq = jnp.sum(dis_mat ** 2, axis=-1)

    mask = (dis_sq < cutoff_boundary ** 2) & (dis_sq != 0.0)
    flat_sq = dis_sq.reshape(-1)
    flat_mask = mask.reshape(-1)
    safe_sq = jnp.where(flat_mask, flat_sq, 1.0)
    pair_dis = jnp.sqrt(safe_sq)

    # GaussianSmearing(start=0, stop=cutoff, n_gaussians=nbins, trainable=False)
    g_off = jnp.linspace(0.0, cutoff, nbins)
    width = g_off[1] - g_off[0]
    coeff = -0.5 / (width ** 2)
    diff = pair_dis[:, None] - g_off[None, :]
    sm = jnp.exp(coeff * diff ** 2) * flat_mask[:, None].astype(jnp.float32)

    count = sm.sum(axis=0)
    norm = count.sum()
    count = count / norm
    V = 4.0 / 3.0 * np.pi * cutoff ** 3
    rdf_out = count / (vol_bins / V)
    return (count, bins, rdf_out)

if __name__ == "__main__":
    import jax
    _d = setup_inputs()
    print(jax.jit(kernel)(*tuple(_d.values())))

</pallas_src>

<mosaic_0001>
#map = affine_map<(d0, d1) -> (0)>
module attributes {stable_mosaic.version = 14 : i64} {
  func.func @_sc_hist(%arg0: i32, %arg1: i32, %arg2: memref<3000xf32, #tpu.memory_space<hbm>>, %arg3: memref<20480xf32, #tpu.memory_space<hbm>>, %arg4: memref<3000xf32, #tpu.memory_space<vmem>>, %arg5: memref<3088xf32, #tpu.memory_space<vmem>>, %arg6: memref<8704xf32, #tpu.memory_space<vmem>>, %arg7: memref<16xi32, #tpu.memory_space<vmem>>, %arg8: memref<10240xf32, #tpu.memory_space<vmem>>, %arg9: memref<640xf32, #tpu.memory_space<vmem>>) attributes {dimension_semantics = [#tpu.dimension_semantics<core_parallel>, #tpu.dimension_semantics<subcore_parallel>], iteration_bounds = array<i64: 2, 16>, scalar_prefetch = 0 : i64, scratch_operands = 6 : i64, tpu.core_type = #tpu.core_type<sc_vector_subcore>, window_params = [{transform_indices = #map}, {transform_indices = #map}]} {
    %mul3A = arith.constant 2 : i32
    %mul3A_0 = arith.muli %arg1, %mul3A : i32
    %add3A = arith.addi %mul3A_0, %arg0 : i32
    "tpu.region"() ({
      %run_scoped3A = tpu.sem_alloc : memref<!tpu.dma_semaphore, #tpu.memory_space<semaphore_mem>>
      tpu.enqueue_dma source(%arg2 : memref<3000xf32, #tpu.memory_space<hbm>>) target(%arg4 : memref<3000xf32, #tpu.memory_space<vmem>>) target_semaphore(%run_scoped3A : memref<!tpu.dma_semaphore, #tpu.memory_space<semaphore_mem>>)
      tpu.wait_dma2 semaphore(%run_scoped3A : memref<!tpu.dma_semaphore, #tpu.memory_space<semaphore_mem>>) src(%arg2 : memref<3000xf32, #tpu.memory_space<hbm>>) dst(%arg4 : memref<3000xf32, #tpu.memory_space<vmem>>)
      tpu.yield
    }) : () -> ()
    %iota3A = tpu.iota {dimensions = array<i32: 0>} : vector<16xi32>
    %mul3A_1 = arith.constant 3 : i32
    %mul3A_2 = vector.broadcast %mul3A_1 : i32 to vector<16xi32>
    %mul3A_3 = arith.muli %iota3A, %mul3A_2 : vector<16xi32>
    %broadcast_in_dim3A = arith.constant 0.000000e+00 : f32
    %broadcast_in_dim3A_4 = vector.broadcast %broadcast_in_dim3A : f32 to vector<16xf32>
    %broadcast_in_dim3A_5 = arith.constant 1.000000e+00 : f32
    %broadcast_in_dim3A_6 = vector.broadcast %broadcast_in_dim3A_5 : f32 to vector<16xf32>
    %scan3A = arith.constant 0 : i32
    %scan3A_7 = arith.constant 0 : i32
    %scan3A_8 = arith.constant 640 : i32
    %scan3A_9 = arith.addi %scan3A_7, %scan3A_8 : i32
    %scan3A_10 = arith.constant 1 : i32
    scf.for %scan3A_161 = %scan3A_7 to %scan3A_9 step %scan3A_10  : i32 {
      %mul3A_162 = arith.constant 16 : i32
      %mul3A_163 = arith.muli %scan3A_161, %mul3A_162 : i32
      %swap3A_164 = arith.index_cast %mul3A_163 : i32 to index
      %swap3A_165 = tpu.vector_load %arg8[%swap3A_164] {strides = array<i32>} : memref<10240xf32, #tpu.memory_space<vmem>>, vector<16xf32>,
      tpu.vector_store %arg8[%swap3A_164], %broadcast_in_dim3A_4 {strides = array<i32>} : memref<10240xf32, #tpu.memory_space<vmem>>, vector<16xf32>,
    }
    %scan3A_11 = arith.constant 640 : i32
    %scan3A_12 = arith.constant 0 : i32
    %scan3A_13 = arith.constant 0 : i32
    %scan3A_14 = arith.constant 192 : i32
    %scan3A_15 = arith.addi %scan3A_13, %scan3A_14 : i32
    %scan3A_16 = arith.constant 1 : i32
    scf.for %scan3A_161 = %scan3A_13 to %scan3A_15 step %scan3A_16  : i32 {
      %jit3A_162 = arith.constant 64 : i32
      %div3A_163 = arith.divsi %scan3A_161, %jit3A_162 : i32
      %sign3A_164 = arith.constant 0 : i32
      %sign3A_165 = arith.cmpi sgt, %scan3A_161, %sign3A_164 : i32
      %sign3A_166 = arith.extui %sign3A_165 : i1 to i32
      %sign3A_167 = arith.constant 0 : i32
      %sign3A_168 = arith.cmpi slt, %scan3A_161, %sign3A_167 : i32
      %sign3A_169 = arith.extui %sign3A_168 : i1 to i32
      %sign3A_170 = arith.subi %sign3A_166, %sign3A_169 : i32
      %sign3A_171 = arith.constant 0 : i32
      %sign3A_172 = arith.cmpi sgt, %jit3A_162, %sign3A_171 : i32
      %sign3A_173 = arith.extui %sign3A_172 : i1 to i32
      %sign3A_174 = arith.constant 0 : i32
      %sign3A_175 = arith.cmpi slt, %jit3A_162, %sign3A_174 : i32
      %sign3A_176 = arith.extui %sign3A_175 : i1 to i32
      %sign3A_177 = arith.subi %sign3A_173, %sign3A_176 : i32
      %ne3A_178 = arith.cmpi ne, %sign3A_170, %sign3A_177 : i32
      %rem3A_179 = arith.remsi %scan3A_161, %jit3A_162 : i32
      %ne3A_180 = arith.constant 0 : i32
      %ne3A_181 = arith.cmpi ne, %rem3A_179, %ne3A_180 : i32
      %and3A_182 = arith.andi %ne3A_178, %ne3A_181 : i1
      %sub3A_183 = arith.constant 1 : i32
      %sub3A_184 = arith.subi %div3A_163, %sub3A_183 : i32
      %select_n3A_185 = arith.select %and3A_182, %sub3A_184, %div3A_163 : i32
      %jit3A_186 = arith.constant 32 : i32
      %div3A_187 = arith.divsi %scan3A_161, %jit3A_186 : i32
      %sign3A_188 = arith.constant 0 : i32
      %sign3A_189 = arith.cmpi sgt, %scan3A_161, %sign3A_188 : i32
      %sign3A_190 = arith.extui %sign3A_189 : i1 to i32
      %sign3A_191 = arith.constant 0 : i32
      %sign3A_192 = arith.cmpi slt, %scan3A_161, %sign3A_191 : i32
      %sign3A_193 = arith.extui %sign3A_192 : i1 to i32
      %sign3A_194 = arith.subi %sign3A_190, %sign3A_193 : i32
      %sign3A_195 = arith.constant 0 : i32
      %sign3A_196 = arith.cmpi sgt, %jit3A_186, %sign3A_195 : i32
      %sign3A_197 = arith.extui %sign3A_196 : i1 to i32
      %sign3A_198 = arith.constant 0 : i32
      %sign3A_199 = arith.cmpi slt, %jit3A_186, %sign3A_198 : i32
      %sign3A_200 = arith.extui %sign3A_199 : i1 to i32
      %sign3A_201 = arith.subi %sign3A_197, %sign3A_200 : i32
      %ne3A_202 = arith.cmpi ne, %sign3A_194, %sign3A_201 : i32
      %rem3A_203 = arith.remsi %scan3A_161, %jit3A_186 : i32
      %ne3A_204 = arith.constant 0 : i32
      %ne3A_205 = arith.cmpi ne, %rem3A_203, %ne3A_204 : i32
      %and3A_206 = arith.andi %ne3A_202, %ne3A_205 : i1
      %sub3A_207 = arith.constant 1 : i32
      %sub3A_208 = arith.subi %div3A_187, %sub3A_207 : i32
      %select_n3A_209 = arith.select %and3A_206, %sub3A_208, %div3A_187 : i32
      %jit3A_210 = arith.constant 2 : i32
      %eq3A = arith.constant 0 : i32
      %eq3A_211 = arith.cmpi eq, %jit3A_210, %eq3A : i32
      %jit3A_212 = arith.constant 1 : i32
      %select_n3A_213 = arith.select %eq3A_211, %jit3A_212, %jit3A_210 : i32
      %rem3A_214 = arith.remsi %select_n3A_209, %select_n3A_213 : i32
      %ne3A_215 = arith.constant 0 : i32
      %ne3A_216 = arith.cmpi ne, %rem3A_214, %ne3A_215 : i32
      %lt3A = arith.constant 0 : i32
      %lt3A_217 = arith.cmpi slt, %rem3A_214, %lt3A : i32
      %lt3A_218 = arith.constant 0 : i32
      %lt3A_219 = arith.cmpi slt, %select_n3A_213, %lt3A_218 : i32
      %ne3A_220 = arith.xori %lt3A_217, %lt3A_219 : i1
      %and3A_221 = arith.andi %ne3A_220, %ne3A_216 : i1
      %add3A_222 = arith.addi %rem3A_214, %select_n3A_213 : i32
      %select_n3A_223 = arith.select %and3A_221, %add3A_222, %rem3A_214 : i32
      %jit3A_224 = arith.constant 32 : i32
      %eq3A_225 = arith.constant 0 : i32
      %eq3A_226 = arith.cmpi eq, %jit3A_224, %eq3A_225 : i32
      %jit3A_227 = arith.constant 1 : i32
      %select_n3A_228 = arith.select %eq3A_226, %jit3A_227, %jit3A_224 : i32
      %rem3A_229 = arith.remsi %scan3A_161, %select_n3A_228 : i32
      %ne3A_230 = arith.constant 0 : i32
      %ne3A_231 = arith.cmpi ne, %rem3A_229, %ne3A_230 : i32
      %lt3A_232 = arith.constant 0 : i32
      %lt3A_233 = arith.cmpi slt, %rem3A_229, %lt3A_232 : i32
      %lt3A_234 = arith.constant 0 : i32
      %lt3A_235 = arith.cmpi slt, %select_n3A_228, %lt3A_234 : i32
      %ne3A_236 = arith.xori %lt3A_233, %lt3A_235 : i1
      %and3A_237 = arith.andi %ne3A_236, %ne3A_231 : i1
      %add3A_238 = arith.addi %rem3A_229, %select_n3A_228 : i32
      %select_n3A_239 = arith.select %and3A_237, %add3A_238, %rem3A_229 : i32
      %mul3A_240 = arith.constant 3 : i32
      %mul3A_241 = arith.muli %select_n3A_223, %mul3A_240 : i32
      %mul3A_242 = arith.constant 500 : i32
      %mul3A_243 = arith.muli %mul3A_241, %mul3A_242 : i32
      %mul3A_244 = arith.constant 48 : i32
      %mul3A_245 = arith.muli %select_n3A_239, %mul3A_244 : i32
      %add3A_246 = arith.addi %mul3A_243, %mul3A_245 : i32
      %add3A_247 = arith.addi %add3A_246, %select_n3A_185 : i32
      %add3A_248 = vector.broadcast %add3A_247 : i32 to vector<16xi32>
      %add3A_249 = arith.addi %mul3A_3, %add3A_248 : vector<16xi32>
      %min3A = arith.constant 2999 : i32
      %min3A_250 = vector.broadcast %min3A : i32 to vector<16xi32>
      %min3A_251 = arith.minsi %add3A_249, %min3A_250 : vector<16xi32>
      %gather3A = tpu.vector_load_idx %arg4[%min3A_251] : memref<3000xf32, #tpu.memory_space<vmem>>[vector<16xi32>], vector<16xf32>,
      %mul3A_252 = arith.constant 1024 : i32
      %mul3A_253 = arith.muli %select_n3A_185, %mul3A_252 : i32
      %mul3A_254 = arith.constant 512 : i32
      %mul3A_255 = arith.muli %select_n3A_223, %mul3A_254 : i32
      %add3A_256 = arith.addi %mul3A_253, %mul3A_255 : i32
      %mul3A_257 = arith.constant 16 : i32
      %mul3A_258 = arith.muli %select_n3A_239, %mul3A_257 : i32
      %add3A_259 = arith.addi %add3A_256, %mul3A_258 : i32
      %swap3A_260 = arith.index_cast %add3A_259 : i32 to index
      %swap3A_261 = tpu.vector_load %arg5[%swap3A_260] {strides = array<i32>} : memref<3088xf32, #tpu.memory_space<vmem>>, vector<16xf32>,
      tpu.vector_store %arg5[%swap3A_260], %gather3A {strides = array<i32>} : memref<3088xf32, #tpu.memory_space<vmem>>, vector<16xf32>,
    }
    %scan3A_17 = arith.constant 192 : i32
    %mul3A_18 = arith.constant 544 : i32
    %mul3A_19 = vector.broadcast %mul3A_18 : i32 to vector<16xi32>
    %mul3A_20 = arith.muli %iota3A, %mul3A_19 : vector<16xi32>
    %broadcast_in_dim3A_21 = arith.constant 0 : i32
    %broadcast_in_dim3A_22 = vector.broadcast %broadcast_in_dim3A_21 : i32 to vector<16xi32>
    %sub3A = arith.constant 499 : i32
    %sub3A_23 = arith.subi %sub3A, %add3A : i32
    %jit3A = arith.constant 32 : i32
    %div3A = arith.divsi %sub3A_23, %jit3A : i32
    %sign3A = arith.constant 0 : i32
    %sign3A_24 = arith.cmpi sgt, %sub3A_23, %sign3A : i32
    %sign3A_25 = arith.extui %sign3A_24 : i1 to i32
    %sign3A_26 = arith.constant 0 : i32
    %sign3A_27 = arith.cmpi slt, %sub3A_23, %sign3A_26 : i32
    %sign3A_28 = arith.extui %sign3A_27 : i1 to i32
    %sign3A_29 = arith.subi %sign3A_25, %sign3A_28 : i32
    %sign3A_30 = arith.constant 0 : i32
    %sign3A_31 = arith.cmpi sgt, %jit3A, %sign3A_30 : i32
    %sign3A_32 = arith.extui %sign3A_31 : i1 to i32
    %sign3A_33 = arith.constant 0 : i32
    %sign3A_34 = arith.cmpi slt, %jit3A, %sign3A_33 : i32
    %sign3A_35 = arith.extui %sign3A_34 : i1 to i32
    %sign3A_36 = arith.subi %sign3A_32, %sign3A_35 : i32
    %ne3A = arith.cmpi ne, %sign3A_29, %sign3A_36 : i32
    %rem3A = arith.remsi %sub3A_23, %jit3A : i32
    %ne3A_37 = arith.constant 0 : i32
    %ne3A_38 = arith.cmpi ne, %rem3A, %ne3A_37 : i32
    %and3A = arith.andi %ne3A, %ne3A_38 : i1
    %sub3A_39 = arith.constant 1 : i32
    %sub3A_40 = arith.subi %div3A, %sub3A_39 : i32
    %select_n3A = arith.select %and3A, %sub3A_40, %div3A : i32
    %add3A_41 = arith.constant 1 : i32
    %add3A_42 = arith.addi %select_n3A, %add3A_41 : i32
    %add3A_43 = arith.constant 1 : i32
    %add3A_44 = arith.addi %add3A_42, %add3A_43 : i32
    %jit3A_45 = arith.constant 2 : i32
    %div3A_46 = arith.divsi %add3A_44, %jit3A_45 : i32
    %sign3A_47 = arith.constant 0 : i32
    %sign3A_48 = arith.cmpi sgt, %add3A_44, %sign3A_47 : i32
    %sign3A_49 = arith.extui %sign3A_48 : i1 to i32
    %sign3A_50 = arith.constant 0 : i32
    %sign3A_51 = arith.cmpi slt, %add3A_44, %sign3A_50 : i32
    %sign3A_52 = arith.extui %sign3A_51 : i1 to i32
    %sign3A_53 = arith.subi %sign3A_49, %sign3A_52 : i32
    %sign3A_54 = arith.constant 0 : i32
    %sign3A_55 = arith.cmpi sgt, %jit3A_45, %sign3A_54 : i32
    %sign3A_56 = arith.extui %sign3A_55 : i1 to i32
    %sign3A_57 = arith.constant 0 : i32
    %sign3A_58 = arith.cmpi slt, %jit3A_45, %sign3A_57 : i32
    %sign3A_59 = arith.extui %sign3A_58 : i1 to i32
    %sign3A_60 = arith.subi %sign3A_56, %sign3A_59 : i32
    %ne3A_61 = arith.cmpi ne, %sign3A_53, %sign3A_60 : i32
    %rem3A_62 = arith.remsi %add3A_44, %jit3A_45 : i32
    %ne3A_63 = arith.constant 0 : i32
    %ne3A_64 = arith.cmpi ne, %rem3A_62, %ne3A_63 : i32
    %and3A_65 = arith.andi %ne3A_61, %ne3A_64 : i1
    %sub3A_66 = arith.constant 1 : i32
    %sub3A_67 = arith.subi %div3A_46, %sub3A_66 : i32
    %select_n3A_68 = arith.select %and3A_65, %sub3A_67, %div3A_46 : i32
    %while3A = arith.constant 0 : i32
    %while3A_69 = arith.subi %select_n3A_68, %while3A : i32
    %while3A_70 = arith.addi %while3A, %while3A_69 : i32
    %while3A_71 = arith.constant 1 : i32
    %while3A_72 = arith.divsi %while3A_69, %while3A_71 : i32
    %while3A_73 = arith.muli %while3A_72, %while3A_71 : i32
    %while3A_74 = arith.addi %while3A, %while3A_73 : i32
    %while3A_75 = arith.constant 1 : i32
    %while3A_76 = scf.for %while3A_161 = %while3A to %while3A_74 step %while3A_75 iter_args(%while3A_162 = %broadcast_in_dim3A_22) -> (vector<16xi32>)  : i32 {
      %mul3A_163 = arith.constant 64 : i32
      %mul3A_164 = arith.muli %mul3A_163, %while3A_161 : i32
      %add3A_165 = arith.addi %add3A, %mul3A_164 : i32
      %add3A_166 = arith.constant 32 : i32
      %add3A_167 = arith.addi %add3A_165, %add3A_166 : i32
      %le3A = arith.constant 499 : i32
      %le3A_168 = arith.cmpi sle, %add3A_167, %le3A : i32
      %add3A_169 = arith.constant 0 : i32
      %add3A_170 = arith.addi %add3A_169, %add3A_165 : i32
      %broadcast_in_dim3A_171 = vector.broadcast %add3A_170 : i32 to vector<16xi32>
      %gather3A = tpu.vector_load_idx %arg5[%broadcast_in_dim3A_171] : memref<3088xf32, #tpu.memory_space<vmem>>[vector<16xi32>], vector<16xf32>,
      %add3A_172 = arith.constant 1024 : i32
      %add3A_173 = vector.broadcast %add3A_172 : i32 to vector<16xi32>
      %add3A_174 = arith.addi %broadcast_in_dim3A_171, %add3A_173 : vector<16xi32>
      %gather3A_175 = tpu.vector_load_idx %arg5[%add3A_174] : memref<3088xf32, #tpu.memory_space<vmem>>[vector<16xi32>], vector<16xf32>,
      %add3A_176 = arith.constant 2048 : i32
      %add3A_177 = vector.broadcast %add3A_176 : i32 to vector<16xi32>
      %add3A_178 = arith.addi %broadcast_in_dim3A_171, %add3A_177 : vector<16xi32>
      %gather3A_179 = tpu.vector_load_idx %arg5[%add3A_178] : memref<3088xf32, #tpu.memory_space<vmem>>[vector<16xi32>], vector<16xf32>,
      %select_n3A_180 = arith.select %le3A_168, %add3A_167, %add3A_165 : i32
      %add3A_181 = arith.constant 0 : i32
      %add3A_182 = arith.addi %add3A_181, %select_n3A_180 : i32
      %broadcast_in_dim3A_183 = vector.broadcast %add3A_182 : i32 to vector<16xi32>
      %gather3A_184 = tpu.vector_load_idx %arg5[%broadcast_in_dim3A_183] : memref<3088xf32, #tpu.memory_space<vmem>>[vector<16xi32>], vector<16xf32>,
      %add3A_185 = arith.constant 1024 : i32
      %add3A_186 = vector.broadcast %add3A_185 : i32 to vector<16xi32>
      %add3A_187 = arith.addi %broadcast_in_dim3A_183, %add3A_186 : vector<16xi32>
      %gather3A_188 = tpu.vector_load_idx %arg5[%add3A_187] : memref<3088xf32, #tpu.memory_space<vmem>>[vector<16xi32>], vector<16xf32>,
      %add3A_189 = arith.constant 2048 : i32
      %add3A_190 = vector.broadcast %add3A_189 : i32 to vector<16xi32>
      %add3A_191 = arith.addi %broadcast_in_dim3A_183, %add3A_190 : vector<16xi32>
      %gather3A_192 = tpu.vector_load_idx %arg5[%add3A_191] : memref<3088xf32, #tpu.memory_space<vmem>>[vector<16xi32>], vector<16xf32>,
      %select_n3A_193 = arith.select %le3A_168, %add3A_167, %add3A_165 : i32
      %add3A_194 = arith.constant 31 : i32
      %add3A_195 = arith.addi %select_n3A_193, %add3A_194 : i32
      %jit3A_196 = arith.constant 32 : i32
      %div3A_197 = arith.divsi %add3A_195, %jit3A_196 : i32
      %sign3A_198 = arith.constant 0 : i32
      %sign3A_199 = arith.cmpi sgt, %add3A_195, %sign3A_198 : i32
      %sign3A_200 = arith.extui %sign3A_199 : i1 to i32
      %sign3A_201 = arith.constant 0 : i32
      %sign3A_202 = arith.cmpi slt, %add3A_195, %sign3A_201 : i32
      %sign3A_203 = arith.extui %sign3A_202 : i1 to i32
      %sign3A_204 = arith.subi %sign3A_200, %sign3A_203 : i32
      %sign3A_205 = arith.constant 0 : i32
      %sign3A_206 = arith.cmpi sgt, %jit3A_196, %sign3A_205 : i32
      %sign3A_207 = arith.extui %sign3A_206 : i1 to i32
      %sign3A_208 = arith.constant 0 : i32
      %sign3A_209 = arith.cmpi slt, %jit3A_196, %sign3A_208 : i32
      %sign3A_210 = arith.extui %sign3A_209 : i1 to i32
      %sign3A_211 = arith.subi %sign3A_207, %sign3A_210 : i32
      %ne3A_212 = arith.cmpi ne, %sign3A_204, %sign3A_211 : i32
      %rem3A_213 = arith.remsi %add3A_195, %jit3A_196 : i32
      %ne3A_214 = arith.constant 0 : i32
      %ne3A_215 = arith.cmpi ne, %rem3A_213, %ne3A_214 : i32
      %and3A_216 = arith.andi %ne3A_212, %ne3A_215 : i1
      %sub3A_217 = arith.constant 1 : i32
      %sub3A_218 = arith.subi %div3A_197, %sub3A_217 : i32
      %select_n3A_219 = arith.select %and3A_216, %sub3A_218, %div3A_197 : i32
      %while3A_220 = arith.constant 0 : i32
      %while3A_221 = arith.subi %select_n3A_219, %while3A_220 : i32
      %while3A_222 = arith.addi %while3A_220, %while3A_221 : i32
      %while3A_223 = arith.constant 1 : i32
      %while3A_224 = arith.divsi %while3A_221, %while3A_223 : i32
      %while3A_225 = arith.muli %while3A_224, %while3A_223 : i32
      %while3A_226 = arith.addi %while3A_220, %while3A_225 : i32
      %while3A_227 = arith.constant 1 : i32
      %while3A_228 = scf.for %while3A_231 = %while3A_220 to %while3A_226 step %while3A_227 iter_args(%while3A_232 = %while3A_162) -> (vector<16xi32>)  : i32 {
        %mul3A_233 = arith.constant 32 : i32
        %mul3A_234 = arith.muli %while3A_231, %mul3A_233 : i32
        %add3A_235 = arith.constant 0 : i32
        %add3A_236 = arith.addi %add3A_235, %mul3A_234 : i32
        %mul3A_237 = arith.constant 32 : i32
        %mul3A_238 = arith.muli %while3A_231, %mul3A_237 : i32
        %add3A_239 = vector.broadcast %mul3A_238 : i32 to vector<16xi32>
        %add3A_240 = arith.addi %add3A_239, %iota3A : vector<16xi32>
        %get3A = arith.index_cast %add3A_236 : i32 to index
        %get3A_241 = tpu.vector_load %arg5[%get3A] {strides = array<i32>} : memref<3088xf32, #tpu.memory_space<vmem>>, vector<16xf32>,
        %add3A_242 = arith.constant 16 : i32
        %add3A_243 = arith.addi %add3A_236, %add3A_242 : i32
        %get3A_244 = arith.index_cast %add3A_243 : i32 to index
        %get3A_245 = tpu.vector_load %arg5[%get3A_244] {strides = array<i32>} : memref<3088xf32, #tpu.memory_space<vmem>>, vector<16xf32>,
        %add3A_246 = arith.constant 1024 : i32
        %add3A_247 = arith.addi %add3A_236, %add3A_246 : i32
        %get3A_248 = arith.index_cast %add3A_247 : i32 to index
        %get3A_249 = tpu.vector_load %arg5[%get3A_248] {strides = array<i32>} : memref<3088xf32, #tpu.memory_space<vmem>>, vector<16xf32>,
        %add3A_250 = arith.constant 1024 : i32
        %add3A_251 = arith.addi %add3A_236, %add3A_250 : i32
        %add3A_252 = arith.constant 16 : i32
        %add3A_253 = arith.addi %add3A_251, %add3A_252 : i32
        %get3A_254 = arith.index_cast %add3A_253 : i32 to index
        %get3A_255 = tpu.vector_load %arg5[%get3A_254] {strides = array<i32>} : memref<3088xf32, #tpu.memory_space<vmem>>, vector<16xf32>,
        %add3A_256 = arith.constant 2048 : i32
        %add3A_257 = arith.addi %add3A_236, %add3A_256 : i32
        %get3A_258 = arith.index_cast %add3A_257 : i32 to index
        %get3A_259 = tpu.vector_load %arg5[%get3A_258] {strides = array<i32>} : memref<3088xf32, #tpu.memory_space<vmem>>, vector<16xf32>,
        %add3A_260 = arith.constant 2048 : i32
        %add3A_261 = arith.addi %add3A_236, %add3A_260 : i32
        %add3A_262 = arith.constant 16 : i32
        %add3A_263 = arith.addi %add3A_261, %add3A_262 : i32
        %get3A_264 = arith.index_cast %add3A_263 : i32 to index
        %get3A_265 = tpu.vector_load %arg5[%get3A_264] {strides = array<i32>} : memref<3088xf32, #tpu.memory_space<vmem>>, vector<16xf32>,
        %sub3A_266 = arith.subf %gather3A, %get3A_241 : vector<16xf32>
        %abs3A = math.absf %sub3A_266 : vector<16xf32>
        %sub3A_267 = arith.constant 1.000000e+00 : f32
        %sub3A_268 = vector.broadcast %sub3A_267 : f32 to vector<16xf32>
        %sub3A_269 = arith.subf %sub3A_268, %abs3A : vector<16xf32>
        %mul3A_270 = arith.mulf %abs3A, %abs3A : vector<16xf32>
        %mul3A_271 = arith.mulf %sub3A_269, %sub3A_269 : vector<16xf32>
        %min3A = arith.minimumf %mul3A_270, %mul3A_271 : vector<16xf32>
        %sub3A_272 = arith.subf %gather3A_175, %get3A_249 : vector<16xf32>
        %abs3A_273 = math.absf %sub3A_272 : vector<16xf32>
        %sub3A_274 = arith.constant 1.000000e+00 : f32
        %sub3A_275 = vector.broadcast %sub3A_274 : f32 to vector<16xf32>
        %sub3A_276 = arith.subf %sub3A_275, %abs3A_273 : vector<16xf32>
        %mul3A_277 = arith.mulf %abs3A_273, %abs3A_273 : vector<16xf32>
        %mul3A_278 = arith.mulf %sub3A_276, %sub3A_276 : vector<16xf32>
        %min3A_279 = arith.minimumf %mul3A_277, %mul3A_278 : vector<16xf32>
        %add3A_280 = arith.addf %min3A, %min3A_279 : vector<16xf32>
        %sub3A_281 = arith.subf %gather3A_179, %get3A_259 : vector<16xf32>
        %abs3A_282 = math.absf %sub3A_281 : vector<16xf32>
        %sub3A_283 = arith.constant 1.000000e+00 : f32
        %sub3A_284 = vector.broadcast %sub3A_283 : f32 to vector<16xf32>
        %sub3A_285 = arith.subf %sub3A_284, %abs3A_282 : vector<16xf32>
        %mul3A_286 = arith.mulf %abs3A_282, %abs3A_282 : vector<16xf32>
        %mul3A_287 = arith.mulf %sub3A_285, %sub3A_285 : vector<16xf32>
        %min3A_288 = arith.minimumf %mul3A_286, %mul3A_287 : vector<16xf32>
        %add3A_289 = arith.addf %add3A_280, %min3A_288 : vector<16xf32>
        %sub3A_290 = arith.subf %gather3A, %get3A_245 : vector<16xf32>
        %abs3A_291 = math.absf %sub3A_290 : vector<16xf32>
        %sub3A_292 = arith.constant 1.000000e+00 : f32
        %sub3A_293 = vector.broadcast %sub3A_292 : f32 to vector<16xf32>
        %sub3A_294 = arith.subf %sub3A_293, %abs3A_291 : vector<16xf32>
        %mul3A_295 = arith.mulf %abs3A_291, %abs3A_291 : vector<16xf32>
        %mul3A_296 = arith.mulf %sub3A_294, %sub3A_294 : vector<16xf32>
        %min3A_297 = arith.minimumf %mul3A_295, %mul3A_296 : vector<16xf32>
        %sub3A_298 = arith.subf %gather3A_175, %get3A_255 : vector<16xf32>
        %abs3A_299 = math.absf %sub3A_298 : vector<16xf32>
        %sub3A_300 = arith.constant 1.000000e+00 : f32
        %sub3A_301 = vector.broadcast %sub3A_300 : f32 to vector<16xf32>
        %sub3A_302 = arith.subf %sub3A_301, %abs3A_299 : vector<16xf32>
        %mul3A_303 = arith.mulf %abs3A_299, %abs3A_299 : vector<16xf32>
        %mul3A_304 = arith.mulf %sub3A_302, %sub3A_302 : vector<16xf32>
        %min3A_305 = arith.minimumf %mul3A_303, %mul3A_304 : vector<16xf32>
        %add3A_306 = arith.addf %min3A_297, %min3A_305 : vector<16xf32>
        %sub3A_307 = arith.subf %gather3A_179, %get3A_265 : vector<16xf32>
        %abs3A_308 = math.absf %sub3A_307 : vector<16xf32>
        %sub3A_309 = arith.constant 1.000000e+00 : f32
        %sub3A_310 = vector.broadcast %sub3A_309 : f32 to vector<16xf32>
        %sub3A_311 = arith.subf %sub3A_310, %abs3A_308 : vector<16xf32>
        %mul3A_312 = arith.mulf %abs3A_308, %abs3A_308 : vector<16xf32>
        %mul3A_313 = arith.mulf %sub3A_311, %sub3A_311 : vector<16xf32>
        %min3A_314 = arith.minimumf %mul3A_312, %mul3A_313 : vector<16xf32>
        %add3A_315 = arith.addf %add3A_306, %min3A_314 : vector<16xf32>
        %sub3A_316 = arith.subf %gather3A_184, %get3A_241 : vector<16xf32>
        %abs3A_317 = math.absf %sub3A_316 : vector<16xf32>
        %sub3A_318 = arith.constant 1.000000e+00 : f32
        %sub3A_319 = vector.broadcast %sub3A_318 : f32 to vector<16xf32>
        %sub3A_320 = arith.subf %sub3A_319, %abs3A_317 : vector<16xf32>
        %mul3A_321 = arith.mulf %abs3A_317, %abs3A_317 : vector<16xf32>
        %mul3A_322 = arith.mulf %sub3A_320, %sub3A_320 : vector<16xf32>
        %min3A_323 = arith.minimumf %mul3A_321, %mul3A_322 : vector<16xf32>
        %sub3A_324 = arith.subf %gather3A_188, %get3A_249 : vector<16xf32>
        %abs3A_325 = math.absf %sub3A_324 : vector<16xf32>
        %sub3A_326 = arith.constant 1.000000e+00 : f32
        %sub3A_327 = vector.broadcast %sub3A_326 : f32 to vector<16xf32>
        %sub3A_328 = arith.subf %sub3A_327, %abs3A_325 : vector<16xf32>
        %mul3A_329 = arith.mulf %abs3A_325, %abs3A_325 : vector<16xf32>
        %mul3A_330 = arith.mulf %sub3A_328, %sub3A_328 : vector<16xf32>
        %min3A_331 = arith.minimumf %mul3A_329, %mul3A_330 : vector<16xf32>
        %add3A_332 = arith.addf %min3A_323, %min3A_331 : vector<16xf32>
        %sub3A_333 = arith.subf %gather3A_192, %get3A_259 : vector<16xf32>
        %abs3A_334 = math.absf %sub3A_333 : vector<16xf32>
        %sub3A_335 = arith.constant 1.000000e+00 : f32
        %sub3A_336 = vector.broadcast %sub3A_335 : f32 to vector<16xf32>
        %sub3A_337 = arith.subf %sub3A_336, %abs3A_334 : vector<16xf32>
        %mul3A_338 = arith.mulf %abs3A_334, %abs3A_334 : vector<16xf32>
        %mul3A_339 = arith.mulf %sub3A_337, %sub3A_337 : vector<16xf32>
        %min3A_340 = arith.minimumf %mul3A_338, %mul3A_339 : vector<16xf32>
        %add3A_341 = arith.addf %add3A_332, %min3A_340 : vector<16xf32>
        %sub3A_342 = arith.subf %gather3A_184, %get3A_245 : vector<16xf32>
        %abs3A_343 = math.absf %sub3A_342 : vector<16xf32>
        %sub3A_344 = arith.constant 1.000000e+00 : f32
        %sub3A_345 = vector.broadcast %sub3A_344 : f32 to vector<16xf32>
        %sub3A_346 = arith.subf %sub3A_345, %abs3A_343 : vector<16xf32>
        %mul3A_347 = arith.mulf %abs3A_343, %abs3A_343 : vector<16xf32>
        %mul3A_348 = arith.mulf %sub3A_346, %sub3A_346 : vector<16xf32>
        %min3A_349 = arith.minimumf %mul3A_347, %mul3A_348 : vector<16xf32>
        %sub3A_350 = arith.subf %gather3A_188, %get3A_255 : vector<16xf32>
        %abs3A_351 = math.absf %sub3A_350 : vector<16xf32>
        %sub3A_352 = arith.constant 1.000000e+00 : f32
        %sub3A_353 = vector.broadcast %sub3A_352 : f32 to vector<16xf32>
        %sub3A_354 = arith.subf %sub3A_353, %abs3A_351 : vector<16xf32>
        %mul3A_355 = arith.mulf %abs3A_351, %abs3A_351 : vector<16xf32>
        %mul3A_356 = arith.mulf %sub3A_354, %sub3A_354 : vector<16xf32>
        %min3A_357 = arith.minimumf %mul3A_355, %mul3A_356 : vector<16xf32>
        %add3A_358 = arith.addf %min3A_349, %min3A_357 : vector<16xf32>
        %sub3A_359 = arith.subf %gather3A_192, %get3A_265 : vector<16xf32>
        %abs3A_360 = math.absf %sub3A_359 : vector<16xf32>
        %sub3A_361 = arith.constant 1.000000e+00 : f32
        %sub3A_362 = vector.broadcast %sub3A_361 : f32 to vector<16xf32>
        %sub3A_363 = arith.subf %sub3A_362, %abs3A_360 : vector<16xf32>
        %mul3A_364 = arith.mulf %abs3A_360, %abs3A_360 : vector<16xf32>
        %mul3A_365 = arith.mulf %sub3A_363, %sub3A_363 : vector<16xf32>
        %min3A_366 = arith.minimumf %mul3A_364, %mul3A_365 : vector<16xf32>
        %add3A_367 = arith.addf %add3A_358, %min3A_366 : vector<16xf32>
        %lt3A = arith.constant 0.132598966 : f32
        %lt3A_368 = vector.broadcast %lt3A : f32 to vector<16xf32>
        %lt3A_369 = arith.cmpf olt, %add3A_289, %lt3A_368 : vector<16xf32>
        %ne3A_370 = arith.constant 0.000000e+00 : f32
        %ne3A_371 = vector.broadcast %ne3A_370 : f32 to vector<16xf32>
        %ne3A_372 = arith.cmpf one, %add3A_289, %ne3A_371 : vector<16xf32>
        %and3A_373 = arith.andi %lt3A_369, %ne3A_372 : vector<16xi1>
        %lt3A_374 = vector.broadcast %add3A_165 : i32 to vector<16xi32>
        %lt3A_375 = arith.cmpi slt, %add3A_240, %lt3A_374 : vector<16xi32>
        %and3A_376 = arith.andi %and3A_373, %lt3A_375 : vector<16xi1>
        %lt3A_377 = arith.constant 0.132598966 : f32
        %lt3A_378 = vector.broadcast %lt3A_377 : f32 to vector<16xf32>
        %lt3A_379 = arith.cmpf olt, %add3A_315, %lt3A_378 : vector<16xf32>
        %ne3A_380 = arith.constant 0.000000e+00 : f32
        %ne3A_381 = vector.broadcast %ne3A_380 : f32 to vector<16xf32>
        %ne3A_382 = arith.cmpf one, %add3A_315, %ne3A_381 : vector<16xf32>
        %and3A_383 = arith.andi %lt3A_379, %ne3A_382 : vector<16xi1>
        %add3A_384 = arith.constant 16 : i32
        %add3A_385 = vector.broadcast %add3A_384 : i32 to vector<16xi32>
        %add3A_386 = arith.addi %add3A_240, %add3A_385 : vector<16xi32>
        %lt3A_387 = vector.broadcast %add3A_165 : i32 to vector<16xi32>
        %lt3A_388 = arith.cmpi slt, %add3A_386, %lt3A_387 : vector<16xi32>
        %and3A_389 = arith.andi %and3A_383, %lt3A_388 : vector<16xi1>
        %lt3A_390 = arith.constant 0.132598966 : f32
        %lt3A_391 = vector.broadcast %lt3A_390 : f32 to vector<16xf32>
        %lt3A_392 = arith.cmpf olt, %add3A_341, %lt3A_391 : vector<16xf32>
        %ne3A_393 = arith.constant 0.000000e+00 : f32
        %ne3A_394 = vector.broadcast %ne3A_393 : f32 to vector<16xf32>
        %ne3A_395 = arith.cmpf one, %add3A_341, %ne3A_394 : vector<16xf32>
        %and3A_396 = arith.andi %lt3A_392, %ne3A_395 : vector<16xi1>
        %lt3A_397 = vector.broadcast %add3A_167 : i32 to vector<16xi32>
        %lt3A_398 = arith.cmpi slt, %add3A_240, %lt3A_397 : vector<16xi32>
        %and3A_399 = arith.andi %and3A_396, %lt3A_398 : vector<16xi1>
        %and3A_400 = vector.broadcast %le3A_168 : i1 to vector<16xi1>
        %and3A_401 = arith.andi %and3A_399, %and3A_400 : vector<16xi1>
        %lt3A_402 = arith.constant 0.132598966 : f32
        %lt3A_403 = vector.broadcast %lt3A_402 : f32 to vector<16xf32>
        %lt3A_404 = arith.cmpf olt, %add3A_367, %lt3A_403 : vector<16xf32>
        %ne3A_405 = arith.constant 0.000000e+00 : f32
        %ne3A_406 = vector.broadcast %ne3A_405 : f32 to vector<16xf32>
        %ne3A_407 = arith.cmpf one, %add3A_367, %ne3A_406 : vector<16xf32>
        %and3A_408 = arith.andi %lt3A_404, %ne3A_407 : vector<16xi1>
        %add3A_409 = arith.constant 16 : i32
        %add3A_410 = vector.broadcast %add3A_409 : i32 to vector<16xi32>
        %add3A_411 = arith.addi %add3A_240, %add3A_410 : vector<16xi32>
        %lt3A_412 = vector.broadcast %add3A_167 : i32 to vector<16xi32>
        %lt3A_413 = arith.cmpi slt, %add3A_411, %lt3A_412 : vector<16xi32>
        %and3A_414 = arith.andi %and3A_408, %lt3A_413 : vector<16xi1>
        %and3A_415 = vector.broadcast %le3A_168 : i1 to vector<16xi1>
        %and3A_416 = arith.andi %and3A_414, %and3A_415 : vector<16xi1>
        %add3A_417 = arith.addi %mul3A_20, %while3A_232 : vector<16xi32>
        tpu.vector_store_idx %arg6[%add3A_417], %add3A_289 masked %and3A_376 : memref<8704xf32, #tpu.memory_space<vmem>>[vector<16xi32>], vector<16xf32>, vector<16xi1>
        %convert_element_type3A = arith.extui %and3A_376 : vector<16xi1> to vector<16xi32>
        %add3A_418 = arith.addi %while3A_232, %convert_element_type3A : vector<16xi32>
        %add3A_419 = arith.addi %mul3A_20, %add3A_418 : vector<16xi32>
        tpu.vector_store_idx %arg6[%add3A_419], %add3A_315 masked %and3A_389 : memref<8704xf32, #tpu.memory_space<vmem>>[vector<16xi32>], vector<16xf32>, vector<16xi1>
        %convert_element_type3A_420 = arith.extui %and3A_389 : vector<16xi1> to vector<16xi32>
        %add3A_421 = arith.addi %add3A_418, %convert_element_type3A_420 : vector<16xi32>
        %add3A_422 = arith.addi %mul3A_20, %add3A_421 : vector<16xi32>
        tpu.vector_store_idx %arg6[%add3A_422], %add3A_341 masked %and3A_401 : memref<8704xf32, #tpu.memory_space<vmem>>[vector<16xi32>], vector<16xf32>, vector<16xi1>
        %convert_element_type3A_423 = arith.extui %and3A_401 : vector<16xi1> to vector<16xi32>
        %add3A_424 = arith.addi %add3A_421, %convert_element_type3A_423 : vector<16xi32>
        %add3A_425 = arith.addi %mul3A_20, %add3A_424 : vector<16xi32>
        tpu.vector_store_idx %arg6[%add3A_425], %add3A_367 masked %and3A_416 : memref<8704xf32, #tpu.memory_space<vmem>>[vector<16xi32>], vector<16xf32>, vector<16xi1>
        %convert_element_type3A_426 = arith.extui %and3A_416 : vector<16xi1> to vector<16xi32>
        %add3A_427 = arith.addi %add3A_424, %convert_element_type3A_426 : vector<16xi32>
        scf.yield %add3A_427 : vector<16xi32>
      }
      %while3A_229 = arith.constant 1 : i32
      %while3A_230 = scf.for %while3A_231 = %while3A_226 to %while3A_222 step %while3A_229 iter_args(%while3A_232 = %while3A_228) -> (vector<16xi32>)  : i32 {
        %mul3A_233 = arith.constant 32 : i32
        %mul3A_234 = arith.muli %while3A_231, %mul3A_233 : i32
        %add3A_235 = arith.constant 0 : i32
        %add3A_236 = arith.addi %add3A_235, %mul3A_234 : i32
        %mul3A_237 = arith.constant 32 : i32
        %mul3A_238 = arith.muli %while3A_231, %mul3A_237 : i32
        %add3A_239 = vector.broadcast %mul3A_238 : i32 to vector<16xi32>
        %add3A_240 = arith.addi %add3A_239, %iota3A : vector<16xi32>
        %get3A = arith.index_cast %add3A_236 : i32 to index
        %get3A_241 = tpu.vector_load %arg5[%get3A] {strides = array<i32>} : memref<3088xf32, #tpu.memory_space<vmem>>, vector<16xf32>,
        %add3A_242 = arith.constant 16 : i32
        %add3A_243 = arith.addi %add3A_236, %add3A_242 : i32
        %get3A_244 = arith.index_cast %add3A_243 : i32 to index
        %get3A_245 = tpu.vector_load %arg5[%get3A_244] {strides = array<i32>} : memref<3088xf32, #tpu.memory_space<vmem>>, vector<16xf32>,
        %add3A_246 = arith.constant 1024 : i32
        %add3A_247 = arith.addi %add3A_236, %add3A_246 : i32
        %get3A_248 = arith.index_cast %add3A_247 : i32 to index
        %get3A_249 = tpu.vector_load %arg5[%get3A_248] {strides = array<i32>} : memref<3088xf32, #tpu.memory_space<vmem>>, vector<16xf32>,
        %add3A_250 = arith.constant 1024 : i32
        %add3A_251 = arith.addi %add3A_236, %add3A_250 : i32
        %add3A_252 = arith.constant 16 : i32
        %add3A_253 = arith.addi %add3A_251, %add3A_252 : i32
        %get3A_254 = arith.index_cast %add3A_253 : i32 to index
        %get3A_255 = tpu.vector_load %arg5[%get3A_254] {strides = array<i32>} : memref<3088xf32, #tpu.memory_space<vmem>>, vector<16xf32>,
        %add3A_256 = arith.constant 2048 : i32
        %add3A_257 = arith.addi %add3A_236, %add3A_256 : i32
        %get3A_258 = arith.index_cast %add3A_257 : i32 to index
        %get3A_259 = tpu.vector_load %arg5[%get3A_258] {strides = array<i32>} : memref<3088xf32, #tpu.memory_space<vmem>>, vector<16xf32>,
        %add3A_260 = arith.constant 2048 : i32
        %add3A_261 = arith.addi %add3A_236, %add3A_260 : i32
        %add3A_262 = arith.constant 16 : i32
        %add3A_263 = arith.addi %add3A_261, %add3A_262 : i32
        %get3A_264 = arith.index_cast %add3A_263 : i32 to index
        %get3A_265 = tpu.vector_load %arg5[%get3A_264] {strides = array<i32>} : memref<3088xf32, #tpu.memory_space<vmem>>, vector<16xf32>,
        %sub3A_266 = arith.subf %gather3A, %get3A_241 : vector<16xf32>
        %abs3A = math.absf %sub3A_266 : vector<16xf32>
        %sub3A_267 = arith.constant 1.000000e+00 : f32
        %sub3A_268 = vector.broadcast %sub3A_267 : f32 to vector<16xf32>
        %sub3A_269 = arith.subf %sub3A_268, %abs3A : vector<16xf32>
        %mul3A_270 = arith.mulf %abs3A, %abs3A : vector<16xf32>
        %mul3A_271 = arith.mulf %sub3A_269, %sub3A_269 : vector<16xf32>
        %min3A = arith.minimumf %mul3A_270, %mul3A_271 : vector<16xf32>
        %sub3A_272 = arith.subf %gather3A_175, %get3A_249 : vector<16xf32>
        %abs3A_273 = math.absf %sub3A_272 : vector<16xf32>
        %sub3A_274 = arith.constant 1.000000e+00 : f32
        %sub3A_275 = vector.broadcast %sub3A_274 : f32 to vector<16xf32>
        %sub3A_276 = arith.subf %sub3A_275, %abs3A_273 : vector<16xf32>
        %mul3A_277 = arith.mulf %abs3A_273, %abs3A_273 : vector<16xf32>
        %mul3A_278 = arith.mulf %sub3A_276, %sub3A_276 : vector<16xf32>
        %min3A_279 = arith.minimumf %mul3A_277, %mul3A_278 : vector<16xf32>
        %add3A_280 = arith.addf %min3A, %min3A_279 : vector<16xf32>
        %sub3A_281 = arith.subf %gather3A_179, %get3A_259 : vector<16xf32>
        %abs3A_282 = math.absf %sub3A_281 : vector<16xf32>
        %sub3A_283 = arith.constant 1.000000e+00 : f32
        %sub3A_284 = vector.broadcast %sub3A_283 : f32 to vector<16xf32>
        %sub3A_285 = arith.subf %sub3A_284, %abs3A_282 : vector<16xf32>
        %mul3A_286 = arith.mulf %abs3A_282, %abs3A_282 : vector<16xf32>
        %mul3A_287 = arith.mulf %sub3A_285, %sub3A_285 : vector<16xf32>
        %min3A_288 = arith.minimumf %mul3A_286, %mul3A_287 : vector<16xf32>
        %add3A_289 = arith.addf %add3A_280, %min3A_288 : vector<16xf32>
        %sub3A_290 = arith.subf %gather3A, %get3A_245 : vector<16xf32>
        %abs3A_291 = math.absf %sub3A_290 : vector<16xf32>
        %sub3A_292 = arith.constant 1.000000e+00 : f32
        %sub3A_293 = vector.broadcast %sub3A_292 : f32 to vector<16xf32>
        %sub3A_294 = arith.subf %sub3A_293, %abs3A_291 : vector<16xf32>
        %mul3A_295 = arith.mulf %abs3A_291, %abs3A_291 : vector<16xf32>
        %mul3A_296 = arith.mulf %sub3A_294, %sub3A_294 : vector<16xf32>
        %min3A_297 = arith.minimumf %mul3A_295, %mul3A_296 : vector<16xf32>
        %sub3A_298 = arith.subf %gather3A_175, %get3A_255 : vector<16xf32>
        %abs3A_299 = math.absf %sub3A_298 : vector<16xf32>
        %sub3A_300 = arith.constant 1.000000e+00 : f32
        %sub3A_301 = vector.broadcast %sub3A_300 : f32 to vector<16xf32>
        %sub3A_302 = arith.subf %sub3A_301, %abs3A_299 : vector<16xf32>
        %mul3A_303 = arith.mulf %abs3A_299, %abs3A_299 : vector<16xf32>
        %mul3A_304 = arith.mulf %sub3A_302, %sub3A_302 : vector<16xf32>
        %min3A_305 = arith.minimumf %mul3A_303, %mul3A_304 : vector<16xf32>
        %add3A_306 = arith.addf %min3A_297, %min3A_305 : vector<16xf32>
        %sub3A_307 = arith.subf %gather3A_179, %get3A_265 : vector<16xf32>
        %abs3A_308 = math.absf %sub3A_307 : vector<16xf32>
        %sub3A_309 = arith.constant 1.000000e+00 : f32
        %sub3A_310 = vector.broadcast %sub3A_309 : f32 to vector<16xf32>
        %sub3A_311 = arith.subf %sub3A_310, %abs3A_308 : vector<16xf32>
        %mul3A_312 = arith.mulf %abs3A_308, %abs3A_308 : vector<16xf32>
        %mul3A_313 = arith.mulf %sub3A_311, %sub3A_311 : vector<16xf32>
        %min3A_314 = arith.minimumf %mul3A_312, %mul3A_313 : vector<16xf32>
        %add3A_315 = arith.addf %add3A_306, %min3A_314 : vector<16xf32>
        %sub3A_316 = arith.subf %gather3A_184, %get3A_241 : vector<16xf32>
        %abs3A_317 = math.absf %sub3A_316 : vector<16xf32>
        %sub3A_318 = arith.constant 1.000000e+00 : f32
        %sub3A_319 = vector.broadcast %sub3A_318 : f32 to vector<16xf32>
        %sub3A_320 = arith.subf %sub3A_319, %abs3A_317 : vector<16xf32>
        %mul3A_321 = arith.mulf %abs3A_317, %abs3A_317 : vector<16xf32>
        %mul3A_322 = arith.mulf %sub3A_320, %sub3A_320 : vector<16xf32>
        %min3A_323 = arith.minimumf %mul3A_321, %mul3A_322 : vector<16xf32>
        %sub3A_324 = arith.subf %gather3A_188, %get3A_249 : vector<16xf32>
        %abs3A_325 = math.absf %sub3A_324 : vector<16xf32>
        %sub3A_326 = arith.constant 1.000000e+00 : f32
        %sub3A_327 = vector.broadcast %sub3A_326 : f32 to vector<16xf32>
        %sub3A_328 = arith.subf %sub3A_327, %abs3A_325 : vector<16xf32>
        %mul3A_329 = arith.mulf %abs3A_325, %abs3A_325 : vector<16xf32>
        %mul3A_330 = arith.mulf %sub3A_328, %sub3A_328 : vector<16xf32>
        %min3A_331 = arith.minimumf %mul3A_329, %mul3A_330 : vector<16xf32>
        %add3A_332 = arith.addf %min3A_323, %min3A_331 : vector<16xf32>
        %sub3A_333 = arith.subf %gather3A_192, %get3A_259 : vector<16xf32>
        %abs3A_334 = math.absf %sub3A_333 : vector<16xf32>
        %sub3A_335 = arith.constant 1.000000e+00 : f32
        %sub3A_336 = vector.broadcast %sub3A_335 : f32 to vector<16xf32>
        %sub3A_337 = arith.subf %sub3A_336, %abs3A_334 : vector<16xf32>
        %mul3A_338 = arith.mulf %abs3A_334, %abs3A_334 : vector<16xf32>
        %mul3A_339 = arith.mulf %sub3A_337, %sub3A_337 : vector<16xf32>
        %min3A_340 = arith.minimumf %mul3A_338, %mul3A_339 : vector<16xf32>
        %add3A_341 = arith.addf %add3A_332, %min3A_340 : vector<16xf32>
        %sub3A_342 = arith.subf %gather3A_184, %get3A_245 : vector<16xf32>
        %abs3A_343 = math.absf %sub3A_342 : vector<16xf32>
        %sub3A_344 = arith.constant 1.000000e+00 : f32
        %sub3A_345 = vector.broadcast %sub3A_344 : f32 to vector<16xf32>
        %sub3A_346 = arith.subf %sub3A_345, %abs3A_343 : vector<16xf32>
        %mul3A_347 = arith.mulf %abs3A_343, %abs3A_343 : vector<16xf32>
        %mul3A_348 = arith.mulf %sub3A_346, %sub3A_346 : vector<16xf32>
        %min3A_349 = arith.minimumf %mul3A_347, %mul3A_348 : vector<16xf32>
        %sub3A_350 = arith.subf %gather3A_188, %get3A_255 : vector<16xf32>
        %abs3A_351 = math.absf %sub3A_350 : vector<16xf32>
        %sub3A_352 = arith.constant 1.000000e+00 : f32
        %sub3A_353 = vector.broadcast %sub3A_352 : f32 to vector<16xf32>
        %sub3A_354 = arith.subf %sub3A_353, %abs3A_351 : vector<16xf32>
        %mul3A_355 = arith.mulf %abs3A_351, %abs3A_351 : vector<16xf32>
        %mul3A_356 = arith.mulf %sub3A_354, %sub3A_354 : vector<16xf32>
        %min3A_357 = arith.minimumf %mul3A_355, %mul3A_356 : vector<16xf32>
        %add3A_358 = arith.addf %min3A_349, %min3A_357 : vector<16xf32>
        %sub3A_359 = arith.subf %gather3A_192, %get3A_265 : vector<16xf32>
        %abs3A_360 = math.absf %sub3A_359 : vector<16xf32>
        %sub3A_361 = arith.constant 1.000000e+00 : f32
        %sub3A_362 = vector.broadcast %sub3A_361 : f32 to vector<16xf32>
        %sub3A_363 = arith.subf %sub3A_362, %abs3A_360 : vector<16xf32>
        %mul3A_364 = arith.mulf %abs3A_360, %abs3A_360 : vector<16xf32>
        %mul3A_365 = arith.mulf %sub3A_363, %sub3A_363 : vector<16xf32>
        %min3A_366 = arith.minimumf %mul3A_364, %mul3A_365 : vector<16xf32>
        %add3A_367 = arith.addf %add3A_358, %min3A_366 : vector<16xf32>
        %lt3A = arith.constant 0.132598966 : f32
        %lt3A_368 = vector.broadcast %lt3A : f32 to vector<16xf32>
        %lt3A_369 = arith.cmpf olt, %add3A_289, %lt3A_368 : vector<16xf32>
        %ne3A_370 = arith.constant 0.000000e+00 : f32
        %ne3A_371 = vector.broadcast %ne3A_370 : f32 to vector<16xf32>
        %ne3A_372 = arith.cmpf one, %add3A_289, %ne3A_371 : vector<16xf32>
        %and3A_373 = arith.andi %lt3A_369, %ne3A_372 : vector<16xi1>
        %lt3A_374 = vector.broadcast %add3A_165 : i32 to vector<16xi32>
        %lt3A_375 = arith.cmpi slt, %add3A_240, %lt3A_374 : vector<16xi32>
        %and3A_376 = arith.andi %and3A_373, %lt3A_375 : vector<16xi1>
        %lt3A_377 = arith.constant 0.132598966 : f32
        %lt3A_378 = vector.broadcast %lt3A_377 : f32 to vector<16xf32>
        %lt3A_379 = arith.cmpf olt, %add3A_315, %lt3A_378 : vector<16xf32>
        %ne3A_380 = arith.constant 0.000000e+00 : f32
        %ne3A_381 = vector.broadcast %ne3A_380 : f32 to vector<16xf32>
        %ne3A_382 = arith.cmpf one, %add3A_315, %ne3A_381 : vector<16xf32>
        %and3A_383 = arith.andi %lt3A_379, %ne3A_382 : vector<16xi1>
        %add3A_384 = arith.constant 16 : i32
        %add3A_385 = vector.broadcast %add3A_384 : i32 to vector<16xi32>
        %add3A_386 = arith.addi %add3A_240, %add3A_385 : vector<16xi32>
        %lt3A_387 = vector.broadcast %add3A_165 : i32 to vector<16xi32>
        %lt3A_388 = arith.cmpi slt, %add3A_386, %lt3A_387 : vector<16xi32>
        %and3A_389 = arith.andi %and3A_383, %lt3A_388 : vector<16xi1>
        %lt3A_390 = arith.constant 0.132598966 : f32
        %lt3A_391 = vector.broadcast %lt3A_390 : f32 to vector<16xf32>
        %lt3A_392 = arith.cmpf olt, %add3A_341, %lt3A_391 : vector<16xf32>
        %ne3A_393 = arith.constant 0.000000e+00 : f32
        %ne3A_394 = vector.broadcast %ne3A_393 : f32 to vector<16xf32>
        %ne3A_395 = arith.cmpf one, %add3A_341, %ne3A_394 : vector<16xf32>
        %and3A_396 = arith.andi %lt3A_392, %ne3A_395 : vector<16xi1>
        %lt3A_397 = vector.broadcast %add3A_167 : i32 to vector<16xi32>
        %lt3A_398 = arith.cmpi slt, %add3A_240, %lt3A_397 : vector<16xi32>
        %and3A_399 = arith.andi %and3A_396, %lt3A_398 : vector<16xi1>
        %and3A_400 = vector.broadcast %le3A_168 : i1 to vector<16xi1>
        %and3A_401 = arith.andi %and3A_399, %and3A_400 : vector<16xi1>
        %lt3A_402 = arith.constant 0.132598966 : f32
        %lt3A_403 = vector.broadcast %lt3A_402 : f32 to vector<16xf32>
        %lt3A_404 = arith.cmpf olt, %add3A_367, %lt3A_403 : vector<16xf32>
        %ne3A_405 = arith.constant 0.000000e+00 : f32
        %ne3A_406 = vector.broadcast %ne3A_405 : f32 to vector<16xf32>
        %ne3A_407 = arith.cmpf one, %add3A_367, %ne3A_406 : vector<16xf32>
        %and3A_408 = arith.andi %lt3A_404, %ne3A_407 : vector<16xi1>
        %add3A_409 = arith.constant 16 : i32
        %add3A_410 = vector.broadcast %add3A_409 : i32 to vector<16xi32>
        %add3A_411 = arith.addi %add3A_240, %add3A_410 : vector<16xi32>
        %lt3A_412 = vector.broadcast %add3A_167 : i32 to vector<16xi32>
        %lt3A_413 = arith.cmpi slt, %add3A_411, %lt3A_412 : vector<16xi32>
        %and3A_414 = arith.andi %and3A_408, %lt3A_413 : vector<16xi1>
        %and3A_415 = vector.broadcast %le3A_168 : i1 to vector<16xi1>
        %and3A_416 = arith.andi %and3A_414, %and3A_415 : vector<16xi1>
        %add3A_417 = arith.addi %mul3A_20, %while3A_232 : vector<16xi32>
        tpu.vector_store_idx %arg6[%add3A_417], %add3A_289 masked %and3A_376 : memref<8704xf32, #tpu.memory_space<vmem>>[vector<16xi32>], vector<16xf32>, vector<16xi1>
        %convert_element_type3A = arith.extui %and3A_376 : vector<16xi1> to vector<16xi32>
        %add3A_418 = arith.addi %while3A_232, %convert_element_type3A : vector<16xi32>
        %add3A_419 = arith.addi %mul3A_20, %add3A_418 : vector<16xi32>
        tpu.vector_store_idx %arg6[%add3A_419], %add3A_315 masked %and3A_389 : memref<8704xf32, #tpu.memory_space<vmem>>[vector<16xi32>], vector<16xf32>, vector<16xi1>
        %convert_element_type3A_420 = arith.extui %and3A_389 : vector<16xi1> to vector<16xi32>
        %add3A_421 = arith.addi %add3A_418, %convert_element_type3A_420 : vector<16xi32>
        %add3A_422 = arith.addi %mul3A_20, %add3A_421 : vector<16xi32>
        tpu.vector_store_idx %arg6[%add3A_422], %add3A_341 masked %and3A_401 : memref<8704xf32, #tpu.memory_space<vmem>>[vector<16xi32>], vector<16xf32>, vector<16xi1>
        %convert_element_type3A_423 = arith.extui %and3A_401 : vector<16xi1> to vector<16xi32>
        %add3A_424 = arith.addi %add3A_421, %convert_element_type3A_423 : vector<16xi32>
        %add3A_425 = arith.addi %mul3A_20, %add3A_424 : vector<16xi32>
        tpu.vector_store_idx %arg6[%add3A_425], %add3A_367 masked %and3A_416 : memref<8704xf32, #tpu.memory_space<vmem>>[vector<16xi32>], vector<16xf32>, vector<16xi1>
        %convert_element_type3A_426 = arith.extui %and3A_416 : vector<16xi1> to vector<16xi32>
        %add3A_427 = arith.addi %add3A_424, %convert_element_type3A_426 : vector<16xi32>
        scf.yield %add3A_427 : vector<16xi32>
      }
      scf.yield %while3A_230 : vector<16xi32>
    }
    %while3A_77 = arith.constant 1 : i32
    %while3A_78 = scf.for %while3A_161 = %while3A_74 to %while3A_70 step %while3A_77 iter_args(%while3A_162 = %while3A_76) -> (vector<16xi32>)  : i32 {
      %mul3A_163 = arith.constant 64 : i32
      %mul3A_164 = arith.muli %mul3A_163, %while3A_161 : i32
      %add3A_165 = arith.addi %add3A, %mul3A_164 : i32
      %add3A_166 = arith.constant 32 : i32
      %add3A_167 = arith.addi %add3A_165, %add3A_166 : i32
      %le3A = arith.constant 499 : i32
      %le3A_168 = arith.cmpi sle, %add3A_167, %le3A : i32
      %add3A_169 = arith.constant 0 : i32
      %add3A_170 = arith.addi %add3A_169, %add3A_165 : i32
      %broadcast_in_dim3A_171 = vector.broadcast %add3A_170 : i32 to vector<16xi32>
      %gather3A = tpu.vector_load_idx %arg5[%broadcast_in_dim3A_171] : memref<3088xf32, #tpu.memory_space<vmem>>[vector<16xi32>], vector<16xf32>,
      %add3A_172 = arith.constant 1024 : i32
      %add3A_173 = vector.broadcast %add3A_172 : i32 to vector<16xi32>
      %add3A_174 = arith.addi %broadcast_in_dim3A_171, %add3A_173 : vector<16xi32>
      %gather3A_175 = tpu.vector_load_idx %arg5[%add3A_174] : memref<3088xf32, #tpu.memory_space<vmem>>[vector<16xi32>], vector<16xf32>,
      %add3A_176 = arith.constant 2048 : i32
      %add3A_177 = vector.broadcast %add3A_176 : i32 to vector<16xi32>
      %add3A_178 = arith.addi %broadcast_in_dim3A_171, %add3A_177 : vector<16xi32>
      %gather3A_179 = tpu.vector_load_idx %arg5[%add3A_178] : memref<3088xf32, #tpu.memory_space<vmem>>[vector<16xi32>], vector<16xf32>,
      %select_n3A_180 = arith.select %le3A_168, %add3A_167, %add3A_165 : i32
      %add3A_181 = arith.constant 0 : i32
      %add3A_182 = arith.addi %add3A_181, %select_n3A_180 : i32
      %broadcast_in_dim3A_183 = vector.broadcast %add3A_182 : i32 to vector<16xi32>
      %gather3A_184 = tpu.vector_load_idx %arg5[%broadcast_in_dim3A_183] : memref<3088xf32, #tpu.memory_space<vmem>>[vector<16xi32>], vector<16xf32>,
      %add3A_185 = arith.constant 1024 : i32
      %add3A_186 = vector.broadcast %add3A_185 : i32 to vector<16xi32>
      %add3A_187 = arith.addi %broadcast_in_dim3A_183, %add3A_186 : vector<16xi32>
      %gather3A_188 = tpu.vector_load_idx %arg5[%add3A_187] : memref<3088xf32, #tpu.memory_space<vmem>>[vector<16xi32>], vector<16xf32>,
      %add3A_189 = arith.constant 2048 : i32
      %add3A_190 = vector.broadcast %add3A_189 : i32 to vector<16xi32>
      %add3A_191 = arith.addi %broadcast_in_dim3A_183, %add3A_190 : vector<16xi32>
      %gather3A_192 = tpu.vector_load_idx %arg5[%add3A_191] : memref<3088xf32, #tpu.memory_space<vmem>>[vector<16xi32>], vector<16xf32>,
      %select_n3A_193 = arith.select %le3A_168, %add3A_167, %add3A_165 : i32
      %add3A_194 = arith.constant 31 : i32
      %add3A_195 = arith.addi %select_n3A_193, %add3A_194 : i32
      %jit3A_196 = arith.constant 32 : i32
      %div3A_197 = arith.divsi %add3A_195, %jit3A_196 : i32
      %sign3A_198 = arith.constant 0 : i32
      %sign3A_199 = arith.cmpi sgt, %add3A_195, %sign3A_198 : i32
      %sign3A_200 = arith.extui %sign3A_199 : i1 to i32
      %sign3A_201 = arith.constant 0 : i32
      %sign3A_202 = arith.cmpi slt, %add3A_195, %sign3A_201 : i32
      %sign3A_203 = arith.extui %sign3A_202 : i1 to i32
      %sign3A_204 = arith.subi %sign3A_200, %sign3A_203 : i32
      %sign3A_205 = arith.constant 0 : i32
      %sign3A_206 = arith.cmpi sgt, %jit3A_196, %sign3A_205 : i32
      %sign3A_207 = arith.extui %sign3A_206 : i1 to i32
      %sign3A_208 = arith.constant 0 : i32
      %sign3A_209 = arith.cmpi slt, %jit3A_196, %sign3A_208 : i32
      %sign3A_210 = arith.extui %sign3A_209 : i1 to i32
      %sign3A_211 = arith.subi %sign3A_207, %sign3A_210 : i32
      %ne3A_212 = arith.cmpi ne, %sign3A_204, %sign3A_211 : i32
      %rem3A_213 = arith.remsi %add3A_195, %jit3A_196 : i32
      %ne3A_214 = arith.constant 0 : i32
      %ne3A_215 = arith.cmpi ne, %rem3A_213, %ne3A_214 : i32
      %and3A_216 = arith.andi %ne3A_212, %ne3A_215 : i1
      %sub3A_217 = arith.constant 1 : i32
      %sub3A_218 = arith.subi %div3A_197, %sub3A_217 : i32
      %select_n3A_219 = arith.select %and3A_216, %sub3A_218, %div3A_197 : i32
      %while3A_220 = arith.constant 0 : i32
      %while3A_221 = arith.subi %select_n3A_219, %while3A_220 : i32
      %while3A_222 = arith.addi %while3A_220, %while3A_221 : i32
      %while3A_223 = arith.constant 1 : i32
      %while3A_224 = arith.divsi %while3A_221, %while3A_223 : i32
      %while3A_225 = arith.muli %while3A_224, %while3A_223 : i32
      %while3A_226 = arith.addi %while3A_220, %while3A_225 : i32
      %while3A_227 = arith.constant 1 : i32
      %while3A_228 = scf.for %while3A_231 = %while3A_220 to %while3A_226 step %while3A_227 iter_args(%while3A_232 = %while3A_162) -> (vector<16xi32>)  : i32 {
        %mul3A_233 = arith.constant 32 : i32
        %mul3A_234 = arith.muli %while3A_231, %mul3A_233 : i32
        %add3A_235 = arith.constant 0 : i32
        %add3A_236 = arith.addi %add3A_235, %mul3A_234 : i32
        %mul3A_237 = arith.constant 32 : i32
        %mul3A_238 = arith.muli %while3A_231, %mul3A_237 : i32
        %add3A_239 = vector.broadcast %mul3A_238 : i32 to vector<16xi32>
        %add3A_240 = arith.addi %add3A_239, %iota3A : vector<16xi32>
        %get3A = arith.index_cast %add3A_236 : i32 to index
        %get3A_241 = tpu.vector_load %arg5[%get3A] {strides = array<i32>} : memref<3088xf32, #tpu.memory_space<vmem>>, vector<16xf32>,
        %add3A_242 = arith.constant 16 : i32
        %add3A_243 = arith.addi %add3A_236, %add3A_242 : i32
        %get3A_244 = arith.index_cast %add3A_243 : i32 to index
        %get3A_245 = tpu.vector_load %arg5[%get3A_244] {strides = array<i32>} : memref<3088xf32, #tpu.memory_space<vmem>>, vector<16xf32>,
        %add3A_246 = arith.constant 1024 : i32
        %add3A_247 = arith.addi %add3A_236, %add3A_246 : i32
        %get3A_248 = arith.index_cast %add3A_247 : i32 to index
        %get3A_249 = tpu.vector_load %arg5[%get3A_248] {strides = array<i32>} : memref<3088xf32, #tpu.memory_space<vmem>>, vector<16xf32>,
        %add3A_250 = arith.constant 1024 : i32
        %add3A_251 = arith.addi %add3A_236, %add3A_250 : i32
        %add3A_252 = arith.constant 16 : i32
        %add3A_253 = arith.addi %add3A_251, %add3A_252 : i32
        %get3A_254 = arith.index_cast %add3A_253 : i32 to index
        %get3A_255 = tpu.vector_load %arg5[%get3A_254] {strides = array<i32>} : memref<3088xf32, #tpu.memory_space<vmem>>, vector<16xf32>,
        %add3A_256 = arith.constant 2048 : i32
        %add3A_257 = arith.addi %add3A_236, %add3A_256 : i32
        %get3A_258 = arith.index_cast %add3A_257 : i32 to index
        %get3A_259 = tpu.vector_load %arg5[%get3A_258] {strides = array<i32>} : memref<3088xf32, #tpu.memory_space<vmem>>, vector<16xf32>,
        %add3A_260 = arith.constant 2048 : i32
        %add3A_261 = arith.addi %add3A_236, %add3A_260 : i32
        %add3A_262 = arith.constant 16 : i32
        %add3A_263 = arith.addi %add3A_261, %add3A_262 : i32
        %get3A_264 = arith.index_cast %add3A_263 : i32 to index
        %get3A_265 = tpu.vector_load %arg5[%get3A_264] {strides = array<i32>} : memref<3088xf32, #tpu.memory_space<vmem>>, vector<16xf32>,
        %sub3A_266 = arith.subf %gather3A, %get3A_241 : vector<16xf32>
        %abs3A = math.absf %sub3A_266 : vector<16xf32>
        %sub3A_267 = arith.constant 1.000000e+00 : f32
        %sub3A_268 = vector.broadcast %sub3A_267 : f32 to vector<16xf32>
        %sub3A_269 = arith.subf %sub3A_268, %abs3A : vector<16xf32>
        %mul3A_270 = arith.mulf %abs3A, %abs3A : vector<16xf32>
        %mul3A_271 = arith.mulf %sub3A_269, %sub3A_269 : vector<16xf32>
        %min3A = arith.minimumf %mul3A_270, %mul3A_271 : vector<16xf32>
        %sub3A_272 = arith.subf %gather3A_175, %get3A_249 : vector<16xf32>
        %abs3A_273 = math.absf %sub3A_272 : vector<16xf32>
        %sub3A_274 = arith.constant 1.000000e+00 : f32
        %sub3A_275 = vector.broadcast %sub3A_274 : f32 to vector<16xf32>
        %sub3A_276 = arith.subf %sub3A_275, %abs3A_273 : vector<16xf32>
        %mul3A_277 = arith.mulf %abs3A_273, %abs3A_273 : vector<16xf32>
        %mul3A_278 = arith.mulf %sub3A_276, %sub3A_276 : vector<16xf32>
        %min3A_279 = arith.minimumf %mul3A_277, %mul3A_278 : vector<16xf32>
        %add3A_280 = arith.addf %min3A, %min3A_279 : vector<16xf32>
        %sub3A_281 = arith.subf %gather3A_179, %get3A_259 : vector<16xf32>
        %abs3A_282 = math.absf %sub3A_281 : vector<16xf32>
        %sub3A_283 = arith.constant 1.000000e+00 : f32
        %sub3A_284 = vector.broadcast %sub3A_283 : f32 to vector<16xf32>
        %sub3A_285 = arith.subf %sub3A_284, %abs3A_282 : vector<16xf32>
        %mul3A_286 = arith.mulf %abs3A_282, %abs3A_282 : vector<16xf32>
        %mul3A_287 = arith.mulf %sub3A_285, %sub3A_285 : vector<16xf32>
        %min3A_288 = arith.minimumf %mul3A_286, %mul3A_287 : vector<16xf32>
        %add3A_289 = arith.addf %add3A_280, %min3A_288 : vector<16xf32>
        %sub3A_290 = arith.subf %gather3A, %get3A_245 : vector<16xf32>
        %abs3A_291 = math.absf %sub3A_290 : vector<16xf32>
        %sub3A_292 = arith.constant 1.000000e+00 : f32
        %sub3A_293 = vector.broadcast %sub3A_292 : f32 to vector<16xf32>
        %sub3A_294 = arith.subf %sub3A_293, %abs3A_291 : vector<16xf32>
        %mul3A_295 = arith.mulf %abs3A_291, %abs3A_291 : vector<16xf32>
        %mul3A_296 = arith.mulf %sub3A_294, %sub3A_294 : vector<16xf32>
        %min3A_297 = arith.minimumf %mul3A_295, %mul3A_296 : vector<16xf32>
        %sub3A_298 = arith.subf %gather3A_175, %get3A_255 : vector<16xf32>
        %abs3A_299 = math.absf %sub3A_298 : vector<16xf32>
        %sub3A_300 = arith.constant 1.000000e+00 : f32
        %sub3A_301 = vector.broadcast %sub3A_300 : f32 to vector<16xf32>
        %sub3A_302 = arith.subf %sub3A_301, %abs3A_299 : vector<16xf32>
        %mul3A_303 = arith.mulf %abs3A_299, %abs3A_299 : vector<16xf32>
        %mul3A_304 = arith.mulf %sub3A_302, %sub3A_302 : vector<16xf32>
        %min3A_305 = arith.minimumf %mul3A_303, %mul3A_304 : vector<16xf32>
        %add3A_306 = arith.addf %min3A_297, %min3A_305 : vector<16xf32>
        %sub3A_307 = arith.subf %gather3A_179, %get3A_265 : vector<16xf32>
        %abs3A_308 = math.absf %sub3A_307 : vector<16xf32>
        %sub3A_309 = arith.constant 1.000000e+00 : f32
        %sub3A_310 = vector.broadcast %sub3A_309 : f32 to vector<16xf32>
        %sub3A_311 = arith.subf %sub3A_310, %abs3A_308 : vector<16xf32>
        %mul3A_312 = arith.mulf %abs3A_308, %abs3A_308 : vector<16xf32>
        %mul3A_313 = arith.mulf %sub3A_311, %sub3A_311 : vector<16xf32>
        %min3A_314 = arith.minimumf %mul3A_312, %mul3A_313 : vector<16xf32>
        %add3A_315 = arith.addf %add3A_306, %min3A_314 : vector<16xf32>
        %sub3A_316 = arith.subf %gather3A_184, %get3A_241 : vector<16xf32>
        %abs3A_317 = math.absf %sub3A_316 : vector<16xf32>
        %sub3A_318 = arith.constant 1.000000e+00 : f32
        %sub3A_319 = vector.broadcast %sub3A_318 : f32 to vector<16xf32>
        %sub3A_320 = arith.subf %sub3A_319, %abs3A_317 : vector<16xf32>
        %mul3A_321 = arith.mulf %abs3A_317, %abs3A_317 : vector<16xf32>
        %mul3A_322 = arith.mulf %sub3A_320, %sub3A_320 : vector<16xf32>
        %min3A_323 = arith.minimumf %mul3A_321, %mul3A_322 : vector<16xf32>
        %sub3A_324 = arith.subf %gather3A_188, %get3A_249 : vector<16xf32>
        %abs3A_325 = math.absf %sub3A_324 : vector<16xf32>
        %sub3A_326 = arith.constant 1.000000e+00 : f32
        %sub3A_327 = vector.broadcast %sub3A_326 : f32 to vector<16xf32>
        %sub3A_328 = arith.subf %sub3A_327, %abs3A_325 : vector<16xf32>
        %mul3A_329 = arith.mulf %abs3A_325, %abs3A_325 : vector<16xf32>
        %mul3A_330 = arith.mulf %sub3A_328, %sub3A_328 : vector<16xf32>
        %min3A_331 = arith.minimumf %mul3A_329, %mul3A_330 : vector<16xf32>
        %add3A_332 = arith.addf %min3A_323, %min3A_331 : vector<16xf32>
        %sub3A_333 = arith.subf %gather3A_192, %get3A_259 : vector<16xf32>
        %abs3A_334 = math.absf %sub3A_333 : vector<16xf32>
        %sub3A_335 = arith.constant 1.000000e+00 : f32
        %sub3A_336 = vector.broadcast %sub3A_335 : f32 to vector<16xf32>
        %sub3A_337 = arith.subf %sub3A_336, %abs3A_334 : vector<16xf32>
        %mul3A_338 = arith.mulf %abs3A_334, %abs3A_334 : vector<16xf32>
        %mul3A_339 = arith.mulf %sub3A_337, %sub3A_337 : vector<16xf32>
        %min3A_340 = arith.minimumf %mul3A_338, %mul3A_339 : vector<16xf32>
        %add3A_341 = arith.addf %add3A_332, %min3A_340 : vector<16xf32>
        %sub3A_342 = arith.subf %gather3A_184, %get3A_245 : vector<16xf32>
        %abs3A_343 = math.absf %sub3A_342 : vector<16xf32>
        %sub3A_344 = arith.constant 1.000000e+00 : f32
        %sub3A_345 = vector.broadcast %sub3A_344 : f32 to vector<16xf32>
        %sub3A_346 = arith.subf %sub3A_345, %abs3A_343 : vector<16xf32>
        %mul3A_347 = arith.mulf %abs3A_343, %abs3A_343 : vector<16xf32>
        %mul3A_348 = arith.mulf %sub3A_346, %sub3A_346 : vector<16xf32>
        %min3A_349 = arith.minimumf %mul3A_347, %mul3A_348 : vector<16xf32>
        %sub3A_350 = arith.subf %gather3A_188, %get3A_255 : vector<16xf32>
        %abs3A_351 = math.absf %sub3A_350 : vector<16xf32>
        %sub3A_352 = arith.constant 1.000000e+00 : f32
        %sub3A_353 = vector.broadcast %sub3A_352 : f32 to vector<16xf32>
        %sub3A_354 = arith.subf %sub3A_353, %abs3A_351 : vector<16xf32>
        %mul3A_355 = arith.mulf %abs3A_351, %abs3A_351 : vector<16xf32>
        %mul3A_356 = arith.mulf %sub3A_354, %sub3A_354 : vector<16xf32>
        %min3A_357 = arith.minimumf %mul3A_355, %mul3A_356 : vector<16xf32>
        %add3A_358 = arith.addf %min3A_349, %min3A_357 : vector<16xf32>
        %sub3A_359 = arith.subf %gather3A_192, %get3A_265 : vector<16xf32>
        %abs3A_360 = math.absf %sub3A_359 : vector<16xf32>
        %sub3A_361 = arith.constant 1.000000e+00 : f32
        %sub3A_362 = vector.broadcast %sub3A_361 : f32 to vector<16xf32>
        %sub3A_363 = arith.subf %sub3A_362, %abs3A_360 : vector<16xf32>
        %mul3A_364 = arith.mulf %abs3A_360, %abs3A_360 : vector<16xf32>
        %mul3A_365 = arith.mulf %sub3A_363, %sub3A_363 : vector<16xf32>
        %min3A_366 = arith.minimumf %mul3A_364, %mul3A_365 : vector<16xf32>
        %add3A_367 = arith.addf %add3A_358, %min3A_366 : vector<16xf32>
        %lt3A = arith.constant 0.132598966 : f32
        %lt3A_368 = vector.broadcast %lt3A : f32 to vector<16xf32>
        %lt3A_369 = arith.cmpf olt, %add3A_289, %lt3A_368 : vector<16xf32>
        %ne3A_370 = arith.constant 0.000000e+00 : f32
        %ne3A_371 = vector.broadcast %ne3A_370 : f32 to vector<16xf32>
        %ne3A_372 = arith.cmpf one, %add3A_289, %ne3A_371 : vector<16xf32>
        %and3A_373 = arith.andi %lt3A_369, %ne3A_372 : vector<16xi1>
        %lt3A_374 = vector.broadcast %add3A_165 : i32 to vector<16xi32>
        %lt3A_375 = arith.cmpi slt, %add3A_240, %lt3A_374 : vector<16xi32>
        %and3A_376 = arith.andi %and3A_373, %lt3A_375 : vector<16xi1>
        %lt3A_377 = arith.constant 0.132598966 : f32
        %lt3A_378 = vector.broadcast %lt3A_377 : f32 to vector<16xf32>
        %lt3A_379 = arith.cmpf olt, %add3A_315, %lt3A_378 : vector<16xf32>
        %ne3A_380 = arith.constant 0.000000e+00 : f32
        %ne3A_381 = vector.broadcast %ne3A_380 : f32 to vector<16xf32>
        %ne3A_382 = arith.cmpf one, %add3A_315, %ne3A_381 : vector<16xf32>
        %and3A_383 = arith.andi %lt3A_379, %ne3A_382 : vector<16xi1>
        %add3A_384 = arith.constant 16 : i32
        %add3A_385 = vector.broadcast %add3A_384 : i32 to vector<16xi32>
        %add3A_386 = arith.addi %add3A_240, %add3A_385 : vector<16xi32>
        %lt3A_387 = vector.broadcast %add3A_165 : i32 to vector<16xi32>
        %lt3A_388 = arith.cmpi slt, %add3A_386, %lt3A_387 : vector<16xi32>
        %and3A_389 = arith.andi %and3A_383, %lt3A_388 : vector<16xi1>
        %lt3A_390 = arith.constant 0.132598966 : f32
        %lt3A_391 = vector.broadcast %lt3A_390 : f32 to vector<16xf32>
        %lt3A_392 = arith.cmpf olt, %add3A_341, %lt3A_391 : vector<16xf32>
        %ne3A_393 = arith.constant 0.000000e+00 : f32
        %ne3A_394 = vector.broadcast %ne3A_393 : f32 to vector<16xf32>
        %ne3A_395 = arith.cmpf one, %add3A_341, %ne3A_394 : vector<16xf32>
        %and3A_396 = arith.andi %lt3A_392, %ne3A_395 : vector<16xi1>
        %lt3A_397 = vector.broadcast %add3A_167 : i32 to vector<16xi32>
        %lt3A_398 = arith.cmpi slt, %add3A_240, %lt3A_397 : vector<16xi32>
        %and3A_399 = arith.andi %and3A_396, %lt3A_398 : vector<16xi1>
        %and3A_400 = vector.broadcast %le3A_168 : i1 to vector<16xi1>
        %and3A_401 = arith.andi %and3A_399, %and3A_400 : vector<16xi1>
        %lt3A_402 = arith.constant 0.132598966 : f32
        %lt3A_403 = vector.broadcast %lt3A_402 : f32 to vector<16xf32>
        %lt3A_404 = arith.cmpf olt, %add3A_367, %lt3A_403 : vector<16xf32>
        %ne3A_405 = arith.constant 0.000000e+00 : f32
        %ne3A_406 = vector.broadcast %ne3A_405 : f32 to vector<16xf32>
        %ne3A_407 = arith.cmpf one, %add3A_367, %ne3A_406 : vector<16xf32>
        %and3A_408 = arith.andi %lt3A_404, %ne3A_407 : vector<16xi1>
        %add3A_409 = arith.constant 16 : i32
        %add3A_410 = vector.broadcast %add3A_409 : i32 to vector<16xi32>
        %add3A_411 = arith.addi %add3A_240, %add3A_410 : vector<16xi32>
        %lt3A_412 = vector.broadcast %add3A_167 : i32 to vector<16xi32>
        %lt3A_413 = arith.cmpi slt, %add3A_411, %lt3A_412 : vector<16xi32>
        %and3A_414 = arith.andi %and3A_408, %lt3A_413 : vector<16xi1>
        %and3A_415 = vector.broadcast %le3A_168 : i1 to vector<16xi1>
        %and3A_416 = arith.andi %and3A_414, %and3A_415 : vector<16xi1>
        %add3A_417 = arith.addi %mul3A_20, %while3A_232 : vector<16xi32>
        tpu.vector_store_idx %arg6[%add3A_417], %add3A_289 masked %and3A_376 : memref<8704xf32, #tpu.memory_space<vmem>>[vector<16xi32>], vector<16xf32>, vector<16xi1>
        %convert_element_type3A = arith.extui %and3A_376 : vector<16xi1> to vector<16xi32>
        %add3A_418 = arith.addi %while3A_232, %convert_element_type3A : vector<16xi32>
        %add3A_419 = arith.addi %mul3A_20, %add3A_418 : vector<16xi32>
        tpu.vector_store_idx %arg6[%add3A_419], %add3A_315 masked %and3A_389 : memref<8704xf32, #tpu.memory_space<vmem>>[vector<16xi32>], vector<16xf32>, vector<16xi1>
        %convert_element_type3A_420 = arith.extui %and3A_389 : vector<16xi1> to vector<16xi32>
        %add3A_421 = arith.addi %add3A_418, %convert_element_type3A_420 : vector<16xi32>
        %add3A_422 = arith.addi %mul3A_20, %add3A_421 : vector<16xi32>
        tpu.vector_store_idx %arg6[%add3A_422], %add3A_341 masked %and3A_401 : memref<8704xf32, #tpu.memory_space<vmem>>[vector<16xi32>], vector<16xf32>, vector<16xi1>
        %convert_element_type3A_423 = arith.extui %and3A_401 : vector<16xi1> to vector<16xi32>
        %add3A_424 = arith.addi %add3A_421, %convert_element_type3A_423 : vector<16xi32>
        %add3A_425 = arith.addi %mul3A_20, %add3A_424 : vector<16xi32>
        tpu.vector_store_idx %arg6[%add3A_425], %add3A_367 masked %and3A_416 : memref<8704xf32, #tpu.memory_space<vmem>>[vector<16xi32>], vector<16xf32>, vector<16xi1>
        %convert_element_type3A_426 = arith.extui %and3A_416 : vector<16xi1> to vector<16xi32>
        %add3A_427 = arith.addi %add3A_424, %convert_element_type3A_426 : vector<16xi32>
        scf.yield %add3A_427 : vector<16xi32>
      }
      %while3A_229 = arith.constant 1 : i32
      %while3A_230 = scf.for %while3A_231 = %while3A_226 to %while3A_222 step %while3A_229 iter_args(%while3A_232 = %while3A_228) -> (vector<16xi32>)  : i32 {
        %mul3A_233 = arith.constant 32 : i32
        %mul3A_234 = arith.muli %while3A_231, %mul3A_233 : i32
        %add3A_235 = arith.constant 0 : i32
        %add3A_236 = arith.addi %add3A_235, %mul3A_234 : i32
        %mul3A_237 = arith.constant 32 : i32
        %mul3A_238 = arith.muli %while3A_231, %mul3A_237 : i32
        %add3A_239 = vector.broadcast %mul3A_238 : i32 to vector<16xi32>
        %add3A_240 = arith.addi %add3A_239, %iota3A : vector<16xi32>
        %get3A = arith.index_cast %add3A_236 : i32 to index
        %get3A_241 = tpu.vector_load %arg5[%get3A] {strides = array<i32>} : memref<3088xf32, #tpu.memory_space<vmem>>, vector<16xf32>,
        %add3A_242 = arith.constant 16 : i32
        %add3A_243 = arith.addi %add3A_236, %add3A_242 : i32
        %get3A_244 = arith.index_cast %add3A_243 : i32 to index
        %get3A_245 = tpu.vector_load %arg5[%get3A_244] {strides = array<i32>} : memref<3088xf32, #tpu.memory_space<vmem>>, vector<16xf32>,
        %add3A_246 = arith.constant 1024 : i32
        %add3A_247 = arith.addi %add3A_236, %add3A_246 : i32
        %get3A_248 = arith.index_cast %add3A_247 : i32 to index
        %get3A_249 = tpu.vector_load %arg5[%get3A_248] {strides = array<i32>} : memref<3088xf32, #tpu.memory_space<vmem>>, vector<16xf32>,
        %add3A_250 = arith.constant 1024 : i32
        %add3A_251 = arith.addi %add3A_236, %add3A_250 : i32
        %add3A_252 = arith.constant 16 : i32
        %add3A_253 = arith.addi %add3A_251, %add3A_252 : i32
        %get3A_254 = arith.index_cast %add3A_253 : i32 to index
        %get3A_255 = tpu.vector_load %arg5[%get3A_254] {strides = array<i32>} : memref<3088xf32, #tpu.memory_space<vmem>>, vector<16xf32>,
        %add3A_256 = arith.constant 2048 : i32
        %add3A_257 = arith.addi %add3A_236, %add3A_256 : i32
        %get3A_258 = arith.index_cast %add3A_257 : i32 to index
        %get3A_259 = tpu.vector_load %arg5[%get3A_258] {strides = array<i32>} : memref<3088xf32, #tpu.memory_space<vmem>>, vector<16xf32>,
        %add3A_260 = arith.constant 2048 : i32
        %add3A_261 = arith.addi %add3A_236, %add3A_260 : i32
        %add3A_262 = arith.constant 16 : i32
        %add3A_263 = arith.addi %add3A_261, %add3A_262 : i32
        %get3A_264 = arith.index_cast %add3A_263 : i32 to index
        %get3A_265 = tpu.vector_load %arg5[%get3A_264] {strides = array<i32>} : memref<3088xf32, #tpu.memory_space<vmem>>, vector<16xf32>,
        %sub3A_266 = arith.subf %gather3A, %get3A_241 : vector<16xf32>
        %abs3A = math.absf %sub3A_266 : vector<16xf32>
        %sub3A_267 = arith.constant 1.000000e+00 : f32
        %sub3A_268 = vector.broadcast %sub3A_267 : f32 to vector<16xf32>
        %sub3A_269 = arith.subf %sub3A_268, %abs3A : vector<16xf32>
        %mul3A_270 = arith.mulf %abs3A, %abs3A : vector<16xf32>
        %mul3A_271 = arith.mulf %sub3A_269, %sub3A_269 : vector<16xf32>
        %min3A = arith.minimumf %mul3A_270, %mul3A_271 : vector<16xf32>
        %sub3A_272 = arith.subf %gather3A_175, %get3A_249 : vector<16xf32>
        %abs3A_273 = math.absf %sub3A_272 : vector<16xf32>
        %sub3A_274 = arith.constant 1.000000e+00 : f32
        %sub3A_275 = vector.broadcast %sub3A_274 : f32 to vector<16xf32>
        %sub3A_276 = arith.subf %sub3A_275, %abs3A_273 : vector<16xf32>
        %mul3A_277 = arith.mulf %abs3A_273, %abs3A_273 : vector<16xf32>
        %mul3A_278 = arith.mulf %sub3A_276, %sub3A_276 : vector<16xf32>
        %min3A_279 = arith.minimumf %mul3A_277, %mul3A_278 : vector<16xf32>
        %add3A_280 = arith.addf %min3A, %min3A_279 : vector<16xf32>
        %sub3A_281 = arith.subf %gather3A_179, %get3A_259 : vector<16xf32>
        %abs3A_282 = math.absf %sub3A_281 : vector<16xf32>
        %sub3A_283 = arith.constant 1.000000e+00 : f32
        %sub3A_284 = vector.broadcast %sub3A_283 : f32 to vector<16xf32>
        %sub3A_285 = arith.subf %sub3A_284, %abs3A_282 : vector<16xf32>
        %mul3A_286 = arith.mulf %abs3A_282, %abs3A_282 : vector<16xf32>
        %mul3A_287 = arith.mulf %sub3A_285, %sub3A_285 : vector<16xf32>
        %min3A_288 = arith.minimumf %mul3A_286, %mul3A_287 : vector<16xf32>
        %add3A_289 = arith.addf %add3A_280, %min3A_288 : vector<16xf32>
        %sub3A_290 = arith.subf %gather3A, %get3A_245 : vector<16xf32>
        %abs3A_291 = math.absf %sub3A_290 : vector<16xf32>
        %sub3A_292 = arith.constant 1.000000e+00 : f32
        %sub3A_293 = vector.broadcast %sub3A_292 : f32 to vector<16xf32>
        %sub3A_294 = arith.subf %sub3A_293, %abs3A_291 : vector<16xf32>
        %mul3A_295 = arith.mulf %abs3A_291, %abs3A_291 : vector<16xf32>
        %mul3A_296 = arith.mulf %sub3A_294, %sub3A_294 : vector<16xf32>
        %min3A_297 = arith.minimumf %mul3A_295, %mul3A_296 : vector<16xf32>
        %sub3A_298 = arith.subf %gather3A_175, %get3A_255 : vector<16xf32>
        %abs3A_299 = math.absf %sub3A_298 : vector<16xf32>
        %sub3A_300 = arith.constant 1.000000e+00 : f32
        %sub3A_301 = vector.broadcast %sub3A_300 : f32 to vector<16xf32>
        %sub3A_302 = arith.subf %sub3A_301, %abs3A_299 : vector<16xf32>
        %mul3A_303 = arith.mulf %abs3A_299, %abs3A_299 : vector<16xf32>
        %mul3A_304 = arith.mulf %sub3A_302, %sub3A_302 : vector<16xf32>
        %min3A_305 = arith.minimumf %mul3A_303, %mul3A_304 : vector<16xf32>
        %add3A_306 = arith.addf %min3A_297, %min3A_305 : vector<16xf32>
        %sub3A_307 = arith.subf %gather3A_179, %get3A_265 : vector<16xf32>
        %abs3A_308 = math.absf %sub3A_307 : vector<16xf32>
        %sub3A_309 = arith.constant 1.000000e+00 : f32
        %sub3A_310 = vector.broadcast %sub3A_309 : f32 to vector<16xf32>
        %sub3A_311 = arith.subf %sub3A_310, %abs3A_308 : vector<16xf32>
        %mul3A_312 = arith.mulf %abs3A_308, %abs3A_308 : vector<16xf32>
        %mul3A_313 = arith.mulf %sub3A_311, %sub3A_311 : vector<16xf32>
        %min3A_314 = arith.minimumf %mul3A_312, %mul3A_313 : vector<16xf32>
        %add3A_315 = arith.addf %add3A_306, %min3A_314 : vector<16xf32>
        %sub3A_316 = arith.subf %gather3A_184, %get3A_241 : vector<16xf32>
        %abs3A_317 = math.absf %sub3A_316 : vector<16xf32>
        %sub3A_318 = arith.constant 1.000000e+00 : f32
        %sub3A_319 = vector.broadcast %sub3A_318 : f32 to vector<16xf32>
        %sub3A_320 = arith.subf %sub3A_319, %abs3A_317 : vector<16xf32>
        %mul3A_321 = arith.mulf %abs3A_317, %abs3A_317 : vector<16xf32>
        %mul3A_322 = arith.mulf %sub3A_320, %sub3A_320 : vector<16xf32>
        %min3A_323 = arith.minimumf %mul3A_321, %mul3A_322 : vector<16xf32>
        %sub3A_324 = arith.subf %gather3A_188, %get3A_249 : vector<16xf32>
        %abs3A_325 = math.absf %sub3A_324 : vector<16xf32>
        %sub3A_326 = arith.constant 1.000000e+00 : f32
        %sub3A_327 = vector.broadcast %sub3A_326 : f32 to vector<16xf32>
        %sub3A_328 = arith.subf %sub3A_327, %abs3A_325 : vector<16xf32>
        %mul3A_329 = arith.mulf %abs3A_325, %abs3A_325 : vector<16xf32>
        %mul3A_330 = arith.mulf %sub3A_328, %sub3A_328 : vector<16xf32>
        %min3A_331 = arith.minimumf %mul3A_329, %mul3A_330 : vector<16xf32>
        %add3A_332 = arith.addf %min3A_323, %min3A_331 : vector<16xf32>
        %sub3A_333 = arith.subf %gather3A_192, %get3A_259 : vector<16xf32>
        %abs3A_334 = math.absf %sub3A_333 : vector<16xf32>
        %sub3A_335 = arith.constant 1.000000e+00 : f32
        %sub3A_336 = vector.broadcast %sub3A_335 : f32 to vector<16xf32>
        %sub3A_337 = arith.subf %sub3A_336, %abs3A_334 : vector<16xf32>
        %mul3A_338 = arith.mulf %abs3A_334, %abs3A_334 : vector<16xf32>
        %mul3A_339 = arith.mulf %sub3A_337, %sub3A_337 : vector<16xf32>
        %min3A_340 = arith.minimumf %mul3A_338, %mul3A_339 : vector<16xf32>
        %add3A_341 = arith.addf %add3A_332, %min3A_340 : vector<16xf32>
        %sub3A_342 = arith.subf %gather3A_184, %get3A_245 : vector<16xf32>
        %abs3A_343 = math.absf %sub3A_342 : vector<16xf32>
        %sub3A_344 = arith.constant 1.000000e+00 : f32
        %sub3A_345 = vector.broadcast %sub3A_344 : f32 to vector<16xf32>
        %sub3A_346 = arith.subf %sub3A_345, %abs3A_343 : vector<16xf32>
        %mul3A_347 = arith.mulf %abs3A_343, %abs3A_343 : vector<16xf32>
        %mul3A_348 = arith.mulf %sub3A_346, %sub3A_346 : vector<16xf32>
        %min3A_349 = arith.minimumf %mul3A_347, %mul3A_348 : vector<16xf32>
        %sub3A_350 = arith.subf %gather3A_188, %get3A_255 : vector<16xf32>
        %abs3A_351 = math.absf %sub3A_350 : vector<16xf32>
        %sub3A_352 = arith.constant 1.000000e+00 : f32
        %sub3A_353 = vector.broadcast %sub3A_352 : f32 to vector<16xf32>
        %sub3A_354 = arith.subf %sub3A_353, %abs3A_351 : vector<16xf32>
        %mul3A_355 = arith.mulf %abs3A_351, %abs3A_351 : vector<16xf32>
        %mul3A_356 = arith.mulf %sub3A_354, %sub3A_354 : vector<16xf32>
        %min3A_357 = arith.minimumf %mul3A_355, %mul3A_356 : vector<16xf32>
        %add3A_358 = arith.addf %min3A_349, %min3A_357 : vector<16xf32>
        %sub3A_359 = arith.subf %gather3A_192, %get3A_265 : vector<16xf32>
        %abs3A_360 = math.absf %sub3A_359 : vector<16xf32>
        %sub3A_361 = arith.constant 1.000000e+00 : f32
        %sub3A_362 = vector.broadcast %sub3A_361 : f32 to vector<16xf32>
        %sub3A_363 = arith.subf %sub3A_362, %abs3A_360 : vector<16xf32>
        %mul3A_364 = arith.mulf %abs3A_360, %abs3A_360 : vector<16xf32>
        %mul3A_365 = arith.mulf %sub3A_363, %sub3A_363 : vector<16xf32>
        %min3A_366 = arith.minimumf %mul3A_364, %mul3A_365 : vector<16xf32>
        %add3A_367 = arith.addf %add3A_358, %min3A_366 : vector<16xf32>
        %lt3A = arith.constant 0.132598966 : f32
        %lt3A_368 = vector.broadcast %lt3A : f32 to vector<16xf32>
        %lt3A_369 = arith.cmpf olt, %add3A_289, %lt3A_368 : vector<16xf32>
        %ne3A_370 = arith.constant 0.000000e+00 : f32
        %ne3A_371 = vector.broadcast %ne3A_370 : f32 to vector<16xf32>
        %ne3A_372 = arith.cmpf one, %add3A_289, %ne3A_371 : vector<16xf32>
        %and3A_373 = arith.andi %lt3A_369, %ne3A_372 : vector<16xi1>
        %lt3A_374 = vector.broadcast %add3A_165 : i32 to vector<16xi32>
        %lt3A_375 = arith.cmpi slt, %add3A_240, %lt3A_374 : vector<16xi32>
        %and3A_376 = arith.andi %and3A_373, %lt3A_375 : vector<16xi1>
        %lt3A_377 = arith.constant 0.132598966 : f32
        %lt3A_378 = vector.broadcast %lt3A_377 : f32 to vector<16xf32>
        %lt3A_379 = arith.cmpf olt, %add3A_315, %lt3A_378 : vector<16xf32>
        %ne3A_380 = arith.constant 0.000000e+00 : f32
        %ne3A_381 = vector.broadcast %ne3A_380 : f32 to vector<16xf32>
        %ne3A_382 = arith.cmpf one, %add3A_315, %ne3A_381 : vector<16xf32>
        %and3A_383 = arith.andi %lt3A_379, %ne3A_382 : vector<16xi1>
        %add3A_384 = arith.constant 16 : i32
        %add3A_385 = vector.broadcast %add3A_384 : i32 to vector<16xi32>
        %add3A_386 = arith.addi %add3A_240, %add3A_385 : vector<16xi32>
        %lt3A_387 = vector.broadcast %add3A_165 : i32 to vector<16xi32>
        %lt3A_388 = arith.cmpi slt, %add3A_386, %lt3A_387 : vector<16xi32>
        %and3A_389 = arith.andi %and3A_383, %lt3A_388 : vector<16xi1>
        %lt3A_390 = arith.constant 0.132598966 : f32
        %lt3A_391 = vector.broadcast %lt3A_390 : f32 to vector<16xf32>
        %lt3A_392 = arith.cmpf olt, %add3A_341, %lt3A_391 : vector<16xf32>
        %ne3A_393 = arith.constant 0.000000e+00 : f32
        %ne3A_394 = vector.broadcast %ne3A_393 : f32 to vector<16xf32>
        %ne3A_395 = arith.cmpf one, %add3A_341, %ne3A_394 : vector<16xf32>
        %and3A_396 = arith.andi %lt3A_392, %ne3A_395 : vector<16xi1>
        %lt3A_397 = vector.broadcast %add3A_167 : i32 to vector<16xi32>
        %lt3A_398 = arith.cmpi slt, %add3A_240, %lt3A_397 : vector<16xi32>
        %and3A_399 = arith.andi %and3A_396, %lt3A_398 : vector<16xi1>
        %and3A_400 = vector.broadcast %le3A_168 : i1 to vector<16xi1>
        %and3A_401 = arith.andi %and3A_399, %and3A_400 : vector<16xi1>
        %lt3A_402 = arith.constant 0.132598966 : f32
        %lt3A_403 = vector.broadcast %lt3A_402 : f32 to vector<16xf32>
        %lt3A_404 = arith.cmpf olt, %add3A_367, %lt3A_403 : vector<16xf32>
        %ne3A_405 = arith.constant 0.000000e+00 : f32
        %ne3A_406 = vector.broadcast %ne3A_405 : f32 to vector<16xf32>
        %ne3A_407 = arith.cmpf one, %add3A_367, %ne3A_406 : vector<16xf32>
        %and3A_408 = arith.andi %lt3A_404, %ne3A_407 : vector<16xi1>
        %add3A_409 = arith.constant 16 : i32
        %add3A_410 = vector.broadcast %add3A_409 : i32 to vector<16xi32>
        %add3A_411 = arith.addi %add3A_240, %add3A_410 : vector<16xi32>
        %lt3A_412 = vector.broadcast %add3A_167 : i32 to vector<16xi32>
        %lt3A_413 = arith.cmpi slt, %add3A_411, %lt3A_412 : vector<16xi32>
        %and3A_414 = arith.andi %and3A_408, %lt3A_413 : vector<16xi1>
        %and3A_415 = vector.broadcast %le3A_168 : i1 to vector<16xi1>
        %and3A_416 = arith.andi %and3A_414, %and3A_415 : vector<16xi1>
        %add3A_417 = arith.addi %mul3A_20, %while3A_232 : vector<16xi32>
        tpu.vector_store_idx %arg6[%add3A_417], %add3A_289 masked %and3A_376 : memref<8704xf32, #tpu.memory_space<vmem>>[vector<16xi32>], vector<16xf32>, vector<16xi1>
        %convert_element_type3A = arith.extui %and3A_376 : vector<16xi1> to vector<16xi32>
        %add3A_418 = arith.addi %while3A_232, %convert_element_type3A : vector<16xi32>
        %add3A_419 = arith.addi %mul3A_20, %add3A_418 : vector<16xi32>
        tpu.vector_store_idx %arg6[%add3A_419], %add3A_315 masked %and3A_389 : memref<8704xf32, #tpu.memory_space<vmem>>[vector<16xi32>], vector<16xf32>, vector<16xi1>
        %convert_element_type3A_420 = arith.extui %and3A_389 : vector<16xi1> to vector<16xi32>
        %add3A_421 = arith.addi %add3A_418, %convert_element_type3A_420 : vector<16xi32>
        %add3A_422 = arith.addi %mul3A_20, %add3A_421 : vector<16xi32>
        tpu.vector_store_idx %arg6[%add3A_422], %add3A_341 masked %and3A_401 : memref<8704xf32, #tpu.memory_space<vmem>>[vector<16xi32>], vector<16xf32>, vector<16xi1>
        %convert_element_type3A_423 = arith.extui %and3A_401 : vector<16xi1> to vector<16xi32>
        %add3A_424 = arith.addi %add3A_421, %convert_element_type3A_423 : vector<16xi32>
        %add3A_425 = arith.addi %mul3A_20, %add3A_424 : vector<16xi32>
        tpu.vector_store_idx %arg6[%add3A_425], %add3A_367 masked %and3A_416 : memref<8704xf32, #tpu.memory_space<vmem>>[vector<16xi32>], vector<16xf32>, vector<16xi1>
        %convert_element_type3A_426 = arith.extui %and3A_416 : vector<16xi1> to vector<16xi32>
        %add3A_427 = arith.addi %add3A_424, %convert_element_type3A_426 : vector<16xi32>
        scf.yield %add3A_427 : vector<16xi32>
      }
      scf.yield %while3A_230 : vector<16xi32>
    }
    %sub3A_79 = arith.constant 499 : i32
    %sub3A_80 = arith.subi %sub3A_79, %add3A : i32
    %jit3A_81 = arith.constant 32 : i32
    %div3A_82 = arith.divsi %sub3A_80, %jit3A_81 : i32
    %sign3A_83 = arith.constant 0 : i32
    %sign3A_84 = arith.cmpi sgt, %sub3A_80, %sign3A_83 : i32
    %sign3A_85 = arith.extui %sign3A_84 : i1 to i32
    %sign3A_86 = arith.constant 0 : i32
    %sign3A_87 = arith.cmpi slt, %sub3A_80, %sign3A_86 : i32
    %sign3A_88 = arith.extui %sign3A_87 : i1 to i32
    %sign3A_89 = arith.subi %sign3A_85, %sign3A_88 : i32
    %sign3A_90 = arith.constant 0 : i32
    %sign3A_91 = arith.cmpi sgt, %jit3A_81, %sign3A_90 : i32
    %sign3A_92 = arith.extui %sign3A_91 : i1 to i32
    %sign3A_93 = arith.constant 0 : i32
    %sign3A_94 = arith.cmpi slt, %jit3A_81, %sign3A_93 : i32
    %sign3A_95 = arith.extui %sign3A_94 : i1 to i32
    %sign3A_96 = arith.subi %sign3A_92, %sign3A_95 : i32
    %ne3A_97 = arith.cmpi ne, %sign3A_89, %sign3A_96 : i32
    %rem3A_98 = arith.remsi %sub3A_80, %jit3A_81 : i32
    %ne3A_99 = arith.constant 0 : i32
    %ne3A_100 = arith.cmpi ne, %rem3A_98, %ne3A_99 : i32
    %and3A_101 = arith.andi %ne3A_97, %ne3A_100 : i1
    %sub3A_102 = arith.constant 1 : i32
    %sub3A_103 = arith.subi %div3A_82, %sub3A_102 : i32
    %select_n3A_104 = arith.select %and3A_101, %sub3A_103, %div3A_82 : i32
    %add3A_105 = arith.constant 1 : i32
    %add3A_106 = arith.addi %select_n3A_104, %add3A_105 : i32
    %add3A_107 = arith.constant 1 : i32
    %add3A_108 = arith.addi %add3A_106, %add3A_107 : i32
    %jit3A_109 = arith.constant 2 : i32
    %div3A_110 = arith.divsi %add3A_108, %jit3A_109 : i32
    %sign3A_111 = arith.constant 0 : i32
    %sign3A_112 = arith.cmpi sgt, %add3A_108, %sign3A_111 : i32
    %sign3A_113 = arith.extui %sign3A_112 : i1 to i32
    %sign3A_114 = arith.constant 0 : i32
    %sign3A_115 = arith.cmpi slt, %add3A_108, %sign3A_114 : i32
    %sign3A_116 = arith.extui %sign3A_115 : i1 to i32
    %sign3A_117 = arith.subi %sign3A_113, %sign3A_116 : i32
    %sign3A_118 = arith.constant 0 : i32
    %sign3A_119 = arith.cmpi sgt, %jit3A_109, %sign3A_118 : i32
    %sign3A_120 = arith.extui %sign3A_119 : i1 to i32
    %sign3A_121 = arith.constant 0 : i32
    %sign3A_122 = arith.cmpi slt, %jit3A_109, %sign3A_121 : i32
    %sign3A_123 = arith.extui %sign3A_122 : i1 to i32
    %sign3A_124 = arith.subi %sign3A_120, %sign3A_123 : i32
    %ne3A_125 = arith.cmpi ne, %sign3A_117, %sign3A_124 : i32
    %rem3A_126 = arith.remsi %add3A_108, %jit3A_109 : i32
    %ne3A_127 = arith.constant 0 : i32
    %ne3A_128 = arith.cmpi ne, %rem3A_126, %ne3A_127 : i32
    %and3A_129 = arith.andi %ne3A_125, %ne3A_128 : i1
    %sub3A_130 = arith.constant 1 : i32
    %sub3A_131 = arith.subi %div3A_110, %sub3A_130 : i32
    %select_n3A_132 = arith.select %and3A_129, %sub3A_131, %div3A_110 : i32
    %while3A_133 = arith.constant 0 : i32
    %while3A_134 = arith.subi %select_n3A_132, %while3A_133 : i32
    %while3A_135 = arith.addi %while3A_133, %while3A_134 : i32
    %while3A_136 = arith.constant 1 : i32
    %while3A_137 = arith.divsi %while3A_134, %while3A_136 : i32
    %while3A_138 = arith.muli %while3A_137, %while3A_136 : i32
    %while3A_139 = arith.addi %while3A_133, %while3A_138 : i32
    %while3A_140 = arith.constant 1 : i32
    %while3A_141 = scf.for %while3A_161 = %while3A_133 to %while3A_139 step %while3A_140 iter_args(%while3A_162 = %while3A_78) -> (vector<16xi32>)  : i32 {
      %mul3A_163 = arith.constant 64 : i32
      %mul3A_164 = arith.muli %mul3A_163, %while3A_161 : i32
      %add3A_165 = arith.addi %add3A, %mul3A_164 : i32
      %add3A_166 = arith.constant 32 : i32
      %add3A_167 = arith.addi %add3A_165, %add3A_166 : i32
      %le3A = arith.constant 499 : i32
      %le3A_168 = arith.cmpi sle, %add3A_167, %le3A : i32
      %add3A_169 = arith.constant 512 : i32
      %add3A_170 = arith.addi %add3A_169, %add3A_165 : i32
      %broadcast_in_dim3A_171 = vector.broadcast %add3A_170 : i32 to vector<16xi32>
      %gather3A = tpu.vector_load_idx %arg5[%broadcast_in_dim3A_171] : memref<3088xf32, #tpu.memory_space<vmem>>[vector<16xi32>], vector<16xf32>,
      %add3A_172 = arith.constant 1024 : i32
      %add3A_173 = vector.broadcast %add3A_172 : i32 to vector<16xi32>
      %add3A_174 = arith.addi %broadcast_in_dim3A_171, %add3A_173 : vector<16xi32>
      %gather3A_175 = tpu.vector_load_idx %arg5[%add3A_174] : memref<3088xf32, #tpu.memory_space<vmem>>[vector<16xi32>], vector<16xf32>,
      %add3A_176 = arith.constant 2048 : i32
      %add3A_177 = vector.broadcast %add3A_176 : i32 to vector<16xi32>
      %add3A_178 = arith.addi %broadcast_in_dim3A_171, %add3A_177 : vector<16xi32>
      %gather3A_179 = tpu.vector_load_idx %arg5[%add3A_178] : memref<3088xf32, #tpu.memory_space<vmem>>[vector<16xi32>], vector<16xf32>,
      %select_n3A_180 = arith.select %le3A_168, %add3A_167, %add3A_165 : i32
      %add3A_181 = arith.constant 512 : i32
      %add3A_182 = arith.addi %add3A_181, %select_n3A_180 : i32
      %broadcast_in_dim3A_183 = vector.broadcast %add3A_182 : i32 to vector<16xi32>
      %gather3A_184 = tpu.vector_load_idx %arg5[%broadcast_in_dim3A_183] : memref<3088xf32, #tpu.memory_space<vmem>>[vector<16xi32>], vector<16xf32>,
      %add3A_185 = arith.constant 1024 : i32
      %add3A_186 = vector.broadcast %add3A_185 : i32 to vector<16xi32>
      %add3A_187 = arith.addi %broadcast_in_dim3A_183, %add3A_186 : vector<16xi32>
      %gather3A_188 = tpu.vector_load_idx %arg5[%add3A_187] : memref<3088xf32, #tpu.memory_space<vmem>>[vector<16xi32>], vector<16xf32>,
      %add3A_189 = arith.constant 2048 : i32
      %add3A_190 = vector.broadcast %add3A_189 : i32 to vector<16xi32>
      %add3A_191 = arith.addi %broadcast_in_dim3A_183, %add3A_190 : vector<16xi32>
      %gather3A_192 = tpu.vector_load_idx %arg5[%add3A_191] : memref<3088xf32, #tpu.memory_space<vmem>>[vector<16xi32>], vector<16xf32>,
      %select_n3A_193 = arith.select %le3A_168, %add3A_167, %add3A_165 : i32
      %add3A_194 = arith.constant 31 : i32
      %add3A_195 = arith.addi %select_n3A_193, %add3A_194 : i32
      %jit3A_196 = arith.constant 32 : i32
      %div3A_197 = arith.divsi %add3A_195, %jit3A_196 : i32
      %sign3A_198 = arith.constant 0 : i32
      %sign3A_199 = arith.cmpi sgt, %add3A_195, %sign3A_198 : i32
      %sign3A_200 = arith.extui %sign3A_199 : i1 to i32
      %sign3A_201 = arith.constant 0 : i32
      %sign3A_202 = arith.cmpi slt, %add3A_195, %sign3A_201 : i32
      %sign3A_203 = arith.extui %sign3A_202 : i1 to i32
      %sign3A_204 = arith.subi %sign3A_200, %sign3A_203 : i32
      %sign3A_205 = arith.constant 0 : i32
      %sign3A_206 = arith.cmpi sgt, %jit3A_196, %sign3A_205 : i32
      %sign3A_207 = arith.extui %sign3A_206 : i1 to i32
      %sign3A_208 = arith.constant 0 : i32
      %sign3A_209 = arith.cmpi slt, %jit3A_196, %sign3A_208 : i32
      %sign3A_210 = arith.extui %sign3A_209 : i1 to i32
      %sign3A_211 = arith.subi %sign3A_207, %sign3A_210 : i32
      %ne3A_212 = arith.cmpi ne, %sign3A_204, %sign3A_211 : i32
      %rem3A_213 = arith.remsi %add3A_195, %jit3A_196 : i32
      %ne3A_214 = arith.constant 0 : i32
      %ne3A_215 = arith.cmpi ne, %rem3A_213, %ne3A_214 : i32
      %and3A_216 = arith.andi %ne3A_212, %ne3A_215 : i1
      %sub3A_217 = arith.constant 1 : i32
      %sub3A_218 = arith.subi %div3A_197, %sub3A_217 : i32
      %select_n3A_219 = arith.select %and3A_216, %sub3A_218, %div3A_197 : i32
      %while3A_220 = arith.constant 0 : i32
      %while3A_221 = arith.subi %select_n3A_219, %while3A_220 : i32
      %while3A_222 = arith.addi %while3A_220, %while3A_221 : i32
      %while3A_223 = arith.constant 1 : i32
      %while3A_224 = arith.divsi %while3A_221, %while3A_223 : i32
      %while3A_225 = arith.muli %while3A_224, %while3A_223 : i32
      %while3A_226 = arith.addi %while3A_220, %while3A_225 : i32
      %while3A_227 = arith.constant 1 : i32
      %while3A_228 = scf.for %while3A_231 = %while3A_220 to %while3A_226 step %while3A_227 iter_args(%while3A_232 = %while3A_162) -> (vector<16xi32>)  : i32 {
        %mul3A_233 = arith.constant 32 : i32
        %mul3A_234 = arith.muli %while3A_231, %mul3A_233 : i32
        %add3A_235 = arith.constant 512 : i32
        %add3A_236 = arith.addi %add3A_235, %mul3A_234 : i32
        %mul3A_237 = arith.constant 32 : i32
        %mul3A_238 = arith.muli %while3A_231, %mul3A_237 : i32
        %add3A_239 = vector.broadcast %mul3A_238 : i32 to vector<16xi32>
        %add3A_240 = arith.addi %add3A_239, %iota3A : vector<16xi32>
        %get3A = arith.index_cast %add3A_236 : i32 to index
        %get3A_241 = tpu.vector_load %arg5[%get3A] {strides = array<i32>} : memref<3088xf32, #tpu.memory_space<vmem>>, vector<16xf32>,
        %add3A_242 = arith.constant 16 : i32
        %add3A_243 = arith.addi %add3A_236, %add3A_242 : i32
        %get3A_244 = arith.index_cast %add3A_243 : i32 to index
        %get3A_245 = tpu.vector_load %arg5[%get3A_244] {strides = array<i32>} : memref<3088xf32, #tpu.memory_space<vmem>>, vector<16xf32>,
        %add3A_246 = arith.constant 1024 : i32
        %add3A_247 = arith.addi %add3A_236, %add3A_246 : i32
        %get3A_248 = arith.index_cast %add3A_247 : i32 to index
        %get3A_249 = tpu.vector_load %arg5[%get3A_248] {strides = array<i32>} : memref<3088xf32, #tpu.memory_space<vmem>>, vector<16xf32>,
        %add3A_250 = arith.constant 1024 : i32
        %add3A_251 = arith.addi %add3A_236, %add3A_250 : i32
        %add3A_252 = arith.constant 16 : i32
        %add3A_253 = arith.addi %add3A_251, %add3A_252 : i32
        %get3A_254 = arith.index_cast %add3A_253 : i32 to index
        %get3A_255 = tpu.vector_load %arg5[%get3A_254] {strides = array<i32>} : memref<3088xf32, #tpu.memory_space<vmem>>, vector<16xf32>,
        %add3A_256 = arith.constant 2048 : i32
        %add3A_257 = arith.addi %add3A_236, %add3A_256 : i32
        %get3A_258 = arith.index_cast %add3A_257 : i32 to index
        %get3A_259 = tpu.vector_load %arg5[%get3A_258] {strides = array<i32>} : memref<3088xf32, #tpu.memory_space<vmem>>, vector<16xf32>,
        %add3A_260 = arith.constant 2048 : i32
        %add3A_261 = arith.addi %add3A_236, %add3A_260 : i32
        %add3A_262 = arith.constant 16 : i32
        %add3A_263 = arith.addi %add3A_261, %add3A_262 : i32
        %get3A_264 = arith.index_cast %add3A_263 : i32 to index
        %get3A_265 = tpu.vector_load %arg5[%get3A_264] {strides = array<i32>} : memref<3088xf32, #tpu.memory_space<vmem>>, vector<16xf32>,
        %sub3A_266 = arith.subf %gather3A, %get3A_241 : vector<16xf32>
        %abs3A = math.absf %sub3A_266 : vector<16xf32>
        %sub3A_267 = arith.constant 1.000000e+00 : f32
        %sub3A_268 = vector.broadcast %sub3A_267 : f32 to vector<16xf32>
        %sub3A_269 = arith.subf %sub3A_268, %abs3A : vector<16xf32>
        %mul3A_270 = arith.mulf %abs3A, %abs3A : vector<16xf32>
        %mul3A_271 = arith.mulf %sub3A_269, %sub3A_269 : vector<16xf32>
        %min3A = arith.minimumf %mul3A_270, %mul3A_271 : vector<16xf32>
        %sub3A_272 = arith.subf %gather3A_175, %get3A_249 : vector<16xf32>
        %abs3A_273 = math.absf %sub3A_272 : vector<16xf32>
        %sub3A_274 = arith.constant 1.000000e+00 : f32
        %sub3A_275 = vector.broadcast %sub3A_274 : f32 to vector<16xf32>
        %sub3A_276 = arith.subf %sub3A_275, %abs3A_273 : vector<16xf32>
        %mul3A_277 = arith.mulf %abs3A_273, %abs3A_273 : vector<16xf32>
        %mul3A_278 = arith.mulf %sub3A_276, %sub3A_276 : vector<16xf32>
        %min3A_279 = arith.minimumf %mul3A_277, %mul3A_278 : vector<16xf32>
        %add3A_280 = arith.addf %min3A, %min3A_279 : vector<16xf32>
        %sub3A_281 = arith.subf %gather3A_179, %get3A_259 : vector<16xf32>
        %abs3A_282 = math.absf %sub3A_281 : vector<16xf32>
        %sub3A_283 = arith.constant 1.000000e+00 : f32
        %sub3A_284 = vector.broadcast %sub3A_283 : f32 to vector<16xf32>
        %sub3A_285 = arith.subf %sub3A_284, %abs3A_282 : vector<16xf32>
        %mul3A_286 = arith.mulf %abs3A_282, %abs3A_282 : vector<16xf32>
        %mul3A_287 = arith.mulf %sub3A_285, %sub3A_285 : vector<16xf32>
        %min3A_288 = arith.minimumf %mul3A_286, %mul3A_287 : vector<16xf32>
        %add3A_289 = arith.addf %add3A_280, %min3A_288 : vector<16xf32>
        %sub3A_290 = arith.subf %gather3A, %get3A_245 : vector<16xf32>
        %abs3A_291 = math.absf %sub3A_290 : vector<16xf32>
        %sub3A_292 = arith.constant 1.000000e+00 : f32
        %sub3A_293 = vector.broadcast %sub3A_292 : f32 to vector<16xf32>
        %sub3A_294 = arith.subf %sub3A_293, %abs3A_291 : vector<16xf32>
        %mul3A_295 = arith.mulf %abs3A_291, %abs3A_291 : vector<16xf32>
        %mul3A_296 = arith.mulf %sub3A_294, %sub3A_294 : vector<16xf32>
        %min3A_297 = arith.minimumf %mul3A_295, %mul3A_296 : vector<16xf32>
        %sub3A_298 = arith.subf %gather3A_175, %get3A_255 : vector<16xf32>
        %abs3A_299 = math.absf %sub3A_298 : vector<16xf32>
        %sub3A_300 = arith.constant 1.000000e+00 : f32
        %sub3A_301 = vector.broadcast %sub3A_300 : f32 to vector<16xf32>
        %sub3A_302 = arith.subf %sub3A_301, %abs3A_299 : vector<16xf32>
        %mul3A_303 = arith.mulf %abs3A_299, %abs3A_299 : vector<16xf32>
        %mul3A_304 = arith.mulf %sub3A_302, %sub3A_302 : vector<16xf32>
        %min3A_305 = arith.minimumf %mul3A_303, %mul3A_304 : vector<16xf32>
        %add3A_306 = arith.addf %min3A_297, %min3A_305 : vector<16xf32>
        %sub3A_307 = arith.subf %gather3A_179, %get3A_265 : vector<16xf32>
        %abs3A_308 = math.absf %sub3A_307 : vector<16xf32>
        %sub3A_309 = arith.constant 1.000000e+00 : f32
        %sub3A_310 = vector.broadcast %sub3A_309 : f32 to vector<16xf32>
        %sub3A_311 = arith.subf %sub3A_310, %abs3A_308 : vector<16xf32>
        %mul3A_312 = arith.mulf %abs3A_308, %abs3A_308 : vector<16xf32>
        %mul3A_313 = arith.mulf %sub3A_311, %sub3A_311 : vector<16xf32>
        %min3A_314 = arith.minimumf %mul3A_312, %mul3A_313 : vector<16xf32>
        %add3A_315 = arith.addf %add3A_306, %min3A_314 : vector<16xf32>
        %sub3A_316 = arith.subf %gather3A_184, %get3A_241 : vector<16xf32>
        %abs3A_317 = math.absf %sub3A_316 : vector<16xf32>
        %sub3A_318 = arith.constant 1.000000e+00 : f32
        %sub3A_319 = vector.broadcast %sub3A_318 : f32 to vector<16xf32>
        %sub3A_320 = arith.subf %sub3A_319, %abs3A_317 : vector<16xf32>
        %mul3A_321 = arith.mulf %abs3A_317, %abs3A_317 : vector<16xf32>
        %mul3A_322 = arith.mulf %sub3A_320, %sub3A_320 : vector<16xf32>
        %min3A_323 = arith.minimumf %mul3A_321, %mul3A_322 : vector<16xf32>
        %sub3A_324 = arith.subf %gather3A_188, %get3A_249 : vector<16xf32>
        %abs3A_325 = math.absf %sub3A_324 : vector<16xf32>
        %sub3A_326 = arith.constant 1.000000e+00 : f32
        %sub3A_327 = vector.broadcast %sub3A_326 : f32 to vector<16xf32>
        %sub3A_328 = arith.subf %sub3A_327, %abs3A_325 : vector<16xf32>
        %mul3A_329 = arith.mulf %abs3A_325, %abs3A_325 : vector<16xf32>
        %mul3A_330 = arith.mulf %sub3A_328, %sub3A_328 : vector<16xf32>
        %min3A_331 = arith.minimumf %mul3A_329, %mul3A_330 : vector<16xf32>
        %add3A_332 = arith.addf %min3A_323, %min3A_331 : vector<16xf32>
        %sub3A_333 = arith.subf %gather3A_192, %get3A_259 : vector<16xf32>
        %abs3A_334 = math.absf %sub3A_333 : vector<16xf32>
        %sub3A_335 = arith.constant 1.000000e+00 : f32
        %sub3A_336 = vector.broadcast %sub3A_335 : f32 to vector<16xf32>
        %sub3A_337 = arith.subf %sub3A_336, %abs3A_334 : vector<16xf32>
        %mul3A_338 = arith.mulf %abs3A_334, %abs3A_334 : vector<16xf32>
        %mul3A_339 = arith.mulf %sub3A_337, %sub3A_337 : vector<16xf32>
        %min3A_340 = arith.minimumf %mul3A_338, %mul3A_339 : vector<16xf32>
        %add3A_341 = arith.addf %add3A_332, %min3A_340 : vector<16xf32>
        %sub3A_342 = arith.subf %gather3A_184, %get3A_245 : vector<16xf32>
        %abs3A_343 = math.absf %sub3A_342 : vector<16xf32>
        %sub3A_344 = arith.constant 1.000000e+00 : f32
        %sub3A_345 = vector.broadcast %sub3A_344 : f32 to vector<16xf32>
        %sub3A_346 = arith.subf %sub3A_345, %abs3A_343 : vector<16xf32>
        %mul3A_347 = arith.mulf %abs3A_343, %abs3A_343 : vector<16xf32>
        %mul3A_348 = arith.mulf %sub3A_346, %sub3A_346 : vector<16xf32>
        %min3A_349 = arith.minimumf %mul3A_347, %mul3A_348 : vector<16xf32>
        %sub3A_350 = arith.subf %gather3A_188, %get3A_255 : vector<16xf32>
        %abs3A_351 = math.absf %sub3A_350 : vector<16xf32>
        %sub3A_352 = arith.constant 1.000000e+00 : f32
        %sub3A_353 = vector.broadcast %sub3A_352 : f32 to vector<16xf32>
        %sub3A_354 = arith.subf %sub3A_353, %abs3A_351 : vector<16xf32>
        %mul3A_355 = arith.mulf %abs3A_351, %abs3A_351 : vector<16xf32>
        %mul3A_356 = arith.mulf %sub3A_354, %sub3A_354 : vector<16xf32>
        %min3A_357 = arith.minimumf %mul3A_355, %mul3A_356 : vector<16xf32>
        %add3A_358 = arith.addf %min3A_349, %min3A_357 : vector<16xf32>
        %sub3A_359 = arith.subf %gather3A_192, %get3A_265 : vector<16xf32>
        %abs3A_360 = math.absf %sub3A_359 : vector<16xf32>
        %sub3A_361 = arith.constant 1.000000e+00 : f32
        %sub3A_362 = vector.broadcast %sub3A_361 : f32 to vector<16xf32>
        %sub3A_363 = arith.subf %sub3A_362, %abs3A_360 : vector<16xf32>
        %mul3A_364 = arith.mulf %abs3A_360, %abs3A_360 : vector<16xf32>
        %mul3A_365 = arith.mulf %sub3A_363, %sub3A_363 : vector<16xf32>
        %min3A_366 = arith.minimumf %mul3A_364, %mul3A_365 : vector<16xf32>
        %add3A_367 = arith.addf %add3A_358, %min3A_366 : vector<16xf32>
        %lt3A = arith.constant 0.132598966 : f32
        %lt3A_368 = vector.broadcast %lt3A : f32 to vector<16xf32>
        %lt3A_369 = arith.cmpf olt, %add3A_289, %lt3A_368 : vector<16xf32>
        %ne3A_370 = arith.constant 0.000000e+00 : f32
        %ne3A_371 = vector.broadcast %ne3A_370 : f32 to vector<16xf32>
        %ne3A_372 = arith.cmpf one, %add3A_289, %ne3A_371 : vector<16xf32>
        %and3A_373 = arith.andi %lt3A_369, %ne3A_372 : vector<16xi1>
        %lt3A_374 = vector.broadcast %add3A_165 : i32 to vector<16xi32>
        %lt3A_375 = arith.cmpi slt, %add3A_240, %lt3A_374 : vector<16xi32>
        %and3A_376 = arith.andi %and3A_373, %lt3A_375 : vector<16xi1>
        %lt3A_377 = arith.constant 0.132598966 : f32
        %lt3A_378 = vector.broadcast %lt3A_377 : f32 to vector<16xf32>
        %lt3A_379 = arith.cmpf olt, %add3A_315, %lt3A_378 : vector<16xf32>
        %ne3A_380 = arith.constant 0.000000e+00 : f32
        %ne3A_381 = vector.broadcast %ne3A_380 : f32 to vector<16xf32>
        %ne3A_382 = arith.cmpf one, %add3A_315, %ne3A_381 : vector<16xf32>
        %and3A_383 = arith.andi %lt3A_379, %ne3A_382 : vector<16xi1>
        %add3A_384 = arith.constant 16 : i32
        %add3A_385 = vector.broadcast %add3A_384 : i32 to vector<16xi32>
        %add3A_386 = arith.addi %add3A_240, %add3A_385 : vector<16xi32>
        %lt3A_387 = vector.broadcast %add3A_165 : i32 to vector<16xi32>
        %lt3A_388 = arith.cmpi slt, %add3A_386, %lt3A_387 : vector<16xi32>
        %and3A_389 = arith.andi %and3A_383, %lt3A_388 : vector<16xi1>
        %lt3A_390 = arith.constant 0.132598966 : f32
        %lt3A_391 = vector.broadcast %lt3A_390 : f32 to vector<16xf32>
        %lt3A_392 = arith.cmpf olt, %add3A_341, %lt3A_391 : vector<16xf32>
        %ne3A_393 = arith.constant 0.000000e+00 : f32
        %ne3A_394 = vector.broadcast %ne3A_393 : f32 to vector<16xf32>
        %ne3A_395 = arith.cmpf one, %add3A_341, %ne3A_394 : vector<16xf32>
        %and3A_396 = arith.andi %lt3A_392, %ne3A_395 : vector<16xi1>
        %lt3A_397 = vector.broadcast %add3A_167 : i32 to vector<16xi32>
        %lt3A_398 = arith.cmpi slt, %add3A_240, %lt3A_397 : vector<16xi32>
        %and3A_399 = arith.andi %and3A_396, %lt3A_398 : vector<16xi1>
        %and3A_400 = vector.broadcast %le3A_168 : i1 to vector<16xi1>
        %and3A_401 = arith.andi %and3A_399, %and3A_400 : vector<16xi1>
        %lt3A_402 = arith.constant 0.132598966 : f32
        %lt3A_403 = vector.broadcast %lt3A_402 : f32 to vector<16xf32>
        %lt3A_404 = arith.cmpf olt, %add3A_367, %lt3A_403 : vector<16xf32>
        %ne3A_405 = arith.constant 0.000000e+00 : f32
        %ne3A_406 = vector.broadcast %ne3A_405 : f32 to vector<16xf32>
        %ne3A_407 = arith.cmpf one, %add3A_367, %ne3A_406 : vector<16xf32>
        %and3A_408 = arith.andi %lt3A_404, %ne3A_407 : vector<16xi1>
        %add3A_409 = arith.constant 16 : i32
        %add3A_410 = vector.broadcast %add3A_409 : i32 to vector<16xi32>
        %add3A_411 = arith.addi %add3A_240, %add3A_410 : vector<16xi32>
        %lt3A_412 = vector.broadcast %add3A_167 : i32 to vector<16xi32>
        %lt3A_413 = arith.cmpi slt, %add3A_411, %lt3A_412 : vector<16xi32>
        %and3A_414 = arith.andi %and3A_408, %lt3A_413 : vector<16xi1>
        %and3A_415 = vector.broadcast %le3A_168 : i1 to vector<16xi1>
        %and3A_416 = arith.andi %and3A_414, %and3A_415 : vector<16xi1>
        %add3A_417 = arith.addi %mul3A_20, %while3A_232 : vector<16xi32>
        tpu.vector_store_idx %arg6[%add3A_417], %add3A_289 masked %and3A_376 : memref<8704xf32, #tpu.memory_space<vmem>>[vector<16xi32>], vector<16xf32>, vector<16xi1>
        %convert_element_type3A = arith.extui %and3A_376 : vector<16xi1> to vector<16xi32>
        %add3A_418 = arith.addi %while3A_232, %convert_element_type3A : vector<16xi32>
        %add3A_419 = arith.addi %mul3A_20, %add3A_418 : vector<16xi32>
        tpu.vector_store_idx %arg6[%add3A_419], %add3A_315 masked %and3A_389 : memref<8704xf32, #tpu.memory_space<vmem>>[vector<16xi32>], vector<16xf32>, vector<16xi1>
        %convert_element_type3A_420 = arith.extui %and3A_389 : vector<16xi1> to vector<16xi32>
        %add3A_421 = arith.addi %add3A_418, %convert_element_type3A_420 : vector<16xi32>
        %add3A_422 = arith.addi %mul3A_20, %add3A_421 : vector<16xi32>
        tpu.vector_store_idx %arg6[%add3A_422], %add3A_341 masked %and3A_401 : memref<8704xf32, #tpu.memory_space<vmem>>[vector<16xi32>], vector<16xf32>, vector<16xi1>
        %convert_element_type3A_423 = arith.extui %and3A_401 : vector<16xi1> to vector<16xi32>
        %add3A_424 = arith.addi %add3A_421, %convert_element_type3A_423 : vector<16xi32>
        %add3A_425 = arith.addi %mul3A_20, %add3A_424 : vector<16xi32>
        tpu.vector_store_idx %arg6[%add3A_425], %add3A_367 masked %and3A_416 : memref<8704xf32, #tpu.memory_space<vmem>>[vector<16xi32>], vector<16xf32>, vector<16xi1>
        %convert_element_type3A_426 = arith.extui %and3A_416 : vector<16xi1> to vector<16xi32>
        %add3A_427 = arith.addi %add3A_424, %convert_element_type3A_426 : vector<16xi32>
        scf.yield %add3A_427 : vector<16xi32>
      }
      %while3A_229 = arith.constant 1 : i32
      %while3A_230 = scf.for %while3A_231 = %while3A_226 to %while3A_222 step %while3A_229 iter_args(%while3A_232 = %while3A_228) -> (vector<16xi32>)  : i32 {
        %mul3A_233 = arith.constant 32 : i32
        %mul3A_234 = arith.muli %while3A_231, %mul3A_233 : i32
        %add3A_235 = arith.constant 512 : i32
        %add3A_236 = arith.addi %add3A_235, %mul3A_234 : i32
        %mul3A_237 = arith.constant 32 : i32
        %mul3A_238 = arith.muli %while3A_231, %mul3A_237 : i32
        %add3A_239 = vector.broadcast %mul3A_238 : i32 to vector<16xi32>
        %add3A_240 = arith.addi %add3A_239, %iota3A : vector<16xi32>
        %get3A = arith.index_cast %add3A_236 : i32 to index
        %get3A_241 = tpu.vector_load %arg5[%get3A] {strides = array<i32>} : memref<3088xf32, #tpu.memory_space<vmem>>, vector<16xf32>,
        %add3A_242 = arith.constant 16 : i32
        %add3A_243 = arith.addi %add3A_236, %add3A_242 : i32
        %get3A_244 = arith.index_cast %add3A_243 : i32 to index
        %get3A_245 = tpu.vector_load %arg5[%get3A_244] {strides = array<i32>} : memref<3088xf32, #tpu.memory_space<vmem>>, vector<16xf32>,
        %add3A_246 = arith.constant 1024 : i32
        %add3A_247 = arith.addi %add3A_236, %add3A_246 : i32
        %get3A_248 = arith.index_cast %add3A_247 : i32 to index
        %get3A_249 = tpu.vector_load %arg5[%get3A_248] {strides = array<i32>} : memref<3088xf32, #tpu.memory_space<vmem>>, vector<16xf32>,
        %add3A_250 = arith.constant 1024 : i32
        %add3A_251 = arith.addi %add3A_236, %add3A_250 : i32
        %add3A_252 = arith.constant 16 : i32
        %add3A_253 = arith.addi %add3A_251, %add3A_252 : i32
        %get3A_254 = arith.index_cast %add3A_253 : i32 to index
        %get3A_255 = tpu.vector_load %arg5[%get3A_254] {strides = array<i32>} : memref<3088xf32, #tpu.memory_space<vmem>>, vector<16xf32>,
        %add3A_256 = arith.constant 2048 : i32
        %add3A_257 = arith.addi %add3A_236, %add3A_256 : i32
        %get3A_258 = arith.index_cast %add3A_257 : i32 to index
        %get3A_259 = tpu.vector_load %arg5[%get3A_258] {strides = array<i32>} : memref<3088xf32, #tpu.memory_space<vmem>>, vector<16xf32>,
        %add3A_260 = arith.constant 2048 : i32
        %add3A_261 = arith.addi %add3A_236, %add3A_260 : i32
        %add3A_262 = arith.constant 16 : i32
        %add3A_263 = arith.addi %add3A_261, %add3A_262 : i32
        %get3A_264 = arith.index_cast %add3A_263 : i32 to index
        %get3A_265 = tpu.vector_load %arg5[%get3A_264] {strides = array<i32>} : memref<3088xf32, #tpu.memory_space<vmem>>, vector<16xf32>,
        %sub3A_266 = arith.subf %gather3A, %get3A_241 : vector<16xf32>
        %abs3A = math.absf %sub3A_266 : vector<16xf32>
        %sub3A_267 = arith.constant 1.000000e+00 : f32
        %sub3A_268 = vector.broadcast %sub3A_267 : f32 to vector<16xf32>
        %sub3A_269 = arith.subf %sub3A_268, %abs3A : vector<16xf32>
        %mul3A_270 = arith.mulf %abs3A, %abs3A : vector<16xf32>
        %mul3A_271 = arith.mulf %sub3A_269, %sub3A_269 : vector<16xf32>
        %min3A = arith.minimumf %mul3A_270, %mul3A_271 : vector<16xf32>
        %sub3A_272 = arith.subf %gather3A_175, %get3A_249 : vector<16xf32>
        %abs3A_273 = math.absf %sub3A_272 : vector<16xf32>
        %sub3A_274 = arith.constant 1.000000e+00 : f32
        %sub3A_275 = vector.broadcast %sub3A_274 : f32 to vector<16xf32>
        %sub3A_276 = arith.subf %sub3A_275, %abs3A_273 : vector<16xf32>
        %mul3A_277 = arith.mulf %abs3A_273, %abs3A_273 : vector<16xf32>
        %mul3A_278 = arith.mulf %sub3A_276, %sub3A_276 : vector<16xf32>
        %min3A_279 = arith.minimumf %mul3A_277, %mul3A_278 : vector<16xf32>
        %add3A_280 = arith.addf %min3A, %min3A_279 : vector<16xf32>
        %sub3A_281 = arith.subf %gather3A_179, %get3A_259 : vector<16xf32>
        %abs3A_282 = math.absf %sub3A_281 : vector<16xf32>
        %sub3A_283 = arith.constant 1.000000e+00 : f32
        %sub3A_284 = vector.broadcast %sub3A_283 : f32 to vector<16xf32>
        %sub3A_285 = arith.subf %sub3A_284, %abs3A_282 : vector<16xf32>
        %mul3A_286 = arith.mulf %abs3A_282, %abs3A_282 : vector<16xf32>
        %mul3A_287 = arith.mulf %sub3A_285, %sub3A_285 : vector<16xf32>
        %min3A_288 = arith.minimumf %mul3A_286, %mul3A_287 : vector<16xf32>
        %add3A_289 = arith.addf %add3A_280, %min3A_288 : vector<16xf32>
        %sub3A_290 = arith.subf %gather3A, %get3A_245 : vector<16xf32>
        %abs3A_291 = math.absf %sub3A_290 : vector<16xf32>
        %sub3A_292 = arith.constant 1.000000e+00 : f32
        %sub3A_293 = vector.broadcast %sub3A_292 : f32 to vector<16xf32>
        %sub3A_294 = arith.subf %sub3A_293, %abs3A_291 : vector<16xf32>
        %mul3A_295 = arith.mulf %abs3A_291, %abs3A_291 : vector<16xf32>
        %mul3A_296 = arith.mulf %sub3A_294, %sub3A_294 : vector<16xf32>
        %min3A_297 = arith.minimumf %mul3A_295, %mul3A_296 : vector<16xf32>
        %sub3A_298 = arith.subf %gather3A_175, %get3A_255 : vector<16xf32>
        %abs3A_299 = math.absf %sub3A_298 : vector<16xf32>
        %sub3A_300 = arith.constant 1.000000e+00 : f32
        %sub3A_301 = vector.broadcast %sub3A_300 : f32 to vector<16xf32>
        %sub3A_302 = arith.subf %sub3A_301, %abs3A_299 : vector<16xf32>
        %mul3A_303 = arith.mulf %abs3A_299, %abs3A_299 : vector<16xf32>
        %mul3A_304 = arith.mulf %sub3A_302, %sub3A_302 : vector<16xf32>
        %min3A_305 = arith.minimumf %mul3A_303, %mul3A_304 : vector<16xf32>
        %add3A_306 = arith.addf %min3A_297, %min3A_305 : vector<16xf32>
        %sub3A_307 = arith.subf %gather3A_179, %get3A_265 : vector<16xf32>
        %abs3A_308 = math.absf %sub3A_307 : vector<16xf32>
        %sub3A_309 = arith.constant 1.000000e+00 : f32
        %sub3A_310 = vector.broadcast %sub3A_309 : f32 to vector<16xf32>
        %sub3A_311 = arith.subf %sub3A_310, %abs3A_308 : vector<16xf32>
        %mul3A_312 = arith.mulf %abs3A_308, %abs3A_308 : vector<16xf32>
        %mul3A_313 = arith.mulf %sub3A_311, %sub3A_311 : vector<16xf32>
        %min3A_314 = arith.minimumf %mul3A_312, %mul3A_313 : vector<16xf32>
        %add3A_315 = arith.addf %add3A_306, %min3A_314 : vector<16xf32>
        %sub3A_316 = arith.subf %gather3A_184, %get3A_241 : vector<16xf32>
        %abs3A_317 = math.absf %sub3A_316 : vector<16xf32>
        %sub3A_318 = arith.constant 1.000000e+00 : f32
        %sub3A_319 = vector.broadcast %sub3A_318 : f32 to vector<16xf32>
        %sub3A_320 = arith.subf %sub3A_319, %abs3A_317 : vector<16xf32>
        %mul3A_321 = arith.mulf %abs3A_317, %abs3A_317 : vector<16xf32>
        %mul3A_322 = arith.mulf %sub3A_320, %sub3A_320 : vector<16xf32>
        %min3A_323 = arith.minimumf %mul3A_321, %mul3A_322 : vector<16xf32>
        %sub3A_324 = arith.subf %gather3A_188, %get3A_249 : vector<16xf32>
        %abs3A_325 = math.absf %sub3A_324 : vector<16xf32>
        %sub3A_326 = arith.constant 1.000000e+00 : f32
        %sub3A_327 = vector.broadcast %sub3A_326 : f32 to vector<16xf32>
        %sub3A_328 = arith.subf %sub3A_327, %abs3A_325 : vector<16xf32>
        %mul3A_329 = arith.mulf %abs3A_325, %abs3A_325 : vector<16xf32>
        %mul3A_330 = arith.mulf %sub3A_328, %sub3A_328 : vector<16xf32>
        %min3A_331 = arith.minimumf %mul3A_329, %mul3A_330 : vector<16xf32>
        %add3A_332 = arith.addf %min3A_323, %min3A_331 : vector<16xf32>
        %sub3A_333 = arith.subf %gather3A_192, %get3A_259 : vector<16xf32>
        %abs3A_334 = math.absf %sub3A_333 : vector<16xf32>
        %sub3A_335 = arith.constant 1.000000e+00 : f32
        %sub3A_336 = vector.broadcast %sub3A_335 : f32 to vector<16xf32>
        %sub3A_337 = arith.subf %sub3A_336, %abs3A_334 : vector<16xf32>
        %mul3A_338 = arith.mulf %abs3A_334, %abs3A_334 : vector<16xf32>
        %mul3A_339 = arith.mulf %sub3A_337, %sub3A_337 : vector<16xf32>
        %min3A_340 = arith.minimumf %mul3A_338, %mul3A_339 : vector<16xf32>
        %add3A_341 = arith.addf %add3A_332, %min3A_340 : vector<16xf32>
        %sub3A_342 = arith.subf %gather3A_184, %get3A_245 : vector<16xf32>
        %abs3A_343 = math.absf %sub3A_342 : vector<16xf32>
        %sub3A_344 = arith.constant 1.000000e+00 : f32
        %sub3A_345 = vector.broadcast %sub3A_344 : f32 to vector<16xf32>
        %sub3A_346 = arith.subf %sub3A_345, %abs3A_343 : vector<16xf32>
        %mul3A_347 = arith.mulf %abs3A_343, %abs3A_343 : vector<16xf32>
        %mul3A_348 = arith.mulf %sub3A_346, %sub3A_346 : vector<16xf32>
        %min3A_349 = arith.minimumf %mul3A_347, %mul3A_348 : vector<16xf32>
        %sub3A_350 = arith.subf %gather3A_188, %get3A_255 : vector<16xf32>
        %abs3A_351 = math.absf %sub3A_350 : vector<16xf32>
        %sub3A_352 = arith.constant 1.000000e+00 : f32
        %sub3A_353 = vector.broadcast %sub3A_352 : f32 to vector<16xf32>
        %sub3A_354 = arith.subf %sub3A_353, %abs3A_351 : vector<16xf32>
        %mul3A_355 = arith.mulf %abs3A_351, %abs3A_351 : vector<16xf32>
        %mul3A_356 = arith.mulf %sub3A_354, %sub3A_354 : vector<16xf32>
        %min3A_357 = arith.minimumf %mul3A_355, %mul3A_356 : vector<16xf32>
        %add3A_358 = arith.addf %min3A_349, %min3A_357 : vector<16xf32>
        %sub3A_359 = arith.subf %gather3A_192, %get3A_265 : vector<16xf32>
        %abs3A_360 = math.absf %sub3A_359 : vector<16xf32>
        %sub3A_361 = arith.constant 1.000000e+00 : f32
        %sub3A_362 = vector.broadcast %sub3A_361 : f32 to vector<16xf32>
        %sub3A_363 = arith.subf %sub3A_362, %abs3A_360 : vector<16xf32>
        %mul3A_364 = arith.mulf %abs3A_360, %abs3A_360 : vector<16xf32>
        %mul3A_365 = arith.mulf %sub3A_363, %sub3A_363 : vector<16xf32>
        %min3A_366 = arith.minimumf %mul3A_364, %mul3A_365 : vector<16xf32>
        %add3A_367 = arith.addf %add3A_358, %min3A_366 : vector<16xf32>
        %lt3A = arith.constant 0.132598966 : f32
        %lt3A_368 = vector.broadcast %lt3A : f32 to vector<16xf32>
        %lt3A_369 = arith.cmpf olt, %add3A_289, %lt3A_368 : vector<16xf32>
        %ne3A_370 = arith.constant 0.000000e+00 : f32
        %ne3A_371 = vector.broadcast %ne3A_370 : f32 to vector<16xf32>
        %ne3A_372 = arith.cmpf one, %add3A_289, %ne3A_371 : vector<16xf32>
        %and3A_373 = arith.andi %lt3A_369, %ne3A_372 : vector<16xi1>
        %lt3A_374 = vector.broadcast %add3A_165 : i32 to vector<16xi32>
        %lt3A_375 = arith.cmpi slt, %add3A_240, %lt3A_374 : vector<16xi32>
        %and3A_376 = arith.andi %and3A_373, %lt3A_375 : vector<16xi1>
        %lt3A_377 = arith.constant 0.132598966 : f32
        %lt3A_378 = vector.broadcast %lt3A_377 : f32 to vector<16xf32>
        %lt3A_379 = arith.cmpf olt, %add3A_315, %lt3A_378 : vector<16xf32>
        %ne3A_380 = arith.constant 0.000000e+00 : f32
        %ne3A_381 = vector.broadcast %ne3A_380 : f32 to vector<16xf32>
        %ne3A_382 = arith.cmpf one, %add3A_315, %ne3A_381 : vector<16xf32>
        %and3A_383 = arith.andi %lt3A_379, %ne3A_382 : vector<16xi1>
        %add3A_384 = arith.constant 16 : i32
        %add3A_385 = vector.broadcast %add3A_384 : i32 to vector<16xi32>
        %add3A_386 = arith.addi %add3A_240, %add3A_385 : vector<16xi32>
        %lt3A_387 = vector.broadcast %add3A_165 : i32 to vector<16xi32>
        %lt3A_388 = arith.cmpi slt, %add3A_386, %lt3A_387 : vector<16xi32>
        %and3A_389 = arith.andi %and3A_383, %lt3A_388 : vector<16xi1>
        %lt3A_390 = arith.constant 0.132598966 : f32
        %lt3A_391 = vector.broadcast %lt3A_390 : f32 to vector<16xf32>
        %lt3A_392 = arith.cmpf olt, %add3A_341, %lt3A_391 : vector<16xf32>
        %ne3A_393 = arith.constant 0.000000e+00 : f32
        %ne3A_394 = vector.broadcast %ne3A_393 : f32 to vector<16xf32>
        %ne3A_395 = arith.cmpf one, %add3A_341, %ne3A_394 : vector<16xf32>
        %and3A_396 = arith.andi %lt3A_392, %ne3A_395 : vector<16xi1>
        %lt3A_397 = vector.broadcast %add3A_167 : i32 to vector<16xi32>
        %lt3A_398 = arith.cmpi slt, %add3A_240, %lt3A_397 : vector<16xi32>
        %and3A_399 = arith.andi %and3A_396, %lt3A_398 : vector<16xi1>
        %and3A_400 = vector.broadcast %le3A_168 : i1 to vector<16xi1>
        %and3A_401 = arith.andi %and3A_399, %and3A_400 : vector<16xi1>
        %lt3A_402 = arith.constant 0.132598966 : f32
        %lt3A_403 = vector.broadcast %lt3A_402 : f32 to vector<16xf32>
        %lt3A_404 = arith.cmpf olt, %add3A_367, %lt3A_403 : vector<16xf32>
        %ne3A_405 = arith.constant 0.000000e+00 : f32
        %ne3A_406 = vector.broadcast %ne3A_405 : f32 to vector<16xf32>
        %ne3A_407 = arith.cmpf one, %add3A_367, %ne3A_406 : vector<16xf32>
        %and3A_408 = arith.andi %lt3A_404, %ne3A_407 : vector<16xi1>
        %add3A_409 = arith.constant 16 : i32
        %add3A_410 = vector.broadcast %add3A_409 : i32 to vector<16xi32>
        %add3A_411 = arith.addi %add3A_240, %add3A_410 : vector<16xi32>
        %lt3A_412 = vector.broadcast %add3A_167 : i32 to vector<16xi32>
        %lt3A_413 = arith.cmpi slt, %add3A_411, %lt3A_412 : vector<16xi32>
        %and3A_414 = arith.andi %and3A_408, %lt3A_413 : vector<16xi1>
        %and3A_415 = vector.broadcast %le3A_168 : i1 to vector<16xi1>
        %and3A_416 = arith.andi %and3A_414, %and3A_415 : vector<16xi1>
        %add3A_417 = arith.addi %mul3A_20, %while3A_232 : vector<16xi32>
        tpu.vector_store_idx %arg6[%add3A_417], %add3A_289 masked %and3A_376 : memref<8704xf32, #tpu.memory_space<vmem>>[vector<16xi32>], vector<16xf32>, vector<16xi1>
        %convert_element_type3A = arith.extui %and3A_376 : vector<16xi1> to vector<16xi32>
        %add3A_418 = arith.addi %while3A_232, %convert_element_type3A : vector<16xi32>
        %add3A_419 = arith.addi %mul3A_20, %add3A_418 : vector<16xi32>
        tpu.vector_store_idx %arg6[%add3A_419], %add3A_315 masked %and3A_389 : memref<8704xf32, #tpu.memory_space<vmem>>[vector<16xi32>], vector<16xf32>, vector<16xi1>
        %convert_element_type3A_420 = arith.extui %and3A_389 : vector<16xi1> to vector<16xi32>
        %add3A_421 = arith.addi %add3A_418, %convert_element_type3A_420 : vector<16xi32>
        %add3A_422 = arith.addi %mul3A_20, %add3A_421 : vector<16xi32>
        tpu.vector_store_idx %arg6[%add3A_422], %add3A_341 masked %and3A_401 : memref<8704xf32, #tpu.memory_space<vmem>>[vector<16xi32>], vector<16xf32>, vector<16xi1>
        %convert_element_type3A_423 = arith.extui %and3A_401 : vector<16xi1> to vector<16xi32>
        %add3A_424 = arith.addi %add3A_421, %convert_element_type3A_423 : vector<16xi32>
        %add3A_425 = arith.addi %mul3A_20, %add3A_424 : vector<16xi32>
        tpu.vector_store_idx %arg6[%add3A_425], %add3A_367 masked %and3A_416 : memref<8704xf32, #tpu.memory_space<vmem>>[vector<16xi32>], vector<16xf32>, vector<16xi1>
        %convert_element_type3A_426 = arith.extui %and3A_416 : vector<16xi1> to vector<16xi32>
        %add3A_427 = arith.addi %add3A_424, %convert_element_type3A_426 : vector<16xi32>
        scf.yield %add3A_427 : vector<16xi32>
      }
      scf.yield %while3A_230 : vector<16xi32>
    }
    %while3A_142 = arith.constant 1 : i32
    %while3A_143 = scf.for %while3A_161 = %while3A_139 to %while3A_135 step %while3A_142 iter_args(%while3A_162 = %while3A_141) -> (vector<16xi32>)  : i32 {
      %mul3A_163 = arith.constant 64 : i32
      %mul3A_164 = arith.muli %mul3A_163, %while3A_161 : i32
      %add3A_165 = arith.addi %add3A, %mul3A_164 : i32
      %add3A_166 = arith.constant 32 : i32
      %add3A_167 = arith.addi %add3A_165, %add3A_166 : i32
      %le3A = arith.constant 499 : i32
      %le3A_168 = arith.cmpi sle, %add3A_167, %le3A : i32
      %add3A_169 = arith.constant 512 : i32
      %add3A_170 = arith.addi %add3A_169, %add3A_165 : i32
      %broadcast_in_dim3A_171 = vector.broadcast %add3A_170 : i32 to vector<16xi32>
      %gather3A = tpu.vector_load_idx %arg5[%broadcast_in_dim3A_171] : memref<3088xf32, #tpu.memory_space<vmem>>[vector<16xi32>], vector<16xf32>,
      %add3A_172 = arith.constant 1024 : i32
      %add3A_173 = vector.broadcast %add3A_172 : i32 to vector<16xi32>
      %add3A_174 = arith.addi %broadcast_in_dim3A_171, %add3A_173 : vector<16xi32>
      %gather3A_175 = tpu.vector_load_idx %arg5[%add3A_174] : memref<3088xf32, #tpu.memory_space<vmem>>[vector<16xi32>], vector<16xf32>,
      %add3A_176 = arith.constant 2048 : i32
      %add3A_177 = vector.broadcast %add3A_176 : i32 to vector<16xi32>
      %add3A_178 = arith.addi %broadcast_in_dim3A_171, %add3A_177 : vector<16xi32>
      %gather3A_179 = tpu.vector_load_idx %arg5[%add3A_178] : memref<3088xf32, #tpu.memory_space<vmem>>[vector<16xi32>], vector<16xf32>,
      %select_n3A_180 = arith.select %le3A_168, %add3A_167, %add3A_165 : i32
      %add3A_181 = arith.constant 512 : i32
      %add3A_182 = arith.addi %add3A_181, %select_n3A_180 : i32
      %broadcast_in_dim3A_183 = vector.broadcast %add3A_182 : i32 to vector<16xi32>
      %gather3A_184 = tpu.vector_load_idx %arg5[%broadcast_in_dim3A_183] : memref<3088xf32, #tpu.memory_space<vmem>>[vector<16xi32>], vector<16xf32>,
      %add3A_185 = arith.constant 1024 : i32
      %add3A_186 = vector.broadcast %add3A_185 : i32 to vector<16xi32>
      %add3A_187 = arith.addi %broadcast_in_dim3A_183, %add3A_186 : vector<16xi32>
      %gather3A_188 = tpu.vector_load_idx %arg5[%add3A_187] : memref<3088xf32, #tpu.memory_space<vmem>>[vector<16xi32>], vector<16xf32>,
      %add3A_189 = arith.constant 2048 : i32
      %add3A_190 = vector.broadcast %add3A_189 : i32 to vector<16xi32>
      %add3A_191 = arith.addi %broadcast_in_dim3A_183, %add3A_190 : vector<16xi32>
      %gather3A_192 = tpu.vector_load_idx %arg5[%add3A_191] : memref<3088xf32, #tpu.memory_space<vmem>>[vector<16xi32>], vector<16xf32>,
      %select_n3A_193 = arith.select %le3A_168, %add3A_167, %add3A_165 : i32
      %add3A_194 = arith.constant 31 : i32
      %add3A_195 = arith.addi %select_n3A_193, %add3A_194 : i32
      %jit3A_196 = arith.constant 32 : i32
      %div3A_197 = arith.divsi %add3A_195, %jit3A_196 : i32
      %sign3A_198 = arith.constant 0 : i32
      %sign3A_199 = arith.cmpi sgt, %add3A_195, %sign3A_198 : i32
      %sign3A_200 = arith.extui %sign3A_199 : i1 to i32
      %sign3A_201 = arith.constant 0 : i32
      %sign3A_202 = arith.cmpi slt, %add3A_195, %sign3A_201 : i32
      %sign3A_203 = arith.extui %sign3A_202 : i1 to i32
      %sign3A_204 = arith.subi %sign3A_200, %sign3A_203 : i32
      %sign3A_205 = arith.constant 0 : i32
      %sign3A_206 = arith.cmpi sgt, %jit3A_196, %sign3A_205 : i32
      %sign3A_207 = arith.extui %sign3A_206 : i1 to i32
      %sign3A_208 = arith.constant 0 : i32
      %sign3A_209 = arith.cmpi slt, %jit3A_196, %sign3A_208 : i32
      %sign3A_210 = arith.extui %sign3A_209 : i1 to i32
      %sign3A_211 = arith.subi %sign3A_207, %sign3A_210 : i32
      %ne3A_212 = arith.cmpi ne, %sign3A_204, %sign3A_211 : i32
      %rem3A_213 = arith.remsi %add3A_195, %jit3A_196 : i32
      %ne3A_214 = arith.constant 0 : i32
      %ne3A_215 = arith.cmpi ne, %rem3A_213, %ne3A_214 : i32
      %and3A_216 = arith.andi %ne3A_212, %ne3A_215 : i1
      %sub3A_217 = arith.constant 1 : i32
      %sub3A_218 = arith.subi %div3A_197, %sub3A_217 : i32
      %select_n3A_219 = arith.select %and3A_216, %sub3A_218, %div3A_197 : i32
      %while3A_220 = arith.constant 0 : i32
      %while3A_221 = arith.subi %select_n3A_219, %while3A_220 : i32
      %while3A_222 = arith.addi %while3A_220, %while3A_221 : i32
      %while3A_223 = arith.constant 1 : i32
      %while3A_224 = arith.divsi %while3A_221, %while3A_223 : i32
      %while3A_225 = arith.muli %while3A_224, %while3A_223 : i32
      %while3A_226 = arith.addi %while3A_220, %while3A_225 : i32
      %while3A_227 = arith.constant 1 : i32
      %while3A_228 = scf.for %while3A_231 = %while3A_220 to %while3A_226 step %while3A_227 iter_args(%while3A_232 = %while3A_162) -> (vector<16xi32>)  : i32 {
        %mul3A_233 = arith.constant 32 : i32
        %mul3A_234 = arith.muli %while3A_231, %mul3A_233 : i32
        %add3A_235 = arith.constant 512 : i32
        %add3A_236 = arith.addi %add3A_235, %mul3A_234 : i32
        %mul3A_237 = arith.constant 32 : i32
        %mul3A_238 = arith.muli %while3A_231, %mul3A_237 : i32
        %add3A_239 = vector.broadcast %mul3A_238 : i32 to vector<16xi32>
        %add3A_240 = arith.addi %add3A_239, %iota3A : vector<16xi32>
        %get3A = arith.index_cast %add3A_236 : i32 to index
        %get3A_241 = tpu.vector_load %arg5[%get3A] {strides = array<i32>} : memref<3088xf32, #tpu.memory_space<vmem>>, vector<16xf32>,
        %add3A_242 = arith.constant 16 : i32
        %add3A_243 = arith.addi %add3A_236, %add3A_242 : i32
        %get3A_244 = arith.index_cast %add3A_243 : i32 to index
        %get3A_245 = tpu.vector_load %arg5[%get3A_244] {strides = array<i32>} : memref<3088xf32, #tpu.memory_space<vmem>>, vector<16xf32>,
        %add3A_246 = arith.constant 1024 : i32
        %add3A_247 = arith.addi %add3A_236, %add3A_246 : i32
        %get3A_248 = arith.index_cast %add3A_247 : i32 to index
        %get3A_249 = tpu.vector_load %arg5[%get3A_248] {strides = array<i32>} : memref<3088xf32, #tpu.memory_space<vmem>>, vector<16xf32>,
        %add3A_250 = arith.constant 1024 : i32
        %add3A_251 = arith.addi %add3A_236, %add3A_250 : i32
        %add3A_252 = arith.constant 16 : i32
        %add3A_253 = arith.addi %add3A_251, %add3A_252 : i32
        %get3A_254 = arith.index_cast %add3A_253 : i32 to index
        %get3A_255 = tpu.vector_load %arg5[%get3A_254] {strides = array<i32>} : memref<3088xf32, #tpu.memory_space<vmem>>, vector<16xf32>,
        %add3A_256 = arith.constant 2048 : i32
        %add3A_257 = arith.addi %add3A_236, %add3A_256 : i32
        %get3A_258 = arith.index_cast %add3A_257 : i32 to index
        %get3A_259 = tpu.vector_load %arg5[%get3A_258] {strides = array<i32>} : memref<3088xf32, #tpu.memory_space<vmem>>, vector<16xf32>,
        %add3A_260 = arith.constant 2048 : i32
        %add3A_261 = arith.addi %add3A_236, %add3A_260 : i32
        %add3A_262 = arith.constant 16 : i32
        %add3A_263 = arith.addi %add3A_261, %add3A_262 : i32
        %get3A_264 = arith.index_cast %add3A_263 : i32 to index
        %get3A_265 = tpu.vector_load %arg5[%get3A_264] {strides = array<i32>} : memref<3088xf32, #tpu.memory_space<vmem>>, vector<16xf32>,
        %sub3A_266 = arith.subf %gather3A, %get3A_241 : vector<16xf32>
        %abs3A = math.absf %sub3A_266 : vector<16xf32>
        %sub3A_267 = arith.constant 1.000000e+00 : f32
        %sub3A_268 = vector.broadcast %sub3A_267 : f32 to vector<16xf32>
        %sub3A_269 = arith.subf %sub3A_268, %abs3A : vector<16xf32>
        %mul3A_270 = arith.mulf %abs3A, %abs3A : vector<16xf32>
        %mul3A_271 = arith.mulf %sub3A_269, %sub3A_269 : vector<16xf32>
        %min3A = arith.minimumf %mul3A_270, %mul3A_271 : vector<16xf32>
        %sub3A_272 = arith.subf %gather3A_175, %get3A_249 : vector<16xf32>
        %abs3A_273 = math.absf %sub3A_272 : vector<16xf32>
        %sub3A_274 = arith.constant 1.000000e+00 : f32
        %sub3A_275 = vector.broadcast %sub3A_274 : f32 to vector<16xf32>
        %sub3A_276 = arith.subf %sub3A_275, %abs3A_273 : vector<16xf32>
        %mul3A_277 = arith.mulf %abs3A_273, %abs3A_273 : vector<16xf32>
        %mul3A_278 = arith.mulf %sub3A_276, %sub3A_276 : vector<16xf32>
        %min3A_279 = arith.minimumf %mul3A_277, %mul3A_278 : vector<16xf32>
        %add3A_280 = arith.addf %min3A, %min3A_279 : vector<16xf32>
        %sub3A_281 = arith.subf %gather3A_179, %get3A_259 : vector<16xf32>
        %abs3A_282 = math.absf %sub3A_281 : vector<16xf32>
        %sub3A_283 = arith.constant 1.000000e+00 : f32
        %sub3A_284 = vector.broadcast %sub3A_283 : f32 to vector<16xf32>
        %sub3A_285 = arith.subf %sub3A_284, %abs3A_282 : vector<16xf32>
        %mul3A_286 = arith.mulf %abs3A_282, %abs3A_282 : vector<16xf32>
        %mul3A_287 = arith.mulf %sub3A_285, %sub3A_285 : vector<16xf32>
        %min3A_288 = arith.minimumf %mul3A_286, %mul3A_287 : vector<16xf32>
        %add3A_289 = arith.addf %add3A_280, %min3A_288 : vector<16xf32>
        %sub3A_290 = arith.subf %gather3A, %get3A_245 : vector<16xf32>
        %abs3A_291 = math.absf %sub3A_290 : vector<16xf32>
        %sub3A_292 = arith.constant 1.000000e+00 : f32
        %sub3A_293 = vector.broadcast %sub3A_292 : f32 to vector<16xf32>
        %sub3A_294 = arith.subf %sub3A_293, %abs3A_291 : vector<16xf32>
        %mul3A_295 = arith.mulf %abs3A_291, %abs3A_291 : vector<16xf32>
        %mul3A_296 = arith.mulf %sub3A_294, %sub3A_294 : vector<16xf32>
        %min3A_297 = arith.minimumf %mul3A_295, %mul3A_296 : vector<16xf32>
        %sub3A_298 = arith.subf %gather3A_175, %get3A_255 : vector<16xf32>
        %abs3A_299 = math.absf %sub3A_298 : vector<16xf32>
        %sub3A_300 = arith.constant 1.000000e+00 : f32
        %sub3A_301 = vector.broadcast %sub3A_300 : f32 to vector<16xf32>
        %sub3A_302 = arith.subf %sub3A_301, %abs3A_299 : vector<16xf32>
        %mul3A_303 = arith.mulf %abs3A_299, %abs3A_299 : vector<16xf32>
        %mul3A_304 = arith.mulf %sub3A_302, %sub3A_302 : vector<16xf32>
        %min3A_305 = arith.minimumf %mul3A_303, %mul3A_304 : vector<16xf32>
        %add3A_306 = arith.addf %min3A_297, %min3A_305 : vector<16xf32>
        %sub3A_307 = arith.subf %gather3A_179, %get3A_265 : vector<16xf32>
        %abs3A_308 = math.absf %sub3A_307 : vector<16xf32>
        %sub3A_309 = arith.constant 1.000000e+00 : f32
        %sub3A_310 = vector.broadcast %sub3A_309 : f32 to vector<16xf32>
        %sub3A_311 = arith.subf %sub3A_310, %abs3A_308 : vector<16xf32>
        %mul3A_312 = arith.mulf %abs3A_308, %abs3A_308 : vector<16xf32>
        %mul3A_313 = arith.mulf %sub3A_311, %sub3A_311 : vector<16xf32>
        %min3A_314 = arith.minimumf %mul3A_312, %mul3A_313 : vector<16xf32>
        %add3A_315 = arith.addf %add3A_306, %min3A_314 : vector<16xf32>
        %sub3A_316 = arith.subf %gather3A_184, %get3A_241 : vector<16xf32>
        %abs3A_317 = math.absf %sub3A_316 : vector<16xf32>
        %sub3A_318 = arith.constant 1.000000e+00 : f32
        %sub3A_319 = vector.broadcast %sub3A_318 : f32 to vector<16xf32>
        %sub3A_320 = arith.subf %sub3A_319, %abs3A_317 : vector<16xf32>
        %mul3A_321 = arith.mulf %abs3A_317, %abs3A_317 : vector<16xf32>
        %mul3A_322 = arith.mulf %sub3A_320, %sub3A_320 : vector<16xf32>
        %min3A_323 = arith.minimumf %mul3A_321, %mul3A_322 : vector<16xf32>
        %sub3A_324 = arith.subf %gather3A_188, %get3A_249 : vector<16xf32>
        %abs3A_325 = math.absf %sub3A_324 : vector<16xf32>
        %sub3A_326 = arith.constant 1.000000e+00 : f32
        %sub3A_327 = vector.broadcast %sub3A_326 : f32 to vector<16xf32>
        %sub3A_328 = arith.subf %sub3A_327, %abs3A_325 : vector<16xf32>
        %mul3A_329 = arith.mulf %abs3A_325, %abs3A_325 : vector<16xf32>
        %mul3A_330 = arith.mulf %sub3A_328, %sub3A_328 : vector<16xf32>
        %min3A_331 = arith.minimumf %mul3A_329, %mul3A_330 : vector<16xf32>
        %add3A_332 = arith.addf %min3A_323, %min3A_331 : vector<16xf32>
        %sub3A_333 = arith.subf %gather3A_192, %get3A_259 : vector<16xf32>
        %abs3A_334 = math.absf %sub3A_333 : vector<16xf32>
        %sub3A_335 = arith.constant 1.000000e+00 : f32
        %sub3A_336 = vector.broadcast %sub3A_335 : f32 to vector<16xf32>
        %sub3A_337 = arith.subf %sub3A_336, %abs3A_334 : vector<16xf32>
        %mul3A_338 = arith.mulf %abs3A_334, %abs3A_334 : vector<16xf32>
        %mul3A_339 = arith.mulf %sub3A_337, %sub3A_337 : vector<16xf32>
        %min3A_340 = arith.minimumf %mul3A_338, %mul3A_339 : vector<16xf32>
        %add3A_341 = arith.addf %add3A_332, %min3A_340 : vector<16xf32>
        %sub3A_342 = arith.subf %gather3A_184, %get3A_245 : vector<16xf32>
        %abs3A_343 = math.absf %sub3A_342 : vector<16xf32>
        %sub3A_344 = arith.constant 1.000000e+00 : f32
        %sub3A_345 = vector.broadcast %sub3A_344 : f32 to vector<16xf32>
        %sub3A_346 = arith.subf %sub3A_345, %abs3A_343 : vector<16xf32>
        %mul3A_347 = arith.mulf %abs3A_343, %abs3A_343 : vector<16xf32>
        %mul3A_348 = arith.mulf %sub3A_346, %sub3A_346 : vector<16xf32>
        %min3A_349 = arith.minimumf %mul3A_347, %mul3A_348 : vector<16xf32>
        %sub3A_350 = arith.subf %gather3A_188, %get3A_255 : vector<16xf32>
        %abs3A_351 = math.absf %sub3A_350 : vector<16xf32>
        %sub3A_352 = arith.constant 1.000000e+00 : f32
        %sub3A_353 = vector.broadcast %sub3A_352 : f32 to vector<16xf32>
        %sub3A_354 = arith.subf %sub3A_353, %abs3A_351 : vector<16xf32>
        %mul3A_355 = arith.mulf %abs3A_351, %abs3A_351 : vector<16xf32>
        %mul3A_356 = arith.mulf %sub3A_354, %sub3A_354 : vector<16xf32>
        %min3A_357 = arith.minimumf %mul3A_355, %mul3A_356 : vector<16xf32>
        %add3A_358 = arith.addf %min3A_349, %min3A_357 : vector<16xf32>
        %sub3A_359 = arith.subf %gather3A_192, %get3A_265 : vector<16xf32>
        %abs3A_360 = math.absf %sub3A_359 : vector<16xf32>
        %sub3A_361 = arith.constant 1.000000e+00 : f32
        %sub3A_362 = vector.broadcast %sub3A_361 : f32 to vector<16xf32>
        %sub3A_363 = arith.subf %sub3A_362, %abs3A_360 : vector<16xf32>
        %mul3A_364 = arith.mulf %abs3A_360, %abs3A_360 : vector<16xf32>
        %mul3A_365 = arith.mulf %sub3A_363, %sub3A_363 : vector<16xf32>
        %min3A_366 = arith.minimumf %mul3A_364, %mul3A_365 : vector<16xf32>
        %add3A_367 = arith.addf %add3A_358, %min3A_366 : vector<16xf32>
        %lt3A = arith.constant 0.132598966 : f32
        %lt3A_368 = vector.broadcast %lt3A : f32 to vector<16xf32>
        %lt3A_369 = arith.cmpf olt, %add3A_289, %lt3A_368 : vector<16xf32>
        %ne3A_370 = arith.constant 0.000000e+00 : f32
        %ne3A_371 = vector.broadcast %ne3A_370 : f32 to vector<16xf32>
        %ne3A_372 = arith.cmpf one, %add3A_289, %ne3A_371 : vector<16xf32>
        %and3A_373 = arith.andi %lt3A_369, %ne3A_372 : vector<16xi1>
        %lt3A_374 = vector.broadcast %add3A_165 : i32 to vector<16xi32>
        %lt3A_375 = arith.cmpi slt, %add3A_240, %lt3A_374 : vector<16xi32>
        %and3A_376 = arith.andi %and3A_373, %lt3A_375 : vector<16xi1>
        %lt3A_377 = arith.constant 0.132598966 : f32
        %lt3A_378 = vector.broadcast %lt3A_377 : f32 to vector<16xf32>
        %lt3A_379 = arith.cmpf olt, %add3A_315, %lt3A_378 : vector<16xf32>
        %ne3A_380 = arith.constant 0.000000e+00 : f32
        %ne3A_381 = vector.broadcast %ne3A_380 : f32 to vector<16xf32>
        %ne3A_382 = arith.cmpf one, %add3A_315, %ne3A_381 : vector<16xf32>
        %and3A_383 = arith.andi %lt3A_379, %ne3A_382 : vector<16xi1>
        %add3A_384 = arith.constant 16 : i32
        %add3A_385 = vector.broadcast %add3A_384 : i32 to vector<16xi32>
        %add3A_386 = arith.addi %add3A_240, %add3A_385 : vector<16xi32>
        %lt3A_387 = vector.broadcast %add3A_165 : i32 to vector<16xi32>
        %lt3A_388 = arith.cmpi slt, %add3A_386, %lt3A_387 : vector<16xi32>
        %and3A_389 = arith.andi %and3A_383, %lt3A_388 : vector<16xi1>
        %lt3A_390 = arith.constant 0.132598966 : f32
        %lt3A_391 = vector.broadcast %lt3A_390 : f32 to vector<16xf32>
        %lt3A_392 = arith.cmpf olt, %add3A_341, %lt3A_391 : vector<16xf32>
        %ne3A_393 = arith.constant 0.000000e+00 : f32
        %ne3A_394 = vector.broadcast %ne3A_393 : f32 to vector<16xf32>
        %ne3A_395 = arith.cmpf one, %add3A_341, %ne3A_394 : vector<16xf32>
        %and3A_396 = arith.andi %lt3A_392, %ne3A_395 : vector<16xi1>
        %lt3A_397 = vector.broadcast %add3A_167 : i32 to vector<16xi32>
        %lt3A_398 = arith.cmpi slt, %add3A_240, %lt3A_397 : vector<16xi32>
        %and3A_399 = arith.andi %and3A_396, %lt3A_398 : vector<16xi1>
        %and3A_400 = vector.broadcast %le3A_168 : i1 to vector<16xi1>
        %and3A_401 = arith.andi %and3A_399, %and3A_400 : vector<16xi1>
        %lt3A_402 = arith.constant 0.132598966 : f32
        %lt3A_403 = vector.broadcast %lt3A_402 : f32 to vector<16xf32>
        %lt3A_404 = arith.cmpf olt, %add3A_367, %lt3A_403 : vector<16xf32>
        %ne3A_405 = arith.constant 0.000000e+00 : f32
        %ne3A_406 = vector.broadcast %ne3A_405 : f32 to vector<16xf32>
        %ne3A_407 = arith.cmpf one, %add3A_367, %ne3A_406 : vector<16xf32>
        %and3A_408 = arith.andi %lt3A_404, %ne3A_407 : vector<16xi1>
        %add3A_409 = arith.constant 16 : i32
        %add3A_410 = vector.broadcast %add3A_409 : i32 to vector<16xi32>
        %add3A_411 = arith.addi %add3A_240, %add3A_410 : vector<16xi32>
        %lt3A_412 = vector.broadcast %add3A_167 : i32 to vector<16xi32>
        %lt3A_413 = arith.cmpi slt, %add3A_411, %lt3A_412 : vector<16xi32>
        %and3A_414 = arith.andi %and3A_408, %lt3A_413 : vector<16xi1>
        %and3A_415 = vector.broadcast %le3A_168 : i1 to vector<16xi1>
        %and3A_416 = arith.andi %and3A_414, %and3A_415 : vector<16xi1>
        %add3A_417 = arith.addi %mul3A_20, %while3A_232 : vector<16xi32>
        tpu.vector_store_idx %arg6[%add3A_417], %add3A_289 masked %and3A_376 : memref<8704xf32, #tpu.memory_space<vmem>>[vector<16xi32>], vector<16xf32>, vector<16xi1>
        %convert_element_type3A = arith.extui %and3A_376 : vector<16xi1> to vector<16xi32>
        %add3A_418 = arith.addi %while3A_232, %convert_element_type3A : vector<16xi32>
        %add3A_419 = arith.addi %mul3A_20, %add3A_418 : vector<16xi32>
        tpu.vector_store_idx %arg6[%add3A_419], %add3A_315 masked %and3A_389 : memref<8704xf32, #tpu.memory_space<vmem>>[vector<16xi32>], vector<16xf32>, vector<16xi1>
        %convert_element_type3A_420 = arith.extui %and3A_389 : vector<16xi1> to vector<16xi32>
        %add3A_421 = arith.addi %add3A_418, %convert_element_type3A_420 : vector<16xi32>
        %add3A_422 = arith.addi %mul3A_20, %add3A_421 : vector<16xi32>
        tpu.vector_store_idx %arg6[%add3A_422], %add3A_341 masked %and3A_401 : memref<8704xf32, #tpu.memory_space<vmem>>[vector<16xi32>], vector<16xf32>, vector<16xi1>
        %convert_element_type3A_423 = arith.extui %and3A_401 : vector<16xi1> to vector<16xi32>
        %add3A_424 = arith.addi %add3A_421, %convert_element_type3A_423 : vector<16xi32>
        %add3A_425 = arith.addi %mul3A_20, %add3A_424 : vector<16xi32>
        tpu.vector_store_idx %arg6[%add3A_425], %add3A_367 masked %and3A_416 : memref<8704xf32, #tpu.memory_space<vmem>>[vector<16xi32>], vector<16xf32>, vector<16xi1>
        %convert_element_type3A_426 = arith.extui %and3A_416 : vector<16xi1> to vector<16xi32>
        %add3A_427 = arith.addi %add3A_424, %convert_element_type3A_426 : vector<16xi32>
        scf.yield %add3A_427 : vector<16xi32>
      }
      %while3A_229 = arith.constant 1 : i32
      %while3A_230 = scf.for %while3A_231 = %while3A_226 to %while3A_222 step %while3A_229 iter_args(%while3A_232 = %while3A_228) -> (vector<16xi32>)  : i32 {
        %mul3A_233 = arith.constant 32 : i32
        %mul3A_234 = arith.muli %while3A_231, %mul3A_233 : i32
        %add3A_235 = arith.constant 512 : i32
        %add3A_236 = arith.addi %add3A_235, %mul3A_234 : i32
        %mul3A_237 = arith.constant 32 : i32
        %mul3A_238 = arith.muli %while3A_231, %mul3A_237 : i32
        %add3A_239 = vector.broadcast %mul3A_238 : i32 to vector<16xi32>
        %add3A_240 = arith.addi %add3A_239, %iota3A : vector<16xi32>
        %get3A = arith.index_cast %add3A_236 : i32 to index
        %get3A_241 = tpu.vector_load %arg5[%get3A] {strides = array<i32>} : memref<3088xf32, #tpu.memory_space<vmem>>, vector<16xf32>,
        %add3A_242 = arith.constant 16 : i32
        %add3A_243 = arith.addi %add3A_236, %add3A_242 : i32
        %get3A_244 = arith.index_cast %add3A_243 : i32 to index
        %get3A_245 = tpu.vector_load %arg5[%get3A_244] {strides = array<i32>} : memref<3088xf32, #tpu.memory_space<vmem>>, vector<16xf32>,
        %add3A_246 = arith.constant 1024 : i32
        %add3A_247 = arith.addi %add3A_236, %add3A_246 : i32
        %get3A_248 = arith.index_cast %add3A_247 : i32 to index
        %get3A_249 = tpu.vector_load %arg5[%get3A_248] {strides = array<i32>} : memref<3088xf32, #tpu.memory_space<vmem>>, vector<16xf32>,
        %add3A_250 = arith.constant 1024 : i32
        %add3A_251 = arith.addi %add3A_236, %add3A_250 : i32
        %add3A_252 = arith.constant 16 : i32
        %add3A_253 = arith.addi %add3A_251, %add3A_252 : i32
        %get3A_254 = arith.index_cast %add3A_253 : i32 to index
        %get3A_255 = tpu.vector_load %arg5[%get3A_254] {strides = array<i32>} : memref<3088xf32, #tpu.memory_space<vmem>>, vector<16xf32>,
        %add3A_256 = arith.constant 2048 : i32
        %add3A_257 = arith.addi %add3A_236, %add3A_256 : i32
        %get3A_258 = arith.index_cast %add3A_257 : i32 to index
        %get3A_259 = tpu.vector_load %arg5[%get3A_258] {strides = array<i32>} : memref<3088xf32, #tpu.memory_space<vmem>>, vector<16xf32>,
        %add3A_260 = arith.constant 2048 : i32
        %add3A_261 = arith.addi %add3A_236, %add3A_260 : i32
        %add3A_262 = arith.constant 16 : i32
        %add3A_263 = arith.addi %add3A_261, %add3A_262 : i32
        %get3A_264 = arith.index_cast %add3A_263 : i32 to index
        %get3A_265 = tpu.vector_load %arg5[%get3A_264] {strides = array<i32>} : memref<3088xf32, #tpu.memory_space<vmem>>, vector<16xf32>,
        %sub3A_266 = arith.subf %gather3A, %get3A_241 : vector<16xf32>
        %abs3A = math.absf %sub3A_266 : vector<16xf32>
        %sub3A_267 = arith.constant 1.000000e+00 : f32
        %sub3A_268 = vector.broadcast %sub3A_267 : f32 to vector<16xf32>
        %sub3A_269 = arith.subf %sub3A_268, %abs3A : vector<16xf32>
        %mul3A_270 = arith.mulf %abs3A, %abs3A : vector<16xf32>
        %mul3A_271 = arith.mulf %sub3A_269, %sub3A_269 : vector<16xf32>
        %min3A = arith.minimumf %mul3A_270, %mul3A_271 : vector<16xf32>
        %sub3A_272 = arith.subf %gather3A_175, %get3A_249 : vector<16xf32>
        %abs3A_273 = math.absf %sub3A_272 : vector<16xf32>
        %sub3A_274 = arith.constant 1.000000e+00 : f32
        %sub3A_275 = vector.broadcast %sub3A_274 : f32 to vector<16xf32>
        %sub3A_276 = arith.subf %sub3A_275, %abs3A_273 : vector<16xf32>
        %mul3A_277 = arith.mulf %abs3A_273, %abs3A_273 : vector<16xf32>
        %mul3A_278 = arith.mulf %sub3A_276, %sub3A_276 : vector<16xf32>
        %min3A_279 = arith.minimumf %mul3A_277, %mul3A_278 : vector<16xf32>
        %add3A_280 = arith.addf %min3A, %min3A_279 : vector<16xf32>
        %sub3A_281 = arith.subf %gather3A_179, %get3A_259 : vector<16xf32>
        %abs3A_282 = math.absf %sub3A_281 : vector<16xf32>
        %sub3A_283 = arith.constant 1.000000e+00 : f32
        %sub3A_284 = vector.broadcast %sub3A_283 : f32 to vector<16xf32>
        %sub3A_285 = arith.subf %sub3A_284, %abs3A_282 : vector<16xf32>
        %mul3A_286 = arith.mulf %abs3A_282, %abs3A_282 : vector<16xf32>
        %mul3A_287 = arith.mulf %sub3A_285, %sub3A_285 : vector<16xf32>
        %min3A_288 = arith.minimumf %mul3A_286, %mul3A_287 : vector<16xf32>
        %add3A_289 = arith.addf %add3A_280, %min3A_288 : vector<16xf32>
        %sub3A_290 = arith.subf %gather3A, %get3A_245 : vector<16xf32>
        %abs3A_291 = math.absf %sub3A_290 : vector<16xf32>
        %sub3A_292 = arith.constant 1.000000e+00 : f32
        %sub3A_293 = vector.broadcast %sub3A_292 : f32 to vector<16xf32>
        %sub3A_294 = arith.subf %sub3A_293, %abs3A_291 : vector<16xf32>
        %mul3A_295 = arith.mulf %abs3A_291, %abs3A_291 : vector<16xf32>
        %mul3A_296 = arith.mulf %sub3A_294, %sub3A_294 : vector<16xf32>
        %min3A_297 = arith.minimumf %mul3A_295, %mul3A_296 : vector<16xf32>
        %sub3A_298 = arith.subf %gather3A_175, %get3A_255 : vector<16xf32>
        %abs3A_299 = math.absf %sub3A_298 : vector<16xf32>
        %sub3A_300 = arith.constant 1.000000e+00 : f32
        %sub3A_301 = vector.broadcast %sub3A_300 : f32 to vector<16xf32>
        %sub3A_302 = arith.subf %sub3A_301, %abs3A_299 : vector<16xf32>
        %mul3A_303 = arith.mulf %abs3A_299, %abs3A_299 : vector<16xf32>
        %mul3A_304 = arith.mulf %sub3A_302, %sub3A_302 : vector<16xf32>
        %min3A_305 = arith.minimumf %mul3A_303, %mul3A_304 : vector<16xf32>
        %add3A_306 = arith.addf %min3A_297, %min3A_305 : vector<16xf32>
        %sub3A_307 = arith.subf %gather3A_179, %get3A_265 : vector<16xf32>
        %abs3A_308 = math.absf %sub3A_307 : vector<16xf32>
        %sub3A_309 = arith.constant 1.000000e+00 : f32
        %sub3A_310 = vector.broadcast %sub3A_309 : f32 to vector<16xf32>
        %sub3A_311 = arith.subf %sub3A_310, %abs3A_308 : vector<16xf32>
        %mul3A_312 = arith.mulf %abs3A_308, %abs3A_308 : vector<16xf32>
        %mul3A_313 = arith.mulf %sub3A_311, %sub3A_311 : vector<16xf32>
        %min3A_314 = arith.minimumf %mul3A_312, %mul3A_313 : vector<16xf32>
        %add3A_315 = arith.addf %add3A_306, %min3A_314 : vector<16xf32>
        %sub3A_316 = arith.subf %gather3A_184, %get3A_241 : vector<16xf32>
        %abs3A_317 = math.absf %sub3A_316 : vector<16xf32>
        %sub3A_318 = arith.constant 1.000000e+00 : f32
        %sub3A_319 = vector.broadcast %sub3A_318 : f32 to vector<16xf32>
        %sub3A_320 = arith.subf %sub3A_319, %abs3A_317 : vector<16xf32>
        %mul3A_321 = arith.mulf %abs3A_317, %abs3A_317 : vector<16xf32>
        %mul3A_322 = arith.mulf %sub3A_320, %sub3A_320 : vector<16xf32>
        %min3A_323 = arith.minimumf %mul3A_321, %mul3A_322 : vector<16xf32>
        %sub3A_324 = arith.subf %gather3A_188, %get3A_249 : vector<16xf32>
        %abs3A_325 = math.absf %sub3A_324 : vector<16xf32>
        %sub3A_326 = arith.constant 1.000000e+00 : f32
        %sub3A_327 = vector.broadcast %sub3A_326 : f32 to vector<16xf32>
        %sub3A_328 = arith.subf %sub3A_327, %abs3A_325 : vector<16xf32>
        %mul3A_329 = arith.mulf %abs3A_325, %abs3A_325 : vector<16xf32>
        %mul3A_330 = arith.mulf %sub3A_328, %sub3A_328 : vector<16xf32>
        %min3A_331 = arith.minimumf %mul3A_329, %mul3A_330 : vector<16xf32>
        %add3A_332 = arith.addf %min3A_323, %min3A_331 : vector<16xf32>
        %sub3A_333 = arith.subf %gather3A_192, %get3A_259 : vector<16xf32>
        %abs3A_334 = math.absf %sub3A_333 : vector<16xf32>
        %sub3A_335 = arith.constant 1.000000e+00 : f32
        %sub3A_336 = vector.broadcast %sub3A_335 : f32 to vector<16xf32>
        %sub3A_337 = arith.subf %sub3A_336, %abs3A_334 : vector<16xf32>
        %mul3A_338 = arith.mulf %abs3A_334, %abs3A_334 : vector<16xf32>
        %mul3A_339 = arith.mulf %sub3A_337, %sub3A_337 : vector<16xf32>
        %min3A_340 = arith.minimumf %mul3A_338, %mul3A_339 : vector<16xf32>
        %add3A_341 = arith.addf %add3A_332, %min3A_340 : vector<16xf32>
        %sub3A_342 = arith.subf %gather3A_184, %get3A_245 : vector<16xf32>
        %abs3A_343 = math.absf %sub3A_342 : vector<16xf32>
        %sub3A_344 = arith.constant 1.000000e+00 : f32
        %sub3A_345 = vector.broadcast %sub3A_344 : f32 to vector<16xf32>
        %sub3A_346 = arith.subf %sub3A_345, %abs3A_343 : vector<16xf32>
        %mul3A_347 = arith.mulf %abs3A_343, %abs3A_343 : vector<16xf32>
        %mul3A_348 = arith.mulf %sub3A_346, %sub3A_346 : vector<16xf32>
        %min3A_349 = arith.minimumf %mul3A_347, %mul3A_348 : vector<16xf32>
        %sub3A_350 = arith.subf %gather3A_188, %get3A_255 : vector<16xf32>
        %abs3A_351 = math.absf %sub3A_350 : vector<16xf32>
        %sub3A_352 = arith.constant 1.000000e+00 : f32
        %sub3A_353 = vector.broadcast %sub3A_352 : f32 to vector<16xf32>
        %sub3A_354 = arith.subf %sub3A_353, %abs3A_351 : vector<16xf32>
        %mul3A_355 = arith.mulf %abs3A_351, %abs3A_351 : vector<16xf32>
        %mul3A_356 = arith.mulf %sub3A_354, %sub3A_354 : vector<16xf32>
        %min3A_357 = arith.minimumf %mul3A_355, %mul3A_356 : vector<16xf32>
        %add3A_358 = arith.addf %min3A_349, %min3A_357 : vector<16xf32>
        %sub3A_359 = arith.subf %gather3A_192, %get3A_265 : vector<16xf32>
        %abs3A_360 = math.absf %sub3A_359 : vector<16xf32>
        %sub3A_361 = arith.constant 1.000000e+00 : f32
        %sub3A_362 = vector.broadcast %sub3A_361 : f32 to vector<16xf32>
        %sub3A_363 = arith.subf %sub3A_362, %abs3A_360 : vector<16xf32>
        %mul3A_364 = arith.mulf %abs3A_360, %abs3A_360 : vector<16xf32>
        %mul3A_365 = arith.mulf %sub3A_363, %sub3A_363 : vector<16xf32>
        %min3A_366 = arith.minimumf %mul3A_364, %mul3A_365 : vector<16xf32>
        %add3A_367 = arith.addf %add3A_358, %min3A_366 : vector<16xf32>
        %lt3A = arith.constant 0.132598966 : f32
        %lt3A_368 = vector.broadcast %lt3A : f32 to vector<16xf32>
        %lt3A_369 = arith.cmpf olt, %add3A_289, %lt3A_368 : vector<16xf32>
        %ne3A_370 = arith.constant 0.000000e+00 : f32
        %ne3A_371 = vector.broadcast %ne3A_370 : f32 to vector<16xf32>
        %ne3A_372 = arith.cmpf one, %add3A_289, %ne3A_371 : vector<16xf32>
        %and3A_373 = arith.andi %lt3A_369, %ne3A_372 : vector<16xi1>
        %lt3A_374 = vector.broadcast %add3A_165 : i32 to vector<16xi32>
        %lt3A_375 = arith.cmpi slt, %add3A_240, %lt3A_374 : vector<16xi32>
        %and3A_376 = arith.andi %and3A_373, %lt3A_375 : vector<16xi1>
        %lt3A_377 = arith.constant 0.132598966 : f32
        %lt3A_378 = vector.broadcast %lt3A_377 : f32 to vector<16xf32>
        %lt3A_379 = arith.cmpf olt, %add3A_315, %lt3A_378 : vector<16xf32>
        %ne3A_380 = arith.constant 0.000000e+00 : f32
        %ne3A_381 = vector.broadcast %ne3A_380 : f32 to vector<16xf32>
        %ne3A_382 = arith.cmpf one, %add3A_315, %ne3A_381 : vector<16xf32>
        %and3A_383 = arith.andi %lt3A_379, %ne3A_382 : vector<16xi1>
        %add3A_384 = arith.constant 16 : i32
        %add3A_385 = vector.broadcast %add3A_384 : i32 to vector<16xi32>
        %add3A_386 = arith.addi %add3A_240, %add3A_385 : vector<16xi32>
        %lt3A_387 = vector.broadcast %add3A_165 : i32 to vector<16xi32>
        %lt3A_388 = arith.cmpi slt, %add3A_386, %lt3A_387 : vector<16xi32>
        %and3A_389 = arith.andi %and3A_383, %lt3A_388 : vector<16xi1>
        %lt3A_390 = arith.constant 0.132598966 : f32
        %lt3A_391 = vector.broadcast %lt3A_390 : f32 to vector<16xf32>
        %lt3A_392 = arith.cmpf olt, %add3A_341, %lt3A_391 : vector<16xf32>
        %ne3A_393 = arith.constant 0.000000e+00 : f32
        %ne3A_394 = vector.broadcast %ne3A_393 : f32 to vector<16xf32>
        %ne3A_395 = arith.cmpf one, %add3A_341, %ne3A_394 : vector<16xf32>
        %and3A_396 = arith.andi %lt3A_392, %ne3A_395 : vector<16xi1>
        %lt3A_397 = vector.broadcast %add3A_167 : i32 to vector<16xi32>
        %lt3A_398 = arith.cmpi slt, %add3A_240, %lt3A_397 : vector<16xi32>
        %and3A_399 = arith.andi %and3A_396, %lt3A_398 : vector<16xi1>
        %and3A_400 = vector.broadcast %le3A_168 : i1 to vector<16xi1>
        %and3A_401 = arith.andi %and3A_399, %and3A_400 : vector<16xi1>
        %lt3A_402 = arith.constant 0.132598966 : f32
        %lt3A_403 = vector.broadcast %lt3A_402 : f32 to vector<16xf32>
        %lt3A_404 = arith.cmpf olt, %add3A_367, %lt3A_403 : vector<16xf32>
        %ne3A_405 = arith.constant 0.000000e+00 : f32
        %ne3A_406 = vector.broadcast %ne3A_405 : f32 to vector<16xf32>
        %ne3A_407 = arith.cmpf one, %add3A_367, %ne3A_406 : vector<16xf32>
        %and3A_408 = arith.andi %lt3A_404, %ne3A_407 : vector<16xi1>
        %add3A_409 = arith.constant 16 : i32
        %add3A_410 = vector.broadcast %add3A_409 : i32 to vector<16xi32>
        %add3A_411 = arith.addi %add3A_240, %add3A_410 : vector<16xi32>
        %lt3A_412 = vector.broadcast %add3A_167 : i32 to vector<16xi32>
        %lt3A_413 = arith.cmpi slt, %add3A_411, %lt3A_412 : vector<16xi32>
        %and3A_414 = arith.andi %and3A_408, %lt3A_413 : vector<16xi1>
        %and3A_415 = vector.broadcast %le3A_168 : i1 to vector<16xi1>
        %and3A_416 = arith.andi %and3A_414, %and3A_415 : vector<16xi1>
        %add3A_417 = arith.addi %mul3A_20, %while3A_232 : vector<16xi32>
        tpu.vector_store_idx %arg6[%add3A_417], %add3A_289 masked %and3A_376 : memref<8704xf32, #tpu.memory_space<vmem>>[vector<16xi32>], vector<16xf32>, vector<16xi1>
        %convert_element_type3A = arith.extui %and3A_376 : vector<16xi1> to vector<16xi32>
        %add3A_418 = arith.addi %while3A_232, %convert_element_type3A : vector<16xi32>
        %add3A_419 = arith.addi %mul3A_20, %add3A_418 : vector<16xi32>
        tpu.vector_store_idx %arg6[%add3A_419], %add3A_315 masked %and3A_389 : memref<8704xf32, #tpu.memory_space<vmem>>[vector<16xi32>], vector<16xf32>, vector<16xi1>
        %convert_element_type3A_420 = arith.extui %and3A_389 : vector<16xi1> to vector<16xi32>
        %add3A_421 = arith.addi %add3A_418, %convert_element_type3A_420 : vector<16xi32>
        %add3A_422 = arith.addi %mul3A_20, %add3A_421 : vector<16xi32>
        tpu.vector_store_idx %arg6[%add3A_422], %add3A_341 masked %and3A_401 : memref<8704xf32, #tpu.memory_space<vmem>>[vector<16xi32>], vector<16xf32>, vector<16xi1>
        %convert_element_type3A_423 = arith.extui %and3A_401 : vector<16xi1> to vector<16xi32>
        %add3A_424 = arith.addi %add3A_421, %convert_element_type3A_423 : vector<16xi32>
        %add3A_425 = arith.addi %mul3A_20, %add3A_424 : vector<16xi32>
        tpu.vector_store_idx %arg6[%add3A_425], %add3A_367 masked %and3A_416 : memref<8704xf32, #tpu.memory_space<vmem>>[vector<16xi32>], vector<16xf32>, vector<16xi1>
        %convert_element_type3A_426 = arith.extui %and3A_416 : vector<16xi1> to vector<16xi32>
        %add3A_427 = arith.addi %add3A_424, %convert_element_type3A_426 : vector<16xi32>
        scf.yield %add3A_427 : vector<16xi32>
      }
      scf.yield %while3A_230 : vector<16xi32>
    }
    %swap3A = arith.constant 0 : index
    %swap3A_144 = tpu.vector_load %arg7[%swap3A] {strides = array<i32>} : memref<16xi32, #tpu.memory_space<vmem>>, vector<16xi32>,
    tpu.vector_store %arg7[%swap3A], %while3A_143 {strides = array<i32>} : memref<16xi32, #tpu.memory_space<vmem>>, vector<16xi32>,
    %scan3A_145 = arith.constant 0 : i32
    %scan3A_146 = arith.constant 0 : i32
    %scan3A_147 = arith.constant 16 : i32
    %scan3A_148 = arith.addi %scan3A_146, %scan3A_147 : i32
    %scan3A_149 = arith.constant 1 : i32
    scf.for %scan3A_161 = %scan3A_146 to %scan3A_148 step %scan3A_149  : i32 {
      %broadcast_in_dim3A_162 = vector.broadcast %scan3A_161 : i32 to vector<16xi32>
      %gather3A = tpu.vector_load_idx %arg7[%broadcast_in_dim3A_162] : memref<16xi32, #tpu.memory_space<vmem>>[vector<16xi32>], vector<16xi32>,
      %slice3A = vector.extract_strided_slice %gather3A {offsets = [0], sizes = [1], strides = [1]} : vector<16xi32> to vector<1xi32>
      %squeeze3A = vector.extract %slice3A[0] : i32 from vector<1xi32>
      %add3A_163 = arith.constant 31 : i32
      %add3A_164 = arith.addi %squeeze3A, %add3A_163 : i32
      %jit3A_165 = arith.constant 32 : i32
      %div3A_166 = arith.divsi %add3A_164, %jit3A_165 : i32
      %sign3A_167 = arith.constant 0 : i32
      %sign3A_168 = arith.cmpi sgt, %add3A_164, %sign3A_167 : i32
      %sign3A_169 = arith.extui %sign3A_168 : i1 to i32
      %sign3A_170 = arith.constant 0 : i32
      %sign3A_171 = arith.cmpi slt, %add3A_164, %sign3A_170 : i32
      %sign3A_172 = arith.extui %sign3A_171 : i1 to i32
      %sign3A_173 = arith.subi %sign3A_169, %sign3A_172 : i32
      %sign3A_174 = arith.constant 0 : i32
      %sign3A_175 = arith.cmpi sgt, %jit3A_165, %sign3A_174 : i32
      %sign3A_176 = arith.extui %sign3A_175 : i1 to i32
      %sign3A_177 = arith.constant 0 : i32
      %sign3A_178 = arith.cmpi slt, %jit3A_165, %sign3A_177 : i32
      %sign3A_179 = arith.extui %sign3A_178 : i1 to i32
      %sign3A_180 = arith.subi %sign3A_176, %sign3A_179 : i32
      %ne3A_181 = arith.cmpi ne, %sign3A_173, %sign3A_180 : i32
      %rem3A_182 = arith.remsi %add3A_164, %jit3A_165 : i32
      %ne3A_183 = arith.constant 0 : i32
      %ne3A_184 = arith.cmpi ne, %rem3A_182, %ne3A_183 : i32
      %and3A_185 = arith.andi %ne3A_181, %ne3A_184 : i1
      %sub3A_186 = arith.constant 1 : i32
      %sub3A_187 = arith.subi %div3A_166, %sub3A_186 : i32
      %select_n3A_188 = arith.select %and3A_185, %sub3A_187, %div3A_166 : i32
      %mul3A_189 = arith.constant 544 : i32
      %mul3A_190 = arith.muli %scan3A_161, %mul3A_189 : i32
      %while3A_191 = arith.constant 0 : i32
      %while3A_192 = arith.subi %select_n3A_188, %while3A_191 : i32
      %while3A_193 = arith.addi %while3A_191, %while3A_192 : i32
      %while3A_194 = arith.constant 1 : i32
      %while3A_195 = arith.divsi %while3A_192, %while3A_194 : i32
      %while3A_196 = arith.muli %while3A_195, %while3A_194 : i32
      %while3A_197 = arith.addi %while3A_191, %while3A_196 : i32
      %while3A_198 = arith.constant 1 : i32
      scf.for %while3A_200 = %while3A_191 to %while3A_197 step %while3A_198  : i32 {
        %mul3A_201 = arith.constant 32 : i32
        %mul3A_202 = arith.muli %while3A_200, %mul3A_201 : i32
        %add3A_203 = arith.addi %mul3A_190, %mul3A_202 : i32
        %get3A = arith.index_cast %add3A_203 : i32 to index
        %get3A_204 = tpu.vector_load %arg6[%get3A] {strides = array<i32>} : memref<8704xf32, #tpu.memory_space<vmem>>, vector<16xf32>,
        %add3A_205 = arith.constant 16 : i32
        %add3A_206 = arith.addi %add3A_203, %add3A_205 : i32
        %get3A_207 = arith.index_cast %add3A_206 : i32 to index
        %get3A_208 = tpu.vector_load %arg6[%get3A_207] {strides = array<i32>} : memref<8704xf32, #tpu.memory_space<vmem>>, vector<16xf32>,
        %mul3A_209 = arith.constant 32 : i32
        %mul3A_210 = arith.muli %while3A_200, %mul3A_209 : i32
        %add3A_211 = vector.broadcast %mul3A_210 : i32 to vector<16xi32>
        %add3A_212 = arith.addi %add3A_211, %iota3A : vector<16xi32>
        %lt3A = arith.cmpi slt, %add3A_212, %gather3A : vector<16xi32>
        %bitcast3A = vector.bitcast %get3A_204 : vector<16xf32> to vector<16xi32>
        %shift_right_logical3A = arith.constant 1 : i32
        %shift_right_logical3A_213 = vector.broadcast %shift_right_logical3A : i32 to vector<16xi32>
        %shift_right_logical3A_214 = arith.shrui %bitcast3A, %shift_right_logical3A_213 : vector<16xi32>
        %sub3A_215 = arith.constant 1597463007 : i32
        %sub3A_216 = vector.broadcast %sub3A_215 : i32 to vector<16xi32>
        %sub3A_217 = arith.subi %sub3A_216, %shift_right_logical3A_214 : vector<16xi32>
        %bitcast3A_218 = vector.bitcast %sub3A_217 : vector<16xi32> to vector<16xf32>
        %mul3A_219 = arith.constant 5.000000e-01 : f32
        %mul3A_220 = vector.broadcast %mul3A_219 : f32 to vector<16xf32>
        %mul3A_221 = arith.mulf %mul3A_220, %get3A_204 : vector<16xf32>
        %mul3A_222 = arith.mulf %mul3A_221, %bitcast3A_218 : vector<16xf32>
        %mul3A_223 = arith.mulf %mul3A_222, %bitcast3A_218 : vector<16xf32>
        %sub3A_224 = arith.constant 1.500000e+00 : f32
        %sub3A_225 = vector.broadcast %sub3A_224 : f32 to vector<16xf32>
        %sub3A_226 = arith.subf %sub3A_225, %mul3A_223 : vector<16xf32>
        %mul3A_227 = arith.mulf %bitcast3A_218, %sub3A_226 : vector<16xf32>
        %mul3A_228 = arith.constant 5.000000e-01 : f32
        %mul3A_229 = vector.broadcast %mul3A_228 : f32 to vector<16xf32>
        %mul3A_230 = arith.mulf %mul3A_229, %get3A_204 : vector<16xf32>
        %mul3A_231 = arith.mulf %mul3A_230, %mul3A_227 : vector<16xf32>
        %mul3A_232 = arith.mulf %mul3A_231, %mul3A_227 : vector<16xf32>
        %sub3A_233 = arith.constant 1.500000e+00 : f32
        %sub3A_234 = vector.broadcast %sub3A_233 : f32 to vector<16xf32>
        %sub3A_235 = arith.subf %sub3A_234, %mul3A_232 : vector<16xf32>
        %mul3A_236 = arith.mulf %mul3A_227, %sub3A_235 : vector<16xf32>
        %mul3A_237 = arith.constant 5.000000e-01 : f32
        %mul3A_238 = vector.broadcast %mul3A_237 : f32 to vector<16xf32>
        %mul3A_239 = arith.mulf %mul3A_238, %get3A_204 : vector<16xf32>
        %mul3A_240 = arith.mulf %mul3A_239, %mul3A_236 : vector<16xf32>
        %mul3A_241 = arith.mulf %mul3A_240, %mul3A_236 : vector<16xf32>
        %sub3A_242 = arith.constant 1.500000e+00 : f32
        %sub3A_243 = vector.broadcast %sub3A_242 : f32 to vector<16xf32>
        %sub3A_244 = arith.subf %sub3A_243, %mul3A_241 : vector<16xf32>
        %mul3A_245 = arith.mulf %mul3A_236, %sub3A_244 : vector<16xf32>
        %mul3A_246 = arith.mulf %get3A_204, %mul3A_245 : vector<16xf32>
        %mul3A_247 = arith.constant 282.857147 : f32
        %mul3A_248 = vector.broadcast %mul3A_247 : f32 to vector<16xf32>
        %mul3A_249 = arith.mulf %mul3A_246, %mul3A_248 : vector<16xf32>
        %add3A_250 = arith.constant 5.000000e-01 : f32
        %add3A_251 = vector.broadcast %add3A_250 : f32 to vector<16xf32>
        %add3A_252 = arith.addf %mul3A_249, %add3A_251 : vector<16xf32>
        %convert_element_type3A = arith.fptosi %add3A_252 : vector<16xf32> to vector<16xi32>
        %max3A = arith.constant 0 : i32
        %max3A_253 = vector.broadcast %max3A : i32 to vector<16xi32>
        %max3A_254 = arith.maxsi %convert_element_type3A, %max3A_253 : vector<16xi32>
        %min3A = arith.constant 104 : i32
        %min3A_255 = vector.broadcast %min3A : i32 to vector<16xi32>
        %min3A_256 = arith.minsi %max3A_254, %min3A_255 : vector<16xi32>
        %convert_element_type3A_257 = arith.sitofp %min3A_256 : vector<16xi32> to vector<16xf32>
        %sub3A_258 = arith.subf %mul3A_249, %convert_element_type3A_257 : vector<16xf32>
        %mul3A_259 = arith.constant 640 : i32
        %mul3A_260 = vector.broadcast %mul3A_259 : i32 to vector<16xi32>
        %mul3A_261 = arith.muli %iota3A, %mul3A_260 : vector<16xi32>
        %add3A_262 = arith.constant 4 : i32
        %add3A_263 = vector.broadcast %add3A_262 : i32 to vector<16xi32>
        %add3A_264 = arith.addi %min3A_256, %add3A_263 : vector<16xi32>
        %add3A_265 = arith.addi %mul3A_261, %add3A_264 : vector<16xi32>
        %mul3A_266 = arith.mulf %sub3A_258, %sub3A_258 : vector<16xf32>
        tpu.vector_store_idx %arg8[%add3A_265], %broadcast_in_dim3A_6 masked %lt3A {add = true} : memref<10240xf32, #tpu.memory_space<vmem>>[vector<16xi32>], vector<16xf32>, vector<16xi1>
        %add3A_267 = arith.constant 128 : i32
        %add3A_268 = vector.broadcast %add3A_267 : i32 to vector<16xi32>
        %add3A_269 = arith.addi %add3A_265, %add3A_268 : vector<16xi32>
        tpu.vector_store_idx %arg8[%add3A_269], %sub3A_258 masked %lt3A {add = true} : memref<10240xf32, #tpu.memory_space<vmem>>[vector<16xi32>], vector<16xf32>, vector<16xi1>
        %add3A_270 = arith.constant 256 : i32
        %add3A_271 = vector.broadcast %add3A_270 : i32 to vector<16xi32>
        %add3A_272 = arith.addi %add3A_265, %add3A_271 : vector<16xi32>
        tpu.vector_store_idx %arg8[%add3A_272], %mul3A_266 masked %lt3A {add = true} : memref<10240xf32, #tpu.memory_space<vmem>>[vector<16xi32>], vector<16xf32>, vector<16xi1>
        %add3A_273 = arith.constant 384 : i32
        %add3A_274 = vector.broadcast %add3A_273 : i32 to vector<16xi32>
        %add3A_275 = arith.addi %add3A_265, %add3A_274 : vector<16xi32>
        %mul3A_276 = arith.mulf %mul3A_266, %sub3A_258 : vector<16xf32>
        tpu.vector_store_idx %arg8[%add3A_275], %mul3A_276 masked %lt3A {add = true} : memref<10240xf32, #tpu.memory_space<vmem>>[vector<16xi32>], vector<16xf32>, vector<16xi1>
        %add3A_277 = arith.constant 512 : i32
        %add3A_278 = vector.broadcast %add3A_277 : i32 to vector<16xi32>
        %add3A_279 = arith.addi %add3A_265, %add3A_278 : vector<16xi32>
        %mul3A_280 = arith.mulf %mul3A_266, %mul3A_266 : vector<16xf32>
        tpu.vector_store_idx %arg8[%add3A_279], %mul3A_280 masked %lt3A {add = true} : memref<10240xf32, #tpu.memory_space<vmem>>[vector<16xi32>], vector<16xf32>, vector<16xi1>
        %mul3A_281 = arith.constant 32 : i32
        %mul3A_282 = arith.muli %while3A_200, %mul3A_281 : i32
        %add3A_283 = arith.constant 16 : i32
        %add3A_284 = arith.addi %mul3A_282, %add3A_283 : i32
        %add3A_285 = vector.broadcast %add3A_284 : i32 to vector<16xi32>
        %add3A_286 = arith.addi %add3A_285, %iota3A : vector<16xi32>
        %lt3A_287 = arith.cmpi slt, %add3A_286, %gather3A : vector<16xi32>
        %bitcast3A_288 = vector.bitcast %get3A_208 : vector<16xf32> to vector<16xi32>
        %shift_right_logical3A_289 = arith.constant 1 : i32
        %shift_right_logical3A_290 = vector.broadcast %shift_right_logical3A_289 : i32 to vector<16xi32>
        %shift_right_logical3A_291 = arith.shrui %bitcast3A_288, %shift_right_logical3A_290 : vector<16xi32>
        %sub3A_292 = arith.constant 1597463007 : i32
        %sub3A_293 = vector.broadcast %sub3A_292 : i32 to vector<16xi32>
        %sub3A_294 = arith.subi %sub3A_293, %shift_right_logical3A_291 : vector<16xi32>
        %bitcast3A_295 = vector.bitcast %sub3A_294 : vector<16xi32> to vector<16xf32>
        %mul3A_296 = arith.constant 5.000000e-01 : f32
        %mul3A_297 = vector.broadcast %mul3A_296 : f32 to vector<16xf32>
        %mul3A_298 = arith.mulf %mul3A_297, %get3A_208 : vector<16xf32>
        %mul3A_299 = arith.mulf %mul3A_298, %bitcast3A_295 : vector<16xf32>
        %mul3A_300 = arith.mulf %mul3A_299, %bitcast3A_295 : vector<16xf32>
        %sub3A_301 = arith.constant 1.500000e+00 : f32
        %sub3A_302 = vector.broadcast %sub3A_301 : f32 to vector<16xf32>
        %sub3A_303 = arith.subf %sub3A_302, %mul3A_300 : vector<16xf32>
        %mul3A_304 = arith.mulf %bitcast3A_295, %sub3A_303 : vector<16xf32>
        %mul3A_305 = arith.constant 5.000000e-01 : f32
        %mul3A_306 = vector.broadcast %mul3A_305 : f32 to vector<16xf32>
        %mul3A_307 = arith.mulf %mul3A_306, %get3A_208 : vector<16xf32>
        %mul3A_308 = arith.mulf %mul3A_307, %mul3A_304 : vector<16xf32>
        %mul3A_309 = arith.mulf %mul3A_308, %mul3A_304 : vector<16xf32>
        %sub3A_310 = arith.constant 1.500000e+00 : f32
        %sub3A_311 = vector.broadcast %sub3A_310 : f32 to vector<16xf32>
        %sub3A_312 = arith.subf %sub3A_311, %mul3A_309 : vector<16xf32>
        %mul3A_313 = arith.mulf %mul3A_304, %sub3A_312 : vector<16xf32>
        %mul3A_314 = arith.constant 5.000000e-01 : f32
        %mul3A_315 = vector.broadcast %mul3A_314 : f32 to vector<16xf32>
        %mul3A_316 = arith.mulf %mul3A_315, %get3A_208 : vector<16xf32>
        %mul3A_317 = arith.mulf %mul3A_316, %mul3A_313 : vector<16xf32>
        %mul3A_318 = arith.mulf %mul3A_317, %mul3A_313 : vector<16xf32>
        %sub3A_319 = arith.constant 1.500000e+00 : f32
        %sub3A_320 = vector.broadcast %sub3A_319 : f32 to vector<16xf32>
        %sub3A_321 = arith.subf %sub3A_320, %mul3A_318 : vector<16xf32>
        %mul3A_322 = arith.mulf %mul3A_313, %sub3A_321 : vector<16xf32>
        %mul3A_323 = arith.mulf %get3A_208, %mul3A_322 : vector<16xf32>
        %mul3A_324 = arith.constant 282.857147 : f32
        %mul3A_325 = vector.broadcast %mul3A_324 : f32 to vector<16xf32>
        %mul3A_326 = arith.mulf %mul3A_323, %mul3A_325 : vector<16xf32>
        %add3A_327 = arith.constant 5.000000e-01 : f32
        %add3A_328 = vector.broadcast %add3A_327 : f32 to vector<16xf32>
        %add3A_329 = arith.addf %mul3A_326, %add3A_328 : vector<16xf32>
        %convert_element_type3A_330 = arith.fptosi %add3A_329 : vector<16xf32> to vector<16xi32>
        %max3A_331 = arith.constant 0 : i32
        %max3A_332 = vector.broadcast %max3A_331 : i32 to vector<16xi32>
        %max3A_333 = arith.maxsi %convert_element_type3A_330, %max3A_332 : vector<16xi32>
        %min3A_334 = arith.constant 104 : i32
        %min3A_335 = vector.broadcast %min3A_334 : i32 to vector<16xi32>
        %min3A_336 = arith.minsi %max3A_333, %min3A_335 : vector<16xi32>
        %convert_element_type3A_337 = arith.sitofp %min3A_336 : vector<16xi32> to vector<16xf32>
        %sub3A_338 = arith.subf %mul3A_326, %convert_element_type3A_337 : vector<16xf32>
        %mul3A_339 = arith.constant 640 : i32
        %mul3A_340 = vector.broadcast %mul3A_339 : i32 to vector<16xi32>
        %mul3A_341 = arith.muli %iota3A, %mul3A_340 : vector<16xi32>
        %add3A_342 = arith.constant 4 : i32
        %add3A_343 = vector.broadcast %add3A_342 : i32 to vector<16xi32>
        %add3A_344 = arith.addi %min3A_336, %add3A_343 : vector<16xi32>
        %add3A_345 = arith.addi %mul3A_341, %add3A_344 : vector<16xi32>
        %mul3A_346 = arith.mulf %sub3A_338, %sub3A_338 : vector<16xf32>
        tpu.vector_store_idx %arg8[%add3A_345], %broadcast_in_dim3A_6 masked %lt3A_287 {add = true} : memref<10240xf32, #tpu.memory_space<vmem>>[vector<16xi32>], vector<16xf32>, vector<16xi1>
        %add3A_347 = arith.constant 128 : i32
        %add3A_348 = vector.broadcast %add3A_347 : i32 to vector<16xi32>
        %add3A_349 = arith.addi %add3A_345, %add3A_348 : vector<16xi32>
        tpu.vector_store_idx %arg8[%add3A_349], %sub3A_338 masked %lt3A_287 {add = true} : memref<10240xf32, #tpu.memory_space<vmem>>[vector<16xi32>], vector<16xf32>, vector<16xi1>
        %add3A_350 = arith.constant 256 : i32
        %add3A_351 = vector.broadcast %add3A_350 : i32 to vector<16xi32>
        %add3A_352 = arith.addi %add3A_345, %add3A_351 : vector<16xi32>
        tpu.vector_store_idx %arg8[%add3A_352], %mul3A_346 masked %lt3A_287 {add = true} : memref<10240xf32, #tpu.memory_space<vmem>>[vector<16xi32>], vector<16xf32>, vector<16xi1>
        %add3A_353 = arith.constant 384 : i32
        %add3A_354 = vector.broadcast %add3A_353 : i32 to vector<16xi32>
        %add3A_355 = arith.addi %add3A_345, %add3A_354 : vector<16xi32>
        %mul3A_356 = arith.mulf %mul3A_346, %sub3A_338 : vector<16xf32>
        tpu.vector_store_idx %arg8[%add3A_355], %mul3A_356 masked %lt3A_287 {add = true} : memref<10240xf32, #tpu.memory_space<vmem>>[vector<16xi32>], vector<16xf32>, vector<16xi1>
        %add3A_357 = arith.constant 512 : i32
        %add3A_358 = vector.broadcast %add3A_357 : i32 to vector<16xi32>
        %add3A_359 = arith.addi %add3A_345, %add3A_358 : vector<16xi32>
        %mul3A_360 = arith.mulf %mul3A_346, %mul3A_346 : vector<16xf32>
        tpu.vector_store_idx %arg8[%add3A_359], %mul3A_360 masked %lt3A_287 {add = true} : memref<10240xf32, #tpu.memory_space<vmem>>[vector<16xi32>], vector<16xf32>, vector<16xi1>
      }
      %while3A_199 = arith.constant 1 : i32
      scf.for %while3A_200 = %while3A_197 to %while3A_193 step %while3A_199  : i32 {
        %mul3A_201 = arith.constant 32 : i32
        %mul3A_202 = arith.muli %while3A_200, %mul3A_201 : i32
        %add3A_203 = arith.addi %mul3A_190, %mul3A_202 : i32
        %get3A = arith.index_cast %add3A_203 : i32 to index
        %get3A_204 = tpu.vector_load %arg6[%get3A] {strides = array<i32>} : memref<8704xf32, #tpu.memory_space<vmem>>, vector<16xf32>,
        %add3A_205 = arith.constant 16 : i32
        %add3A_206 = arith.addi %add3A_203, %add3A_205 : i32
        %get3A_207 = arith.index_cast %add3A_206 : i32 to index
        %get3A_208 = tpu.vector_load %arg6[%get3A_207] {strides = array<i32>} : memref<8704xf32, #tpu.memory_space<vmem>>, vector<16xf32>,
        %mul3A_209 = arith.constant 32 : i32
        %mul3A_210 = arith.muli %while3A_200, %mul3A_209 : i32
        %add3A_211 = vector.broadcast %mul3A_210 : i32 to vector<16xi32>
        %add3A_212 = arith.addi %add3A_211, %iota3A : vector<16xi32>
        %lt3A = arith.cmpi slt, %add3A_212, %gather3A : vector<16xi32>
        %bitcast3A = vector.bitcast %get3A_204 : vector<16xf32> to vector<16xi32>
        %shift_right_logical3A = arith.constant 1 : i32
        %shift_right_logical3A_213 = vector.broadcast %shift_right_logical3A : i32 to vector<16xi32>
        %shift_right_logical3A_214 = arith.shrui %bitcast3A, %shift_right_logical3A_213 : vector<16xi32>
        %sub3A_215 = arith.constant 1597463007 : i32
        %sub3A_216 = vector.broadcast %sub3A_215 : i32 to vector<16xi32>
        %sub3A_217 = arith.subi %sub3A_216, %shift_right_logical3A_214 : vector<16xi32>
        %bitcast3A_218 = vector.bitcast %sub3A_217 : vector<16xi32> to vector<16xf32>
        %mul3A_219 = arith.constant 5.000000e-01 : f32
        %mul3A_220 = vector.broadcast %mul3A_219 : f32 to vector<16xf32>
        %mul3A_221 = arith.mulf %mul3A_220, %get3A_204 : vector<16xf32>
        %mul3A_222 = arith.mulf %mul3A_221, %bitcast3A_218 : vector<16xf32>
        %mul3A_223 = arith.mulf %mul3A_222, %bitcast3A_218 : vector<16xf32>
        %sub3A_224 = arith.constant 1.500000e+00 : f32
        %sub3A_225 = vector.broadcast %sub3A_224 : f32 to vector<16xf32>
        %sub3A_226 = arith.subf %sub3A_225, %mul3A_223 : vector<16xf32>
        %mul3A_227 = arith.mulf %bitcast3A_218, %sub3A_226 : vector<16xf32>
        %mul3A_228 = arith.constant 5.000000e-01 : f32
        %mul3A_229 = vector.broadcast %mul3A_228 : f32 to vector<16xf32>
        %mul3A_230 = arith.mulf %mul3A_229, %get3A_204 : vector<16xf32>
        %mul3A_231 = arith.mulf %mul3A_230, %mul3A_227 : vector<16xf32>
        %mul3A_232 = arith.mulf %mul3A_231, %mul3A_227 : vector<16xf32>
        %sub3A_233 = arith.constant 1.500000e+00 : f32
        %sub3A_234 = vector.broadcast %sub3A_233 : f32 to vector<16xf32>
        %sub3A_235 = arith.subf %sub3A_234, %mul3A_232 : vector<16xf32>
        %mul3A_236 = arith.mulf %mul3A_227, %sub3A_235 : vector<16xf32>
        %mul3A_237 = arith.constant 5.000000e-01 : f32
        %mul3A_238 = vector.broadcast %mul3A_237 : f32 to vector<16xf32>
        %mul3A_239 = arith.mulf %mul3A_238, %get3A_204 : vector<16xf32>
        %mul3A_240 = arith.mulf %mul3A_239, %mul3A_236 : vector<16xf32>
        %mul3A_241 = arith.mulf %mul3A_240, %mul3A_236 : vector<16xf32>
        %sub3A_242 = arith.constant 1.500000e+00 : f32
        %sub3A_243 = vector.broadcast %sub3A_242 : f32 to vector<16xf32>
        %sub3A_244 = arith.subf %sub3A_243, %mul3A_241 : vector<16xf32>
        %mul3A_245 = arith.mulf %mul3A_236, %sub3A_244 : vector<16xf32>
        %mul3A_246 = arith.mulf %get3A_204, %mul3A_245 : vector<16xf32>
        %mul3A_247 = arith.constant 282.857147 : f32
        %mul3A_248 = vector.broadcast %mul3A_247 : f32 to vector<16xf32>
        %mul3A_249 = arith.mulf %mul3A_246, %mul3A_248 : vector<16xf32>
        %add3A_250 = arith.constant 5.000000e-01 : f32
        %add3A_251 = vector.broadcast %add3A_250 : f32 to vector<16xf32>
        %add3A_252 = arith.addf %mul3A_249, %add3A_251 : vector<16xf32>
        %convert_element_type3A = arith.fptosi %add3A_252 : vector<16xf32> to vector<16xi32>
        %max3A = arith.constant 0 : i32
        %max3A_253 = vector.broadcast %max3A : i32 to vector<16xi32>
        %max3A_254 = arith.maxsi %convert_element_type3A, %max3A_253 : vector<16xi32>
        %min3A = arith.constant 104 : i32
        %min3A_255 = vector.broadcast %min3A : i32 to vector<16xi32>
        %min3A_256 = arith.minsi %max3A_254, %min3A_255 : vector<16xi32>
        %convert_element_type3A_257 = arith.sitofp %min3A_256 : vector<16xi32> to vector<16xf32>
        %sub3A_258 = arith.subf %mul3A_249, %convert_element_type3A_257 : vector<16xf32>
        %mul3A_259 = arith.constant 640 : i32
        %mul3A_260 = vector.broadcast %mul3A_259 : i32 to vector<16xi32>
        %mul3A_261 = arith.muli %iota3A, %mul3A_260 : vector<16xi32>
        %add3A_262 = arith.constant 4 : i32
        %add3A_263 = vector.broadcast %add3A_262 : i32 to vector<16xi32>
        %add3A_264 = arith.addi %min3A_256, %add3A_263 : vector<16xi32>
        %add3A_265 = arith.addi %mul3A_261, %add3A_264 : vector<16xi32>
        %mul3A_266 = arith.mulf %sub3A_258, %sub3A_258 : vector<16xf32>
        tpu.vector_store_idx %arg8[%add3A_265], %broadcast_in_dim3A_6 masked %lt3A {add = true} : memref<10240xf32, #tpu.memory_space<vmem>>[vector<16xi32>], vector<16xf32>, vector<16xi1>
        %add3A_267 = arith.constant 128 : i32
        %add3A_268 = vector.broadcast %add3A_267 : i32 to vector<16xi32>
        %add3A_269 = arith.addi %add3A_265, %add3A_268 : vector<16xi32>
        tpu.vector_store_idx %arg8[%add3A_269], %sub3A_258 masked %lt3A {add = true} : memref<10240xf32, #tpu.memory_space<vmem>>[vector<16xi32>], vector<16xf32>, vector<16xi1>
        %add3A_270 = arith.constant 256 : i32
        %add3A_271 = vector.broadcast %add3A_270 : i32 to vector<16xi32>
        %add3A_272 = arith.addi %add3A_265, %add3A_271 : vector<16xi32>
        tpu.vector_store_idx %arg8[%add3A_272], %mul3A_266 masked %lt3A {add = true} : memref<10240xf32, #tpu.memory_space<vmem>>[vector<16xi32>], vector<16xf32>, vector<16xi1>
        %add3A_273 = arith.constant 384 : i32
        %add3A_274 = vector.broadcast %add3A_273 : i32 to vector<16xi32>
        %add3A_275 = arith.addi %add3A_265, %add3A_274 : vector<16xi32>
        %mul3A_276 = arith.mulf %mul3A_266, %sub3A_258 : vector<16xf32>
        tpu.vector_store_idx %arg8[%add3A_275], %mul3A_276 masked %lt3A {add = true} : memref<10240xf32, #tpu.memory_space<vmem>>[vector<16xi32>], vector<16xf32>, vector<16xi1>
        %add3A_277 = arith.constant 512 : i32
        %add3A_278 = vector.broadcast %add3A_277 : i32 to vector<16xi32>
        %add3A_279 = arith.addi %add3A_265, %add3A_278 : vector<16xi32>
        %mul3A_280 = arith.mulf %mul3A_266, %mul3A_266 : vector<16xf32>
        tpu.vector_store_idx %arg8[%add3A_279], %mul3A_280 masked %lt3A {add = true} : memref<10240xf32, #tpu.memory_space<vmem>>[vector<16xi32>], vector<16xf32>, vector<16xi1>
        %mul3A_281 = arith.constant 32 : i32
        %mul3A_282 = arith.muli %while3A_200, %mul3A_281 : i32
        %add3A_283 = arith.constant 16 : i32
        %add3A_284 = arith.addi %mul3A_282, %add3A_283 : i32
        %add3A_285 = vector.broadcast %add3A_284 : i32 to vector<16xi32>
        %add3A_286 = arith.addi %add3A_285, %iota3A : vector<16xi32>
        %lt3A_287 = arith.cmpi slt, %add3A_286, %gather3A : vector<16xi32>
        %bitcast3A_288 = vector.bitcast %get3A_208 : vector<16xf32> to vector<16xi32>
        %shift_right_logical3A_289 = arith.constant 1 : i32
        %shift_right_logical3A_290 = vector.broadcast %shift_right_logical3A_289 : i32 to vector<16xi32>
        %shift_right_logical3A_291 = arith.shrui %bitcast3A_288, %shift_right_logical3A_290 : vector<16xi32>
        %sub3A_292 = arith.constant 1597463007 : i32
        %sub3A_293 = vector.broadcast %sub3A_292 : i32 to vector<16xi32>
        %sub3A_294 = arith.subi %sub3A_293, %shift_right_logical3A_291 : vector<16xi32>
        %bitcast3A_295 = vector.bitcast %sub3A_294 : vector<16xi32> to vector<16xf32>
        %mul3A_296 = arith.constant 5.000000e-01 : f32
        %mul3A_297 = vector.broadcast %mul3A_296 : f32 to vector<16xf32>
        %mul3A_298 = arith.mulf %mul3A_297, %get3A_208 : vector<16xf32>
        %mul3A_299 = arith.mulf %mul3A_298, %bitcast3A_295 : vector<16xf32>
        %mul3A_300 = arith.mulf %mul3A_299, %bitcast3A_295 : vector<16xf32>
        %sub3A_301 = arith.constant 1.500000e+00 : f32
        %sub3A_302 = vector.broadcast %sub3A_301 : f32 to vector<16xf32>
        %sub3A_303 = arith.subf %sub3A_302, %mul3A_300 : vector<16xf32>
        %mul3A_304 = arith.mulf %bitcast3A_295, %sub3A_303 : vector<16xf32>
        %mul3A_305 = arith.constant 5.000000e-01 : f32
        %mul3A_306 = vector.broadcast %mul3A_305 : f32 to vector<16xf32>
        %mul3A_307 = arith.mulf %mul3A_306, %get3A_208 : vector<16xf32>
        %mul3A_308 = arith.mulf %mul3A_307, %mul3A_304 : vector<16xf32>
        %mul3A_309 = arith.mulf %mul3A_308, %mul3A_304 : vector<16xf32>
        %sub3A_310 = arith.constant 1.500000e+00 : f32
        %sub3A_311 = vector.broadcast %sub3A_310 : f32 to vector<16xf32>
        %sub3A_312 = arith.subf %sub3A_311, %mul3A_309 : vector<16xf32>
        %mul3A_313 = arith.mulf %mul3A_304, %sub3A_312 : vector<16xf32>
        %mul3A_314 = arith.constant 5.000000e-01 : f32
        %mul3A_315 = vector.broadcast %mul3A_314 : f32 to vector<16xf32>
        %mul3A_316 = arith.mulf %mul3A_315, %get3A_208 : vector<16xf32>
        %mul3A_317 = arith.mulf %mul3A_316, %mul3A_313 : vector<16xf32>
        %mul3A_318 = arith.mulf %mul3A_317, %mul3A_313 : vector<16xf32>
        %sub3A_319 = arith.constant 1.500000e+00 : f32
        %sub3A_320 = vector.broadcast %sub3A_319 : f32 to vector<16xf32>
        %sub3A_321 = arith.subf %sub3A_320, %mul3A_318 : vector<16xf32>
        %mul3A_322 = arith.mulf %mul3A_313, %sub3A_321 : vector<16xf32>
        %mul3A_323 = arith.mulf %get3A_208, %mul3A_322 : vector<16xf32>
        %mul3A_324 = arith.constant 282.857147 : f32
        %mul3A_325 = vector.broadcast %mul3A_324 : f32 to vector<16xf32>
        %mul3A_326 = arith.mulf %mul3A_323, %mul3A_325 : vector<16xf32>
        %add3A_327 = arith.constant 5.000000e-01 : f32
        %add3A_328 = vector.broadcast %add3A_327 : f32 to vector<16xf32>
        %add3A_329 = arith.addf %mul3A_326, %add3A_328 : vector<16xf32>
        %convert_element_type3A_330 = arith.fptosi %add3A_329 : vector<16xf32> to vector<16xi32>
        %max3A_331 = arith.constant 0 : i32
        %max3A_332 = vector.broadcast %max3A_331 : i32 to vector<16xi32>
        %max3A_333 = arith.maxsi %convert_element_type3A_330, %max3A_332 : vector<16xi32>
        %min3A_334 = arith.constant 104 : i32
        %min3A_335 = vector.broadcast %min3A_334 : i32 to vector<16xi32>
        %min3A_336 = arith.minsi %max3A_333, %min3A_335 : vector<16xi32>
        %convert_element_type3A_337 = arith.sitofp %min3A_336 : vector<16xi32> to vector<16xf32>
        %sub3A_338 = arith.subf %mul3A_326, %convert_element_type3A_337 : vector<16xf32>
        %mul3A_339 = arith.constant 640 : i32
        %mul3A_340 = vector.broadcast %mul3A_339 : i32 to vector<16xi32>
        %mul3A_341 = arith.muli %iota3A, %mul3A_340 : vector<16xi32>
        %add3A_342 = arith.constant 4 : i32
        %add3A_343 = vector.broadcast %add3A_342 : i32 to vector<16xi32>
        %add3A_344 = arith.addi %min3A_336, %add3A_343 : vector<16xi32>
        %add3A_345 = arith.addi %mul3A_341, %add3A_344 : vector<16xi32>
        %mul3A_346 = arith.mulf %sub3A_338, %sub3A_338 : vector<16xf32>
        tpu.vector_store_idx %arg8[%add3A_345], %broadcast_in_dim3A_6 masked %lt3A_287 {add = true} : memref<10240xf32, #tpu.memory_space<vmem>>[vector<16xi32>], vector<16xf32>, vector<16xi1>
        %add3A_347 = arith.constant 128 : i32
        %add3A_348 = vector.broadcast %add3A_347 : i32 to vector<16xi32>
        %add3A_349 = arith.addi %add3A_345, %add3A_348 : vector<16xi32>
        tpu.vector_store_idx %arg8[%add3A_349], %sub3A_338 masked %lt3A_287 {add = true} : memref<10240xf32, #tpu.memory_space<vmem>>[vector<16xi32>], vector<16xf32>, vector<16xi1>
        %add3A_350 = arith.constant 256 : i32
        %add3A_351 = vector.broadcast %add3A_350 : i32 to vector<16xi32>
        %add3A_352 = arith.addi %add3A_345, %add3A_351 : vector<16xi32>
        tpu.vector_store_idx %arg8[%add3A_352], %mul3A_346 masked %lt3A_287 {add = true} : memref<10240xf32, #tpu.memory_space<vmem>>[vector<16xi32>], vector<16xf32>, vector<16xi1>
        %add3A_353 = arith.constant 384 : i32
        %add3A_354 = vector.broadcast %add3A_353 : i32 to vector<16xi32>
        %add3A_355 = arith.addi %add3A_345, %add3A_354 : vector<16xi32>
        %mul3A_356 = arith.mulf %mul3A_346, %sub3A_338 : vector<16xf32>
        tpu.vector_store_idx %arg8[%add3A_355], %mul3A_356 masked %lt3A_287 {add = true} : memref<10240xf32, #tpu.memory_space<vmem>>[vector<16xi32>], vector<16xf32>, vector<16xi1>
        %add3A_357 = arith.constant 512 : i32
        %add3A_358 = vector.broadcast %add3A_357 : i32 to vector<16xi32>
        %add3A_359 = arith.addi %add3A_345, %add3A_358 : vector<16xi32>
        %mul3A_360 = arith.mulf %mul3A_346, %mul3A_346 : vector<16xf32>
        tpu.vector_store_idx %arg8[%add3A_359], %mul3A_360 masked %lt3A_287 {add = true} : memref<10240xf32, #tpu.memory_space<vmem>>[vector<16xi32>], vector<16xf32>, vector<16xi1>
      }
    }
    %scan3A_150 = arith.constant 16 : i32
    %scan3A_151 = arith.constant 0 : i32
    %scan3A_152 = arith.constant 0 : i32
    %scan3A_153 = arith.constant 40 : i32
    %scan3A_154 = arith.addi %scan3A_152, %scan3A_153 : i32
    %scan3A_155 = arith.constant 1 : i32
    scf.for %scan3A_161 = %scan3A_152 to %scan3A_154 step %scan3A_155  : i32 {
      %mul3A_162 = arith.constant 16 : i32
      %mul3A_163 = arith.muli %scan3A_161, %mul3A_162 : i32
      %get3A = arith.index_cast %mul3A_163 : i32 to index
      %get3A_164 = tpu.vector_load %arg8[%get3A] {strides = array<i32>} : memref<10240xf32, #tpu.memory_space<vmem>>, vector<16xf32>,
      %mul3A_165 = arith.constant 16 : i32
      %mul3A_166 = arith.muli %scan3A_161, %mul3A_165 : i32
      %add3A_167 = arith.constant 640 : i32
      %add3A_168 = arith.addi %add3A_167, %mul3A_166 : i32
      %get3A_169 = arith.index_cast %add3A_168 : i32 to index
      %get3A_170 = tpu.vector_load %arg8[%get3A_169] {strides = array<i32>} : memref<10240xf32, #tpu.memory_space<vmem>>, vector<16xf32>,
      %add3A_171 = arith.addf %get3A_164, %get3A_170 : vector<16xf32>
      %mul3A_172 = arith.constant 16 : i32
      %mul3A_173 = arith.muli %scan3A_161, %mul3A_172 : i32
      %add3A_174 = arith.constant 1280 : i32
      %add3A_175 = arith.addi %add3A_174, %mul3A_173 : i32
      %get3A_176 = arith.index_cast %add3A_175 : i32 to index
      %get3A_177 = tpu.vector_load %arg8[%get3A_176] {strides = array<i32>} : memref<10240xf32, #tpu.memory_space<vmem>>, vector<16xf32>,
      %add3A_178 = arith.addf %add3A_171, %get3A_177 : vector<16xf32>
      %mul3A_179 = arith.constant 16 : i32
      %mul3A_180 = arith.muli %scan3A_161, %mul3A_179 : i32
      %add3A_181 = arith.constant 1920 : i32
      %add3A_182 = arith.addi %add3A_181, %mul3A_180 : i32
      %get3A_183 = arith.index_cast %add3A_182 : i32 to index
      %get3A_184 = tpu.vector_load %arg8[%get3A_183] {strides = array<i32>} : memref<10240xf32, #tpu.memory_space<vmem>>, vector<16xf32>,
      %add3A_185 = arith.addf %add3A_178, %get3A_184 : vector<16xf32>
      %mul3A_186 = arith.constant 16 : i32
      %mul3A_187 = arith.muli %scan3A_161, %mul3A_186 : i32
      %add3A_188 = arith.constant 2560 : i32
      %add3A_189 = arith.addi %add3A_188, %mul3A_187 : i32
      %get3A_190 = arith.index_cast %add3A_189 : i32 to index
      %get3A_191 = tpu.vector_load %arg8[%get3A_190] {strides = array<i32>} : memref<10240xf32, #tpu.memory_space<vmem>>, vector<16xf32>,
      %add3A_192 = arith.addf %add3A_185, %get3A_191 : vector<16xf32>
      %mul3A_193 = arith.constant 16 : i32
      %mul3A_194 = arith.muli %scan3A_161, %mul3A_193 : i32
      %add3A_195 = arith.constant 3200 : i32
      %add3A_196 = arith.addi %add3A_195, %mul3A_194 : i32
      %get3A_197 = arith.index_cast %add3A_196 : i32 to index
      %get3A_198 = tpu.vector_load %arg8[%get3A_197] {strides = array<i32>} : memref<10240xf32, #tpu.memory_space<vmem>>, vector<16xf32>,
      %add3A_199 = arith.addf %add3A_192, %get3A_198 : vector<16xf32>
      %mul3A_200 = arith.constant 16 : i32
      %mul3A_201 = arith.muli %scan3A_161, %mul3A_200 : i32
      %add3A_202 = arith.constant 3840 : i32
      %add3A_203 = arith.addi %add3A_202, %mul3A_201 : i32
      %get3A_204 = arith.index_cast %add3A_203 : i32 to index
      %get3A_205 = tpu.vector_load %arg8[%get3A_204] {strides = array<i32>} : memref<10240xf32, #tpu.memory_space<vmem>>, vector<16xf32>,
      %add3A_206 = arith.addf %add3A_199, %get3A_205 : vector<16xf32>
      %mul3A_207 = arith.constant 16 : i32
      %mul3A_208 = arith.muli %scan3A_161, %mul3A_207 : i32
      %add3A_209 = arith.constant 4480 : i32
      %add3A_210 = arith.addi %add3A_209, %mul3A_208 : i32
      %get3A_211 = arith.index_cast %add3A_210 : i32 to index
      %get3A_212 = tpu.vector_load %arg8[%get3A_211] {strides = array<i32>} : memref<10240xf32, #tpu.memory_space<vmem>>, vector<16xf32>,
      %add3A_213 = arith.addf %add3A_206, %get3A_212 : vector<16xf32>
      %mul3A_214 = arith.constant 16 : i32
      %mul3A_215 = arith.muli %scan3A_161, %mul3A_214 : i32
      %add3A_216 = arith.constant 5120 : i32
      %add3A_217 = arith.addi %add3A_216, %mul3A_215 : i32
      %get3A_218 = arith.index_cast %add3A_217 : i32 to index
      %get3A_219 = tpu.vector_load %arg8[%get3A_218] {strides = array<i32>} : memref<10240xf32, #tpu.memory_space<vmem>>, vector<16xf32>,
      %add3A_220 = arith.addf %add3A_213, %get3A_219 : vector<16xf32>
      %mul3A_221 = arith.constant 16 : i32
      %mul3A_222 = arith.muli %scan3A_161, %mul3A_221 : i32
      %add3A_223 = arith.constant 5760 : i32
      %add3A_224 = arith.addi %add3A_223, %mul3A_222 : i32
      %get3A_225 = arith.index_cast %add3A_224 : i32 to index
      %get3A_226 = tpu.vector_load %arg8[%get3A_225] {strides = array<i32>} : memref<10240xf32, #tpu.memory_space<vmem>>, vector<16xf32>,
      %add3A_227 = arith.addf %add3A_220, %get3A_226 : vector<16xf32>
      %mul3A_228 = arith.constant 16 : i32
      %mul3A_229 = arith.muli %scan3A_161, %mul3A_228 : i32
      %add3A_230 = arith.constant 6400 : i32
      %add3A_231 = arith.addi %add3A_230, %mul3A_229 : i32
      %get3A_232 = arith.index_cast %add3A_231 : i32 to index
      %get3A_233 = tpu.vector_load %arg8[%get3A_232] {strides = array<i32>} : memref<10240xf32, #tpu.memory_space<vmem>>, vector<16xf32>,
      %add3A_234 = arith.addf %add3A_227, %get3A_233 : vector<16xf32>
      %mul3A_235 = arith.constant 16 : i32
      %mul3A_236 = arith.muli %scan3A_161, %mul3A_235 : i32
      %add3A_237 = arith.constant 7040 : i32
      %add3A_238 = arith.addi %add3A_237, %mul3A_236 : i32
      %get3A_239 = arith.index_cast %add3A_238 : i32 to index
      %get3A_240 = tpu.vector_load %arg8[%get3A_239] {strides = array<i32>} : memref<10240xf32, #tpu.memory_space<vmem>>, vector<16xf32>,
      %add3A_241 = arith.addf %add3A_234, %get3A_240 : vector<16xf32>
      %mul3A_242 = arith.constant 16 : i32
      %mul3A_243 = arith.muli %scan3A_161, %mul3A_242 : i32
      %add3A_244 = arith.constant 7680 : i32
      %add3A_245 = arith.addi %add3A_244, %mul3A_243 : i32
      %get3A_246 = arith.index_cast %add3A_245 : i32 to index
      %get3A_247 = tpu.vector_load %arg8[%get3A_246] {strides = array<i32>} : memref<10240xf32, #tpu.memory_space<vmem>>, vector<16xf32>,
      %add3A_248 = arith.addf %add3A_241, %get3A_247 : vector<16xf32>
      %mul3A_249 = arith.constant 16 : i32
      %mul3A_250 = arith.muli %scan3A_161, %mul3A_249 : i32
      %add3A_251 = arith.constant 8320 : i32
      %add3A_252 = arith.addi %add3A_251, %mul3A_250 : i32
      %get3A_253 = arith.index_cast %add3A_252 : i32 to index
      %get3A_254 = tpu.vector_load %arg8[%get3A_253] {strides = array<i32>} : memref<10240xf32, #tpu.memory_space<vmem>>, vector<16xf32>,
      %add3A_255 = arith.addf %add3A_248, %get3A_254 : vector<16xf32>
      %mul3A_256 = arith.constant 16 : i32
      %mul3A_257 = arith.muli %scan3A_161, %mul3A_256 : i32
      %add3A_258 = arith.constant 8960 : i32
      %add3A_259 = arith.addi %add3A_258, %mul3A_257 : i32
      %get3A_260 = arith.index_cast %add3A_259 : i32 to index
      %get3A_261 = tpu.vector_load %arg8[%get3A_260] {strides = array<i32>} : memref<10240xf32, #tpu.memory_space<vmem>>, vector<16xf32>,
      %add3A_262 = arith.addf %add3A_255, %get3A_261 : vector<16xf32>
      %mul3A_263 = arith.constant 16 : i32
      %mul3A_264 = arith.muli %scan3A_161, %mul3A_263 : i32
      %add3A_265 = arith.constant 9600 : i32
      %add3A_266 = arith.addi %add3A_265, %mul3A_264 : i32
      %get3A_267 = arith.index_cast %add3A_266 : i32 to index
      %get3A_268 = tpu.vector_load %arg8[%get3A_267] {strides = array<i32>} : memref<10240xf32, #tpu.memory_space<vmem>>, vector<16xf32>,
      %add3A_269 = arith.addf %add3A_262, %get3A_268 : vector<16xf32>
      %mul3A_270 = arith.constant 16 : i32
      %mul3A_271 = arith.muli %scan3A_161, %mul3A_270 : i32
      %swap3A_272 = arith.index_cast %mul3A_271 : i32 to index
      %swap3A_273 = tpu.vector_load %arg9[%swap3A_272] {strides = array<i32>} : memref<640xf32, #tpu.memory_space<vmem>>, vector<16xf32>,
      tpu.vector_store %arg9[%swap3A_272], %add3A_269 {strides = array<i32>} : memref<640xf32, #tpu.memory_space<vmem>>, vector<16xf32>,
    }
    %scan3A_156 = arith.constant 40 : i32
    %mul3A_157 = arith.constant 5 : i32
    %mul3A_158 = arith.muli %add3A, %mul3A_157 : i32
    %mul3A_159 = arith.constant 128 : i32
    %mul3A_160 = arith.muli %mul3A_158, %mul3A_159 : i32
    "tpu.region"() ({
      %run_scoped3A = tpu.sem_alloc : memref<!tpu.dma_semaphore, #tpu.memory_space<semaphore_mem>>
      %dma_start3A = tpu.memref_slice %arg3[%mul3A_160] : memref<20480xf32, #tpu.memory_space<hbm>> -> memref<640xf32, #tpu.memory_space<hbm>>
      %dma_start3A_161 = tpu.memref_slice %arg3[%mul3A_160] : memref<20480xf32, #tpu.memory_space<hbm>> -> memref<640xf32, #tpu.memory_space<hbm>>
      tpu.enqueue_dma source(%arg9 : memref<640xf32, #tpu.memory_space<vmem>>) target(%dma_start3A_161 : memref<640xf32, #tpu.memory_space<hbm>>) target_semaphore(%run_scoped3A : memref<!tpu.dma_semaphore, #tpu.memory_space<semaphore_mem>>)
      %dma_wait3A = tpu.memref_slice %arg3[%mul3A_160] : memref<20480xf32, #tpu.memory_space<hbm>> -> memref<640xf32, #tpu.memory_space<hbm>>
      %dma_wait3A_162 = tpu.memref_slice %arg3[%mul3A_160] : memref<20480xf32, #tpu.memory_space<hbm>> -> memref<640xf32, #tpu.memory_space<hbm>>
      tpu.wait_dma2 semaphore(%run_scoped3A : memref<!tpu.dma_semaphore, #tpu.memory_space<semaphore_mem>>) src(%arg9 : memref<640xf32, #tpu.memory_space<vmem>>) dst(%dma_wait3A_162 : memref<640xf32, #tpu.memory_space<hbm>>)
      tpu.yield
    }) : () -> ()
    return
  }
}

module attributes {stable_mosaic.version = 14 : i64} {
  func.func @_finish_body(%arg0: memref<20480xf32, #tpu.memory_space<vmem>>, %arg1: memref<100xf32, #tpu.memory_space<vmem>>, %arg2: memref<100xf32, #tpu.memory_space<vmem>>, %arg3: memref<100xf32, #tpu.memory_space<vmem>>) attributes {dimension_semantics = [], scalar_prefetch = 0 : i64, scratch_operands = 0 : i64, tpu.core_type = #tpu.core_type<tc>} {
    %get3A = arith.constant 0 : index
    %get3A_0 = vector.load %arg0[%get3A] : memref<20480xf32, #tpu.memory_space<vmem>>, vector<20480xf32>
    %slice3A = vector.extract_strided_slice %get3A_0 {offsets = [0], sizes = [640], strides = [1]} : vector<20480xf32> to vector<640xf32>
    %slice3A_1 = vector.extract_strided_slice %get3A_0 {offsets = [640], sizes = [640], strides = [1]} : vector<20480xf32> to vector<640xf32>
    %add3A = arith.addf %slice3A, %slice3A_1 : vector<640xf32>
    %slice3A_2 = vector.extract_strided_slice %get3A_0 {offsets = [1280], sizes = [640], strides = [1]} : vector<20480xf32> to vector<640xf32>
    %add3A_3 = arith.addf %add3A, %slice3A_2 : vector<640xf32>
    %slice3A_4 = vector.extract_strided_slice %get3A_0 {offsets = [1920], sizes = [640], strides = [1]} : vector<20480xf32> to vector<640xf32>
    %add3A_5 = arith.addf %add3A_3, %slice3A_4 : vector<640xf32>
    %slice3A_6 = vector.extract_strided_slice %get3A_0 {offsets = [2560], sizes = [640], strides = [1]} : vector<20480xf32> to vector<640xf32>
    %add3A_7 = arith.addf %add3A_5, %slice3A_6 : vector<640xf32>
    %slice3A_8 = vector.extract_strided_slice %get3A_0 {offsets = [3200], sizes = [640], strides = [1]} : vector<20480xf32> to vector<640xf32>
    %add3A_9 = arith.addf %add3A_7, %slice3A_8 : vector<640xf32>
    %slice3A_10 = vector.extract_strided_slice %get3A_0 {offsets = [3840], sizes = [640], strides = [1]} : vector<20480xf32> to vector<640xf32>
    %add3A_11 = arith.addf %add3A_9, %slice3A_10 : vector<640xf32>
    %slice3A_12 = vector.extract_strided_slice %get3A_0 {offsets = [4480], sizes = [640], strides = [1]} : vector<20480xf32> to vector<640xf32>
    %add3A_13 = arith.addf %add3A_11, %slice3A_12 : vector<640xf32>
    %slice3A_14 = vector.extract_strided_slice %get3A_0 {offsets = [5120], sizes = [640], strides = [1]} : vector<20480xf32> to vector<640xf32>
    %add3A_15 = arith.addf %add3A_13, %slice3A_14 : vector<640xf32>
    %slice3A_16 = vector.extract_strided_slice %get3A_0 {offsets = [5760], sizes = [640], strides = [1]} : vector<20480xf32> to vector<640xf32>
    %add3A_17 = arith.addf %add3A_15, %slice3A_16 : vector<640xf32>
    %slice3A_18 = vector.extract_strided_slice %get3A_0 {offsets = [6400], sizes = [640], strides = [1]} : vector<20480xf32> to vector<640xf32>
    %add3A_19 = arith.addf %add3A_17, %slice3A_18 : vector<640xf32>
    %slice3A_20 = vector.extract_strided_slice %get3A_0 {offsets = [7040], sizes = [640], strides = [1]} : vector<20480xf32> to vector<640xf32>
    %add3A_21 = arith.addf %add3A_19, %slice3A_20 : vector<640xf32>
    %slice3A_22 = vector.extract_strided_slice %get3A_0 {offsets = [7680], sizes = [640], strides = [1]} : vector<20480xf32> to vector<640xf32>
    %add3A_23 = arith.addf %add3A_21, %slice3A_22 : vector<640xf32>
    %slice3A_24 = vector.extract_strided_slice %get3A_0 {offsets = [8320], sizes = [640], strides = [1]} : vector<20480xf32> to vector<640xf32>
    %add3A_25 = arith.addf %add3A_23, %slice3A_24 : vector<640xf32>
    %slice3A_26 = vector.extract_strided_slice %get3A_0 {offsets = [8960], sizes = [640], strides = [1]} : vector<20480xf32> to vector<640xf32>
    %add3A_27 = arith.addf %add3A_25, %slice3A_26 : vector<640xf32>
    %slice3A_28 = vector.extract_strided_slice %get3A_0 {offsets = [9600], sizes = [640], strides = [1]} : vector<20480xf32> to vector<640xf32>
    %add3A_29 = arith.addf %add3A_27, %slice3A_28 : vector<640xf32>
    %slice3A_30 = vector.extract_strided_slice %get3A_0 {offsets = [10240], sizes = [640], strides = [1]} : vector<20480xf32> to vector<640xf32>
    %add3A_31 = arith.addf %add3A_29, %slice3A_30 : vector<640xf32>
    %slice3A_32 = vector.extract_strided_slice %get3A_0 {offsets = [10880], sizes = [640], strides = [1]} : vector<20480xf32> to vector<640xf32>
    %add3A_33 = arith.addf %add3A_31, %slice3A_32 : vector<640xf32>
    %slice3A_34 = vector.extract_strided_slice %get3A_0 {offsets = [11520], sizes = [640], strides = [1]} : vector<20480xf32> to vector<640xf32>
    %add3A_35 = arith.addf %add3A_33, %slice3A_34 : vector<640xf32>
    %slice3A_36 = vector.extract_strided_slice %get3A_0 {offsets = [12160], sizes = [640], strides = [1]} : vector<20480xf32> to vector<640xf32>
    %add3A_37 = arith.addf %add3A_35, %slice3A_36 : vector<640xf32>
    %slice3A_38 = vector.extract_strided_slice %get3A_0 {offsets = [12800], sizes = [640], strides = [1]} : vector<20480xf32> to vector<640xf32>
    %add3A_39 = arith.addf %add3A_37, %slice3A_38 : vector<640xf32>
    %slice3A_40 = vector.extract_strided_slice %get3A_0 {offsets = [13440], sizes = [640], strides = [1]} : vector<20480xf32> to vector<640xf32>
    %add3A_41 = arith.addf %add3A_39, %slice3A_40 : vector<640xf32>
    %slice3A_42 = vector.extract_strided_slice %get3A_0 {offsets = [14080], sizes = [640], strides = [1]} : vector<20480xf32> to vector<640xf32>
    %add3A_43 = arith.addf %add3A_41, %slice3A_42 : vector<640xf32>
    %slice3A_44 = vector.extract_strided_slice %get3A_0 {offsets = [14720], sizes = [640], strides = [1]} : vector<20480xf32> to vector<640xf32>
    %add3A_45 = arith.addf %add3A_43, %slice3A_44 : vector<640xf32>
    %slice3A_46 = vector.extract_strided_slice %get3A_0 {offsets = [15360], sizes = [640], strides = [1]} : vector<20480xf32> to vector<640xf32>
    %add3A_47 = arith.addf %add3A_45, %slice3A_46 : vector<640xf32>
    %slice3A_48 = vector.extract_strided_slice %get3A_0 {offsets = [16000], sizes = [640], strides = [1]} : vector<20480xf32> to vector<640xf32>
    %add3A_49 = arith.addf %add3A_47, %slice3A_48 : vector<640xf32>
    %slice3A_50 = vector.extract_strided_slice %get3A_0 {offsets = [16640], sizes = [640], strides = [1]} : vector<20480xf32> to vector<640xf32>
    %add3A_51 = arith.addf %add3A_49, %slice3A_50 : vector<640xf32>
    %slice3A_52 = vector.extract_strided_slice %get3A_0 {offsets = [17280], sizes = [640], strides = [1]} : vector<20480xf32> to vector<640xf32>
    %add3A_53 = arith.addf %add3A_51, %slice3A_52 : vector<640xf32>
    %slice3A_54 = vector.extract_strided_slice %get3A_0 {offsets = [17920], sizes = [640], strides = [1]} : vector<20480xf32> to vector<640xf32>
    %add3A_55 = arith.addf %add3A_53, %slice3A_54 : vector<640xf32>
    %slice3A_56 = vector.extract_strided_slice %get3A_0 {offsets = [18560], sizes = [640], strides = [1]} : vector<20480xf32> to vector<640xf32>
    %add3A_57 = arith.addf %add3A_55, %slice3A_56 : vector<640xf32>
    %slice3A_58 = vector.extract_strided_slice %get3A_0 {offsets = [19200], sizes = [640], strides = [1]} : vector<20480xf32> to vector<640xf32>
    %add3A_59 = arith.addf %add3A_57, %slice3A_58 : vector<640xf32>
    %slice3A_60 = vector.extract_strided_slice %get3A_0 {offsets = [19840], sizes = [640], strides = [1]} : vector<20480xf32> to vector<640xf32>
    %add3A_61 = arith.addf %add3A_59, %slice3A_60 : vector<640xf32>
    %broadcast_in_dim3A = arith.constant 0.000000e+00 : f32
    %broadcast_in_dim3A_62 = vector.broadcast %broadcast_in_dim3A : f32 to vector<100xf32>
    %slice3A_63 = vector.extract_strided_slice %add3A_61 {offsets = [8], sizes = [100], strides = [1]} : vector<640xf32> to vector<100xf32>
    %mul3A = arith.constant 3.356120e-04 : f32
    %mul3A_64 = vector.broadcast %mul3A : f32 to vector<100xf32>
    %mul3A_65 = arith.mulf %mul3A_64, %slice3A_63 : vector<100xf32>
    %add3A_66 = arith.addf %broadcast_in_dim3A_62, %mul3A_65 : vector<100xf32>
    %slice3A_67 = vector.extract_strided_slice %add3A_61 {offsets = [136], sizes = [100], strides = [1]} : vector<640xf32> to vector<100xf32>
    %mul3A_68 = arith.constant -0.00132299017 : f32
    %mul3A_69 = vector.broadcast %mul3A_68 : f32 to vector<100xf32>
    %mul3A_70 = arith.mulf %mul3A_69, %slice3A_67 : vector<100xf32>
    %add3A_71 = arith.addf %add3A_66, %mul3A_70 : vector<100xf32>
    %slice3A_72 = vector.extract_strided_slice %add3A_61 {offsets = [264], sizes = [100], strides = [1]} : vector<640xf32> to vector<100xf32>
    %mul3A_73 = arith.constant 0.00250340858 : f32
    %mul3A_74 = vector.broadcast %mul3A_73 : f32 to vector<100xf32>
    %mul3A_75 = arith.mulf %mul3A_74, %slice3A_72 : vector<100xf32>
    %add3A_76 = arith.addf %add3A_71, %mul3A_75 : vector<100xf32>
    %slice3A_77 = vector.extract_strided_slice %add3A_61 {offsets = [392], sizes = [100], strides = [1]} : vector<640xf32> to vector<100xf32>
    %mul3A_78 = arith.constant -0.00325743621 : f32
    %mul3A_79 = vector.broadcast %mul3A_78 : f32 to vector<100xf32>
    %mul3A_80 = arith.mulf %mul3A_79, %slice3A_77 : vector<100xf32>
    %add3A_81 = arith.addf %add3A_76, %mul3A_80 : vector<100xf32>
    %slice3A_82 = vector.extract_strided_slice %add3A_61 {offsets = [520], sizes = [100], strides = [1]} : vector<640xf32> to vector<100xf32>
    %mul3A_83 = arith.constant 0.00242950022 : f32
    %mul3A_84 = vector.broadcast %mul3A_83 : f32 to vector<100xf32>
    %mul3A_85 = arith.mulf %mul3A_84, %slice3A_82 : vector<100xf32>
    %add3A_86 = arith.addf %add3A_81, %mul3A_85 : vector<100xf32>
    %slice3A_87 = vector.extract_strided_slice %add3A_61 {offsets = [7], sizes = [100], strides = [1]} : vector<640xf32> to vector<100xf32>
    %mul3A_88 = arith.constant 0.0111084757 : f32
    %mul3A_89 = vector.broadcast %mul3A_88 : f32 to vector<100xf32>
    %mul3A_90 = arith.mulf %mul3A_89, %slice3A_87 : vector<100xf32>
    %add3A_91 = arith.addf %add3A_86, %mul3A_90 : vector<100xf32>
    %slice3A_92 = vector.extract_strided_slice %add3A_61 {offsets = [135], sizes = [100], strides = [1]} : vector<640xf32> to vector<100xf32>
    %mul3A_93 = arith.constant -0.0333062261 : f32
    %mul3A_94 = vector.broadcast %mul3A_93 : f32 to vector<100xf32>
    %mul3A_95 = arith.mulf %mul3A_94, %slice3A_92 : vector<100xf32>
    %add3A_96 = arith.addf %add3A_91, %mul3A_95 : vector<100xf32>
    %slice3A_97 = vector.extract_strided_slice %add3A_61 {offsets = [263], sizes = [100], strides = [1]} : vector<640xf32> to vector<100xf32>
    %mul3A_98 = arith.constant 0.0444795229 : f32
    %mul3A_99 = vector.broadcast %mul3A_98 : f32 to vector<100xf32>
    %mul3A_100 = arith.mulf %mul3A_99, %slice3A_97 : vector<100xf32>
    %add3A_101 = arith.addf %add3A_96, %mul3A_100 : vector<100xf32>
    %slice3A_102 = vector.extract_strided_slice %add3A_61 {offsets = [391], sizes = [100], strides = [1]} : vector<640xf32> to vector<100xf32>
    %mul3A_103 = arith.constant -0.0337331258 : f32
    %mul3A_104 = vector.broadcast %mul3A_103 : f32 to vector<100xf32>
    %mul3A_105 = arith.mulf %mul3A_104, %slice3A_102 : vector<100xf32>
    %add3A_106 = arith.addf %add3A_101, %mul3A_105 : vector<100xf32>
    %slice3A_107 = vector.extract_strided_slice %add3A_61 {offsets = [519], sizes = [100], strides = [1]} : vector<640xf32> to vector<100xf32>
    %mul3A_108 = arith.constant 0.0133683737 : f32
    %mul3A_109 = vector.broadcast %mul3A_108 : f32 to vector<100xf32>
    %mul3A_110 = arith.mulf %mul3A_109, %slice3A_107 : vector<100xf32>
    %add3A_111 = arith.addf %add3A_106, %mul3A_110 : vector<100xf32>
    %slice3A_112 = vector.extract_strided_slice %add3A_61 {offsets = [6], sizes = [100], strides = [1]} : vector<640xf32> to vector<100xf32>
    %mul3A_113 = arith.constant 0.135334685 : f32
    %mul3A_114 = vector.broadcast %mul3A_113 : f32 to vector<100xf32>
    %mul3A_115 = arith.mulf %mul3A_114, %slice3A_112 : vector<100xf32>
    %add3A_116 = arith.addf %add3A_111, %mul3A_115 : vector<100xf32>
    %slice3A_117 = vector.extract_strided_slice %add3A_61 {offsets = [134], sizes = [100], strides = [1]} : vector<640xf32> to vector<100xf32>
    %mul3A_118 = arith.constant -0.270962387 : f32
    %mul3A_119 = vector.broadcast %mul3A_118 : f32 to vector<100xf32>
    %mul3A_120 = arith.mulf %mul3A_119, %slice3A_117 : vector<100xf32>
    %add3A_121 = arith.addf %add3A_116, %mul3A_120 : vector<100xf32>
    %slice3A_122 = vector.extract_strided_slice %add3A_61 {offsets = [262], sizes = [100], strides = [1]} : vector<640xf32> to vector<100xf32>
    %mul3A_123 = arith.constant 0.203053504 : f32
    %mul3A_124 = vector.broadcast %mul3A_123 : f32 to vector<100xf32>
    %mul3A_125 = arith.mulf %mul3A_124, %slice3A_122 : vector<100xf32>
    %add3A_126 = arith.addf %add3A_121, %mul3A_125 : vector<100xf32>
    %slice3A_127 = vector.extract_strided_slice %add3A_61 {offsets = [390], sizes = [100], strides = [1]} : vector<640xf32> to vector<100xf32>
    %mul3A_128 = arith.constant -0.0396194197 : f32
    %mul3A_129 = vector.broadcast %mul3A_128 : f32 to vector<100xf32>
    %mul3A_130 = arith.mulf %mul3A_129, %slice3A_127 : vector<100xf32>
    %add3A_131 = arith.addf %add3A_126, %mul3A_130 : vector<100xf32>
    %slice3A_132 = vector.extract_strided_slice %add3A_61 {offsets = [518], sizes = [100], strides = [1]} : vector<640xf32> to vector<100xf32>
    %mul3A_133 = arith.constant -0.0288257767 : f32
    %mul3A_134 = vector.broadcast %mul3A_133 : f32 to vector<100xf32>
    %mul3A_135 = arith.mulf %mul3A_134, %slice3A_132 : vector<100xf32>
    %add3A_136 = arith.addf %add3A_131, %mul3A_135 : vector<100xf32>
    %slice3A_137 = vector.extract_strided_slice %add3A_61 {offsets = [5], sizes = [100], strides = [1]} : vector<640xf32> to vector<100xf32>
    %mul3A_138 = arith.constant 0.606534958 : f32
    %mul3A_139 = vector.broadcast %mul3A_138 : f32 to vector<100xf32>
    %mul3A_140 = arith.mulf %mul3A_139, %slice3A_137 : vector<100xf32>
    %add3A_141 = arith.addf %add3A_136, %mul3A_140 : vector<100xf32>
    %slice3A_142 = vector.extract_strided_slice %add3A_61 {offsets = [133], sizes = [100], strides = [1]} : vector<640xf32> to vector<100xf32>
    %mul3A_143 = arith.constant -0.60608983 : f32
    %mul3A_144 = vector.broadcast %mul3A_143 : f32 to vector<100xf32>
    %mul3A_145 = arith.mulf %mul3A_144, %slice3A_142 : vector<100xf32>
    %add3A_146 = arith.addf %add3A_141, %mul3A_145 : vector<100xf32>
    %slice3A_147 = vector.extract_strided_slice %add3A_61 {offsets = [261], sizes = [100], strides = [1]} : vector<640xf32> to vector<100xf32>
    %mul3A_148 = arith.constant -3.63938045E-4 : f32
    %mul3A_149 = vector.broadcast %mul3A_148 : f32 to vector<100xf32>
    %mul3A_150 = arith.mulf %mul3A_149, %slice3A_147 : vector<100xf32>
    %add3A_151 = arith.addf %add3A_146, %mul3A_150 : vector<100xf32>
    %slice3A_152 = vector.extract_strided_slice %add3A_61 {offsets = [389], sizes = [100], strides = [1]} : vector<640xf32> to vector<100xf32>
    %mul3A_153 = arith.constant 0.193903536 : f32
    %mul3A_154 = vector.broadcast %mul3A_153 : f32 to vector<100xf32>
    %mul3A_155 = arith.mulf %mul3A_154, %slice3A_152 : vector<100xf32>
    %add3A_156 = arith.addf %add3A_151, %mul3A_155 : vector<100xf32>
    %slice3A_157 = vector.extract_strided_slice %add3A_61 {offsets = [517], sizes = [100], strides = [1]} : vector<640xf32> to vector<100xf32>
    %mul3A_158 = arith.constant -0.0461227335 : f32
    %mul3A_159 = vector.broadcast %mul3A_158 : f32 to vector<100xf32>
    %mul3A_160 = arith.mulf %mul3A_159, %slice3A_157 : vector<100xf32>
    %add3A_161 = arith.addf %add3A_156, %mul3A_160 : vector<100xf32>
    %slice3A_162 = vector.extract_strided_slice %add3A_61 {offsets = [4], sizes = [100], strides = [1]} : vector<640xf32> to vector<100xf32>
    %mul3A_163 = arith.constant 0.999993264 : f32
    %mul3A_164 = vector.broadcast %mul3A_163 : f32 to vector<100xf32>
    %mul3A_165 = arith.mulf %mul3A_164, %slice3A_162 : vector<100xf32>
    %add3A_166 = arith.addf %add3A_161, %mul3A_165 : vector<100xf32>
    %slice3A_167 = vector.extract_strided_slice %add3A_61 {offsets = [132], sizes = [100], strides = [1]} : vector<640xf32> to vector<100xf32>
    %mul3A_168 = arith.constant 2.01778111E-16 : f32
    %mul3A_169 = vector.broadcast %mul3A_168 : f32 to vector<100xf32>
    %mul3A_170 = arith.mulf %mul3A_169, %slice3A_167 : vector<100xf32>
    %add3A_171 = arith.addf %add3A_166, %mul3A_170 : vector<100xf32>
    %slice3A_172 = vector.extract_strided_slice %add3A_61 {offsets = [260], sizes = [100], strides = [1]} : vector<640xf32> to vector<100xf32>
    %mul3A_173 = arith.constant -0.499432862 : f32
    %mul3A_174 = vector.broadcast %mul3A_173 : f32 to vector<100xf32>
    %mul3A_175 = arith.mulf %mul3A_174, %slice3A_172 : vector<100xf32>
    %add3A_176 = arith.addf %add3A_171, %mul3A_175 : vector<100xf32>
    %slice3A_177 = vector.extract_strided_slice %add3A_61 {offsets = [388], sizes = [100], strides = [1]} : vector<640xf32> to vector<100xf32>
    %mul3A_178 = arith.constant 3.946480e-15 : f32
    %mul3A_179 = vector.broadcast %mul3A_178 : f32 to vector<100xf32>
    %mul3A_180 = arith.mulf %mul3A_179, %slice3A_177 : vector<100xf32>
    %add3A_181 = arith.addf %add3A_176, %mul3A_180 : vector<100xf32>
    %slice3A_182 = vector.extract_strided_slice %add3A_61 {offsets = [516], sizes = [100], strides = [1]} : vector<640xf32> to vector<100xf32>
    %mul3A_183 = arith.constant 0.118124261 : f32
    %mul3A_184 = vector.broadcast %mul3A_183 : f32 to vector<100xf32>
    %mul3A_185 = arith.mulf %mul3A_184, %slice3A_182 : vector<100xf32>
    %add3A_186 = arith.addf %add3A_181, %mul3A_185 : vector<100xf32>
    %slice3A_187 = vector.extract_strided_slice %add3A_61 {offsets = [3], sizes = [100], strides = [1]} : vector<640xf32> to vector<100xf32>
    %mul3A_188 = arith.constant 0.606534958 : f32
    %mul3A_189 = vector.broadcast %mul3A_188 : f32 to vector<100xf32>
    %mul3A_190 = arith.mulf %mul3A_189, %slice3A_187 : vector<100xf32>
    %add3A_191 = arith.addf %add3A_186, %mul3A_190 : vector<100xf32>
    %slice3A_192 = vector.extract_strided_slice %add3A_61 {offsets = [131], sizes = [100], strides = [1]} : vector<640xf32> to vector<100xf32>
    %mul3A_193 = arith.constant 0.60608983 : f32
    %mul3A_194 = vector.broadcast %mul3A_193 : f32 to vector<100xf32>
    %mul3A_195 = arith.mulf %mul3A_194, %slice3A_192 : vector<100xf32>
    %add3A_196 = arith.addf %add3A_191, %mul3A_195 : vector<100xf32>
    %slice3A_197 = vector.extract_strided_slice %add3A_61 {offsets = [259], sizes = [100], strides = [1]} : vector<640xf32> to vector<100xf32>
    %mul3A_198 = arith.constant -3.63938045E-4 : f32
    %mul3A_199 = vector.broadcast %mul3A_198 : f32 to vector<100xf32>
    %mul3A_200 = arith.mulf %mul3A_199, %slice3A_197 : vector<100xf32>
    %add3A_201 = arith.addf %add3A_196, %mul3A_200 : vector<100xf32>
    %slice3A_202 = vector.extract_strided_slice %add3A_61 {offsets = [387], sizes = [100], strides = [1]} : vector<640xf32> to vector<100xf32>
    %mul3A_203 = arith.constant -0.193903536 : f32
    %mul3A_204 = vector.broadcast %mul3A_203 : f32 to vector<100xf32>
    %mul3A_205 = arith.mulf %mul3A_204, %slice3A_202 : vector<100xf32>
    %add3A_206 = arith.addf %add3A_201, %mul3A_205 : vector<100xf32>
    %slice3A_207 = vector.extract_strided_slice %add3A_61 {offsets = [515], sizes = [100], strides = [1]} : vector<640xf32> to vector<100xf32>
    %mul3A_208 = arith.constant -0.0461227335 : f32
    %mul3A_209 = vector.broadcast %mul3A_208 : f32 to vector<100xf32>
    %mul3A_210 = arith.mulf %mul3A_209, %slice3A_207 : vector<100xf32>
    %add3A_211 = arith.addf %add3A_206, %mul3A_210 : vector<100xf32>
    %slice3A_212 = vector.extract_strided_slice %add3A_61 {offsets = [2], sizes = [100], strides = [1]} : vector<640xf32> to vector<100xf32>
    %mul3A_213 = arith.constant 0.135334685 : f32
    %mul3A_214 = vector.broadcast %mul3A_213 : f32 to vector<100xf32>
    %mul3A_215 = arith.mulf %mul3A_214, %slice3A_212 : vector<100xf32>
    %add3A_216 = arith.addf %add3A_211, %mul3A_215 : vector<100xf32>
    %slice3A_217 = vector.extract_strided_slice %add3A_61 {offsets = [130], sizes = [100], strides = [1]} : vector<640xf32> to vector<100xf32>
    %mul3A_218 = arith.constant 0.270962387 : f32
    %mul3A_219 = vector.broadcast %mul3A_218 : f32 to vector<100xf32>
    %mul3A_220 = arith.mulf %mul3A_219, %slice3A_217 : vector<100xf32>
    %add3A_221 = arith.addf %add3A_216, %mul3A_220 : vector<100xf32>
    %slice3A_222 = vector.extract_strided_slice %add3A_61 {offsets = [258], sizes = [100], strides = [1]} : vector<640xf32> to vector<100xf32>
    %mul3A_223 = arith.constant 0.203053504 : f32
    %mul3A_224 = vector.broadcast %mul3A_223 : f32 to vector<100xf32>
    %mul3A_225 = arith.mulf %mul3A_224, %slice3A_222 : vector<100xf32>
    %add3A_226 = arith.addf %add3A_221, %mul3A_225 : vector<100xf32>
    %slice3A_227 = vector.extract_strided_slice %add3A_61 {offsets = [386], sizes = [100], strides = [1]} : vector<640xf32> to vector<100xf32>
    %mul3A_228 = arith.constant 0.0396194197 : f32
    %mul3A_229 = vector.broadcast %mul3A_228 : f32 to vector<100xf32>
    %mul3A_230 = arith.mulf %mul3A_229, %slice3A_227 : vector<100xf32>
    %add3A_231 = arith.addf %add3A_226, %mul3A_230 : vector<100xf32>
    %slice3A_232 = vector.extract_strided_slice %add3A_61 {offsets = [514], sizes = [100], strides = [1]} : vector<640xf32> to vector<100xf32>
    %mul3A_233 = arith.constant -0.0288257767 : f32
    %mul3A_234 = vector.broadcast %mul3A_233 : f32 to vector<100xf32>
    %mul3A_235 = arith.mulf %mul3A_234, %slice3A_232 : vector<100xf32>
    %add3A_236 = arith.addf %add3A_231, %mul3A_235 : vector<100xf32>
    %slice3A_237 = vector.extract_strided_slice %add3A_61 {offsets = [1], sizes = [100], strides = [1]} : vector<640xf32> to vector<100xf32>
    %mul3A_238 = arith.constant 0.0111084757 : f32
    %mul3A_239 = vector.broadcast %mul3A_238 : f32 to vector<100xf32>
    %mul3A_240 = arith.mulf %mul3A_239, %slice3A_237 : vector<100xf32>
    %add3A_241 = arith.addf %add3A_236, %mul3A_240 : vector<100xf32>
    %slice3A_242 = vector.extract_strided_slice %add3A_61 {offsets = [129], sizes = [100], strides = [1]} : vector<640xf32> to vector<100xf32>
    %mul3A_243 = arith.constant 0.0333062261 : f32
    %mul3A_244 = vector.broadcast %mul3A_243 : f32 to vector<100xf32>
    %mul3A_245 = arith.mulf %mul3A_244, %slice3A_242 : vector<100xf32>
    %add3A_246 = arith.addf %add3A_241, %mul3A_245 : vector<100xf32>
    %slice3A_247 = vector.extract_strided_slice %add3A_61 {offsets = [257], sizes = [100], strides = [1]} : vector<640xf32> to vector<100xf32>
    %mul3A_248 = arith.constant 0.0444795229 : f32
    %mul3A_249 = vector.broadcast %mul3A_248 : f32 to vector<100xf32>
    %mul3A_250 = arith.mulf %mul3A_249, %slice3A_247 : vector<100xf32>
    %add3A_251 = arith.addf %add3A_246, %mul3A_250 : vector<100xf32>
    %slice3A_252 = vector.extract_strided_slice %add3A_61 {offsets = [385], sizes = [100], strides = [1]} : vector<640xf32> to vector<100xf32>
    %mul3A_253 = arith.constant 0.0337331258 : f32
    %mul3A_254 = vector.broadcast %mul3A_253 : f32 to vector<100xf32>
    %mul3A_255 = arith.mulf %mul3A_254, %slice3A_252 : vector<100xf32>
    %add3A_256 = arith.addf %add3A_251, %mul3A_255 : vector<100xf32>
    %slice3A_257 = vector.extract_strided_slice %add3A_61 {offsets = [513], sizes = [100], strides = [1]} : vector<640xf32> to vector<100xf32>
    %mul3A_258 = arith.constant 0.0133683737 : f32
    %mul3A_259 = vector.broadcast %mul3A_258 : f32 to vector<100xf32>
    %mul3A_260 = arith.mulf %mul3A_259, %slice3A_257 : vector<100xf32>
    %add3A_261 = arith.addf %add3A_256, %mul3A_260 : vector<100xf32>
    %slice3A_262 = vector.extract_strided_slice %add3A_61 {offsets = [0], sizes = [100], strides = [1]} : vector<640xf32> to vector<100xf32>
    %mul3A_263 = arith.constant 3.356120e-04 : f32
    %mul3A_264 = vector.broadcast %mul3A_263 : f32 to vector<100xf32>
    %mul3A_265 = arith.mulf %mul3A_264, %slice3A_262 : vector<100xf32>
    %add3A_266 = arith.addf %add3A_261, %mul3A_265 : vector<100xf32>
    %slice3A_267 = vector.extract_strided_slice %add3A_61 {offsets = [128], sizes = [100], strides = [1]} : vector<640xf32> to vector<100xf32>
    %mul3A_268 = arith.constant 0.00132299017 : f32
    %mul3A_269 = vector.broadcast %mul3A_268 : f32 to vector<100xf32>
    %mul3A_270 = arith.mulf %mul3A_269, %slice3A_267 : vector<100xf32>
    %add3A_271 = arith.addf %add3A_266, %mul3A_270 : vector<100xf32>
    %slice3A_272 = vector.extract_strided_slice %add3A_61 {offsets = [256], sizes = [100], strides = [1]} : vector<640xf32> to vector<100xf32>
    %mul3A_273 = arith.constant 0.00250340858 : f32
    %mul3A_274 = vector.broadcast %mul3A_273 : f32 to vector<100xf32>
    %mul3A_275 = arith.mulf %mul3A_274, %slice3A_272 : vector<100xf32>
    %add3A_276 = arith.addf %add3A_271, %mul3A_275 : vector<100xf32>
    %slice3A_277 = vector.extract_strided_slice %add3A_61 {offsets = [384], sizes = [100], strides = [1]} : vector<640xf32> to vector<100xf32>
    %mul3A_278 = arith.constant 0.00325743621 : f32
    %mul3A_279 = vector.broadcast %mul3A_278 : f32 to vector<100xf32>
    %mul3A_280 = arith.mulf %mul3A_279, %slice3A_277 : vector<100xf32>
    %add3A_281 = arith.addf %add3A_276, %mul3A_280 : vector<100xf32>
    %slice3A_282 = vector.extract_strided_slice %add3A_61 {offsets = [512], sizes = [100], strides = [1]} : vector<640xf32> to vector<100xf32>
    %mul3A_283 = arith.constant 0.00242950022 : f32
    %mul3A_284 = vector.broadcast %mul3A_283 : f32 to vector<100xf32>
    %mul3A_285 = arith.mulf %mul3A_284, %slice3A_282 : vector<100xf32>
    %add3A_286 = arith.addf %add3A_281, %mul3A_285 : vector<100xf32>
    %reduce_sum3A = vector.shape_cast %add3A_286 : vector<100xf32> to vector<1x100xf32>
    %reduce_sum3A_287 = arith.constant dense<0.000000e+00> : vector<1xf32>
    %reduce_sum3A_288 = vector.multi_reduction <add>, %reduce_sum3A, %reduce_sum3A_287 [1] : vector<1x100xf32> to vector<1xf32>
    %reduce_sum3A_289 = vector.shape_cast %reduce_sum3A_288 : vector<1xf32> to vector<1x1xf32>
    %reduce_sum3A_290 = vector.extract %reduce_sum3A_289[0, 0] : f32 from vector<1x1xf32>
    %div3A = vector.broadcast %reduce_sum3A_290 : f32 to vector<100xf32>
    %div3A_291 = arith.divf %add3A_286, %div3A : vector<100xf32>
    %swap3A = arith.constant 0 : index
    %swap3A_292 = vector.load %arg2[%swap3A] : memref<100xf32, #tpu.memory_space<vmem>>, vector<100xf32>
    tpu.vector_store %arg2[%swap3A], %div3A_291 {strides = array<i32>} : memref<100xf32, #tpu.memory_space<vmem>>, vector<100xf32>,
    %get3A_293 = arith.constant 0 : index
    %get3A_294 = vector.load %arg1[%get3A_293] : memref<100xf32, #tpu.memory_space<vmem>>, vector<100xf32>
    %mul3A_295 = arith.mulf %div3A_291, %get3A_294 : vector<100xf32>
    %swap3A_296 = arith.constant 0 : index
    %swap3A_297 = vector.load %arg3[%swap3A_296] : memref<100xf32, #tpu.memory_space<vmem>>, vector<100xf32>
    tpu.vector_store %arg3[%swap3A_296], %mul3A_295 {strides = array<i32>} : memref<100xf32, #tpu.memory_space<vmem>>, vector<100xf32>,
    return
  }
}

</mosaic_0001>

<sc_bundles>
// kernel: kernel.4.cloned.1.call-start
scs
__scs_entry_jumppad:
0x0: {  	(pc) =	sbr.rel $0x88, $3  }
0x1: {  	(tag) =	ssettag $0x0;
	lr =	simm.s32 $0x1  }
0x2: {  	[smem:$0x3FA0] =	sst lr;
	_ =	strace $0xD0000000  }
0x3: {  	_ = 	snop  }
0x4: {  	_ = 	snop  }
0x5: {  	_ = 	snop  }
0x6: {  	_ = 	snop  }
0x7: {  	_ = 	snop  }
__scs_overlays_trampoline_lowered:
0x8: {  	[smem:$0x3FAF] =	sst s0  }
0x9: {  	[smem:$0x3FB0] =	sst s1  }
0xa: {  	[smem:$0x3FB1] =	sst s2  }
0xb: {  	[smem:$0x3FB2] =	sst s3  }
0xc: {  	[smem:$0x3FB3] =	sst s4  }
0xd: {  	[smem:$0x3FB4] =	sst s5  }
0xe: {  	[smem:$0x3FB5] =	sst s6  }
0xf: {  	[smem:$0x3FB6] =	sst s7  }
0x10: {  	[smem:$0x3FB7] =	sst s8  }
0x11: {  	[smem:$0x3FB8] =	sst s9;
	s0 =	simm.s32 @!p0 $0x0  }
0x12: {  	s1 =	sld [smem:$0x3F9E];
	s0 =	simm.s32 @p0 $0x1  }
0x13: {  	[smem:$0x3FB9] =	sst s0;
	s0 =	simm.s32 @!p1 $0x0  }
0x14: {  	s2 =	sld [smem:$0x3F9D];
	s0 =	simm.s32 @p1 $0x1  }
0x15: {  	[smem:$0x3FBA] =	sst s0;
	s0 =	simm.s32 @!p2 $0x0  }
0x16: {  	s3 =	sld [smem:$0x3FDB];
	s0 =	simm.s32 @p2 $0x1  }
0x17: {  	s4 =	simm.s32 $0x1BF5;
	[smem:$0x3FBC] =	sst s0  }
0x18: {  	s0 =	sld [smem:$0x3F9F];
	_ =	swait.ge [sflag:s4], $0x0  }
0x19: {  	s7 =	sld [smem:$0x3FA0]  }
0x1a: {  	s8 =	sadd.s32 $0xFFFFE003, lr  }
0x1b: {  	s9 =	sadd.s32 $0xFFFFFEF7, lr;
	s5 =	simm.s32 $0xFFFFFFFF;
	p2 =	slt.u32 s8, $0xFFFFF086  }
0x1c: {  	p1 =	slt.u32 s9, $0xF7A;
	s5 =	simm.s32 @!p2 $0x0  }
0x1d: {  	s5 =	simm.s32 @p1 $0x1;
	p0 =	seq.s32 s7, s2  }
0x1e: {  	s7 =	smul.u32 @!p0 $0xF7A, s2;
	p2 =	seq.s32 @!p0 s5, $0x0  }
0x1f: {  	s9 =	smul.u32 $0xF7A, s1;
	s8 =	simm.s32 @!p0 $0x1BF5;
	p2 =	por !p2, p0  }
0x20: {  	[sflag:s8] =	ssyncset.s32 @!p0 $0xFFFFF086;
	s6 =	sadd.s32 @!p0 s3, s7;
	s7 =	simm.s32 @!p0 $0x108  }
0x21: {  	s3 =	sadd.s32 s3, s9;
	s6 =	sadd.s32 @!p0 $0x88, s6;
	s7 =	simm.s32 @p2 $0x1082  }
0x22: {  	[simem:s7], [sflag:s8] =	dma.local @!p0 [hbm:s6], $0xF7A  }
0x23: {  	s9 =	sor.u32 $0xD0000000, s2;
	s6 =	simm.s32 $0x108;
	_ =	swait.ge @!p0 [sflag:s8], $0x0  }
0x24: {  	s3 =	sadd.s32 $0x88, s3;
	s6 =	simm.s32 @!p1 $0x1082;
	[sflag:s4] =	ssyncset.s32 $0xFFFFF086  }
0x25: {  	[simem:s6], [sflag:s4] =	dma.local [hbm:s3], $0xF7A  }
0x26: {  	[smem:$0x3FA0] =	sst s1;
	(tag) =	ssettag s2;
	_ =	strace s9  }
0x27: {  	s1 =	sld [smem:$0x3FB0]  }
0x28: {  	s2 =	sld [smem:$0x3FB1]  }
0x29: {  	s4 =	sld [smem:$0x3FB3]  }
0x2a: {  	p0 =	seq.s32 s5, $0x0;
	s5 =	sld [smem:$0x3FB4]  }
0x2b: {  	s6 =	sld [smem:$0x3FB5]  }
0x2c: {  	s7 =	sld [smem:$0x3FB6]  }
0x2d: {  	s3 =	simm.s32 $0x108;
	s8 =	sld [smem:$0x3FB7]  }
0x2e: {  	s3 =	simm.s32 @!p0 $0x1082;
	s9 =	sld [smem:$0x3FB8]  }
0x2f: {  	lr =	sadd.s32 s0, s3;
	s0 =	sld [smem:$0x3FAF]  }
0x30: {  	s3 =	sld [smem:$0x3FB2]  }
0x31: {  	[smem:$0x3FBB] =	sst s10  }
0x32: {  	s10 =	sld [smem:$0x3FB9];
	_ =	sdelay $0x3  }
0x33: {  	p0 =	seq.s32 s10, $0x1;
	s10 =	sld [smem:$0x3FBB];
	_ =	sdelay $0x3  }
0x34: {  	[smem:$0x3FBB] =	sst s10  }
0x35: {  	s10 =	sld [smem:$0x3FBA];
	_ =	sdelay $0x3  }
0x36: {  	p1 =	seq.s32 s10, $0x1;
	s10 =	sld [smem:$0x3FBB];
	_ =	sdelay $0x3  }
0x37: {  	[smem:$0x3FBB] =	sst s10  }
0x38: {  	s10 =	sld [smem:$0x3FBC]  }
0x39: {  	_ = 	snop;
	(pc) =	sbr.ind lr, $3  }
0x3a: {  	_ = 	snop  }
0x3b: {  	_ = 	snop  }
0x3c: {  	p2 =	seq.s32 s10, $0x1;
	s10 =	sld [smem:$0x3FBB]  }
0x3d: {  	_ =	shalt  }
0x3e: {  	_ =	shalt  }
0x3f: {  	_ =	shalt  }
0x40: {  	_ =	shalt  }
0x41: {  	_ =	shalt  }
0x42: {  	_ =	shalt  }
0x43: {  	_ =	shalt  }
0x44: {  	_ =	shalt  }
0x45: {  	_ =	shalt  }
0x46: {  	_ =	shalt  }
0x47: {  	_ =	shalt  }
0x48: {  	_ =	shalt  }
0x49: {  	_ =	shalt  }
0x4a: {  	_ =	shalt  }
0x4b: {  	_ =	shalt  }
0x4c: {  	_ =	shalt  }
0x4d: {  	_ =	shalt  }
0x4e: {  	_ =	shalt  }
0x4f: {  	_ =	shalt  }
0x50: {  	_ =	shalt  }
0x51: {  	_ =	shalt  }
0x52: {  	_ =	shalt  }
0x53: {  	_ =	shalt  }
0x54: {  	_ =	shalt  }
0x55: {  	_ =	shalt  }
0x56: {  	_ =	shalt  }
0x57: {  	_ =	shalt  }
0x58: {  	_ =	shalt  }
0x59: {  	_ =	shalt  }
0x5a: {  	_ =	shalt  }
0x5b: {  	_ =	shalt  }
0x5c: {  	_ =	shalt  }
0x5d: {  	_ =	shalt  }
0x5e: {  	_ =	shalt  }
0x5f: {  	_ =	shalt  }
0x60: {  	_ =	shalt  }
0x61: {  	_ =	shalt  }
0x62: {  	_ =	shalt  }
0x63: {  	_ =	shalt  }
0x64: {  	_ =	shalt  }
0x65: {  	_ =	shalt  }
0x66: {  	_ =	shalt  }
0x67: {  	_ =	shalt  }
0x68: {  	_ =	shalt  }
0x69: {  	_ =	shalt  }
0x6a: {  	_ =	shalt  }
0x6b: {  	_ =	shalt  }
0x6c: {  	_ =	shalt  }
0x6d: {  	_ =	shalt  }
0x6e: {  	_ =	shalt  }
0x6f: {  	_ =	shalt  }
0x70: {  	_ =	shalt  }
0x71: {  	_ =	shalt  }
0x72: {  	_ =	shalt  }
0x73: {  	_ =	shalt  }
0x74: {  	_ =	shalt  }
0x75: {  	_ =	shalt  }
0x76: {  	_ =	shalt  }
0x77: {  	_ =	shalt  }
0x78: {  	_ =	shalt  }
0x79: {  	_ =	shalt  }
0x7a: {  	_ =	shalt  }
0x7b: {  	_ =	shalt  }
0x7c: {  	_ =	shalt  }
0x7d: {  	_ =	shalt  }
0x7e: {  	_ =	shalt  }
0x7f: {  	_ =	shalt  }
0x80: {  	_ =	shalt  }
0x81: {  	_ =	shalt  }
0x82: {  	_ =	shalt  }
0x83: {  	_ =	shalt  }
0x84: {  	_ =	shalt  }
0x85: {  	_ =	shalt  }
0x86: {  	_ =	shalt  }
0x87: {  	_ =	shalt  }
.Lfunc_end0:
.L_simem_size_0:
called_computation_lowered:
.L_overlay_start_0:
0x88: {  	s2 =	sld [smem:$0x3FD9]  }
0x89: {  	s3 =	sld [smem:$0x3FFE];
	_ =	sdelay $0x1  }
0x8a: {  	s1 =	srdreg.scid  }
0x8b: {  	s0 =	sand.u32 $0x1, s1  }
0x8c: {  	s16 =	sshll.u32 s0, $0xA;
	s2 =	sadd.s32 s3, s2  }
0x8d: {  	s2 =	sadd.s32 s2, s16  }
0x8e: {  	[smem:$0x3FC7] =	sst s2  }
0x8f: {  	_ = 	snop  }
0x90: {  	(tm) =	ssettm $0x1  }
0x91: {  	s17 =	sld [smem:$0x3FFB];
	_ =	sdelay $0x3  }
0x92: {  	_ =	strace s17  }
0x93: {  	s2 =	sld [smem:$0x3FFC];
	_ =	sdelay $0x3  }
0x94: {  	_ =	strace s2  }
0x95: {  	s2 =	sld [smem:$0x3FFD];
	_ =	sdelay $0x3  }
0x96: {  	_ =	strace s2  }
0x97: {  	_ =	strace $0x8FFFFFFF  }
0x98: {  	s18 =	sld [smem:$0x3FDB];
	_ =	sdelay $0x1  }
0x99: {  	s19 =	simm.s32 $_scs_section_size  }
0x9a: {  	s4 =	simm.s32 $_size__tile_overlayer_lowered;
	s5 =	simm.s32 $_tile_overlayer_lowered  }
0x9b: {  	s22 =	simm.s32 $0x1BFF;
	s21 =	sshll.u32 s5, $0x1;
	s2 =	sadd.s32 s19, s18  }
0x9c: {  	s6 =	simm.s32 $0x0;
	s20 =	sshll.u32 s4, $0x1;
	s4 =	sadd.s32 s21, s2  }
0x9d: {  	[timem:s6], [sflag:s22] =	dma.local [hbm:s4], s20  }
0x9e: {  	_ =	swait.ge [sflag:s22], s20  }
0x9f: {  	s3 =	ssub.s32 $0x0, s20;
	[sflag:s22] =	ssyncset.done $0x0  }
0xa0: {  	[sflag:s22] =	ssyncadd.s32 s3;
	_ =	sdelay $0x1  }
0xa1: {  	s23 =	simm.s32 $0x1B8B  }
0xa2: {  	_ =	swait.ge [sflag:s23], $0x1  }
0xa3: {  	[sflag:s23] =	ssyncset.done $0x0  }
0xa4: {  	s25 =	simm.s32 $0x1B8E;
	s24 =	sld [smem:$0x3FFE];
	[sflag:s23] =	ssyncadd.s32 $0xFFFFFFFF  }
0xa5: {  	s26 =	simm.s32 $execute0_lowered;
	[smem:$0x3FD2] =	sst s25  }
0xa6: {  	s4 =	sshll.u32 s26, $0x1;
	_ =	strace $0x80000046;
	[dreg:$0x1] =	wrdreg $0xFFFFFFFF  }
0xa7: {  	s28 =	simm.s32 $_size_execute0_lowered;
	s2 =	sadd.s32 s2, s4;
	[dreg:$0x0] =	wrdreg $0x0  }
0xa8: {  	s4 =	sshll.u32 s28, $0x1;
	[dreg:$0x2] =	wrdreg s2  }
0xa9: {  	[dreg:$0x3] =	wrdreg s4  }
0xaa: {  	[dreg:$0x4] =	wrdreg $0xC0  }
0xab: {  	_ =	task [dreg:s6], $0x5FFFF  }
0xac: {  	[dreg:$0x1] =	wrdreg $0xFFFFFFFF  }
0xad: {  	[dreg:$0x0] =	wrdreg $0x60  }
0xae: {  	[dreg:$0x2] =	wrdreg s24  }
0xaf: {  	[dreg:$0x3] =	wrdreg $0x9  }
0xb0: {  	_ =	task.clear_ibuf [dreg:s6], $0x4FFFF;
	_ =	strace $0x90000046  }
0xb1: {  	s29 =	simm.s32 $0x9;
	_ =	strace $0x80000048  }
0xb2: {  	_ =	swait.ge [sflag:s29], $0x1  }
0xb3: {  	[sflag:s29] =	ssyncadd.s32 $0xFFFFFFFF  }
0xb4: {  	_ =	strace $0x90000048  }
0xb5: {  	_ =	sfence  }
0xb6: {  	s30 =	sld [smem:$0x0];
	_ =	sdelay $0x2  }
0xb7: {  	s31 =	sshll.u32 s1, $0xD;
	s1 =	sshrl.u32 s1, $0x2  }
0xb8: {  	s3 =	sand.u32 $0x4000, s31;
	s1 =	sadd.s32 s1, s30  }
0xb9: {  	s0 =	sor.u32 s3, s0;
	s1 =	sshll.u32 s1, $0x11  }
0xba: {  	s0 =	sor.u32 s1, s0  }
0xbb: {  	s0 =	sadd.s32 $0x8F2B, s0  }
0xbc: {  	[sflag:s0] =	ssyncadd.remote.s32 $0x1  }
0xbd: {  	_ =	sfence.sel $0xFFFF  }
0xbe: {  	[dreg:$0x0] =	wrdreg $0xFFFFFFFF;
	(pc) =	sbr.abs _section_cstart, $3  }
0xbf: {  	[dreg:$0x1] =	wrdreg $0xFFFFFFFF  }
0xc0: {  	_ =	task.clear_ibuf [dreg:s6], $0x2FFFF;
	_ =	strace $0x9FFFFFFF  }
0xc1: {  	(tm) =	ssettm $0x7FFFFFFF  }
tec
execute0_lowered:
.L_overlay_start_1:
0x0: {  	(tag) =	ssettag $0x1  }
0x1: {  	s1 =	srdreg.scid  }
0x2: {  	s0 =	stileid.u32;
	s5 =	rddreg [dreg:$0x0];
	s2 =	simm.s32 $0x0  }
0x3: {  	s9 =	simm.s32 $0x3A80;
	s10 =	simm.s32 $0x3B00;
	s11 =	simm.s32 $0x6300  }
0x4: {  	s12 =	simm.s32 $0x1880;
	s4 =	sand.u32 $0x1, s1;
	s3 =	sshll.u32 s0, $0x1  }
0x5: {  	v0 =	vlaneseq.u32;
	v1 =	vimm.f32 $0.0e+00;
	s13 =	simm.s32 $0x0;
	s1 =	rddreg [dreg:$0x1];
	s3 =	sor.u32 s4, s3  }
0x6: {  	v4 =	vimm.f32 $1.000000000e+00;
	vm0 =	vmxor vm0, vm0;
	[smem:$0x7FF] =	sst s2;
	v8 =	vmul.u32 $0x280, v0;
	s7 =	ssub.s32 $0x2, s4;
	s6 =	smul.u32 $0x50, s3  }
0x7: {  	v11 =	vimm.s32 $0x0;
	v2 =	vmul.u32 $0x3, v0;
	v9 =	vor.u32 $0x10, v0;
	_ =	strace $0x80000047;
	s4 =	sadd.s32 $0xA00, s5;
	s8 =	sshrl.u32 s7, $0x1  }
0x8: {  	v10 =	vmul.u32 $0x220, v0;
	v3 =	vor.u32 $0x4, v8;
	v5 =	vadd.s32 $0x84, v8;
	s31 =	ssub.s32 s7, s8;
	s7 =	simm.s32 $0x1;
	s5 =	sadd.s32 s6, s5  }
0x9: {  	v6 =	vadd.s32 $0x104, v8;
	v7 =	vadd.s32 $0x184, v8;
	v8 =	vadd.s32 $0x204, v8;
	s8 =	simm.s32 $0xC00;
	s6 =	smax.u32 s31, $0x1;
	s5 =	sadd.s32 $0xC00, s5  }
.LBB2_1:
0xa: {  	[tilespmem:s2], [sflag:$0x1] =	stream.linear.gather [hbm4b:s4+s2], $0xC00, $0x38;
	[tilespmem:$0x6580] =	vst v63  }
0xb: {  	_ =	swait.ge [sflag:s7], $0xC00  }
0xc: {  	[sflag:s7] =	ssyncset.done $0x0  }
0xd: {  	s14 =	simm.s32 $0x40;
	s17 =	simm.s32 $0x0;
	[sflag:s7] =	ssyncadd.s32 $0xFFFFF400  }
.LBB2_2:
0xe: {  	p0 =	sne.s32 s14, $0x9FC0;
	[tilespmem:s17+$0x3B00] =	vst v1;
	s15 =	smov.u32 s14;
	s14 =	sadd.s32 $0x40, s14  }
.Ltmp0:
0xf: {  	(pc) =	sbr.rel @p0 .LBB2_2-.Ltmp0, $2  }
0x10: {  	_ =	sdelay $0x2  }
0x11: {  	s17 =	sshra.s32 s15, $0x2  }
0x12: {  	s14 =	simm.s32 $0x0  }
0x13: {  	s15 =	sand.u32 $0x1F, s14  }
0x14: {  	s16 =	simm.s32 $0x0;
	s15 =	smul.u32 $0x30, s15  }
0x15: {  	s16 =	sand.u32 $0x5DC, s16  }
0x16: {  	s15 =	sadd.s32 s15, s16  }
0x17: {  	s15 =	sadd.s32 $0x0, s15  }
0x18: {  	s16 =	simm.s32 $0x1;
	v12 =	vadd.s32 s15, v2  }
0x19: {  	s31 =	sand.u32 $0x1F, s16;
	v12 =	vmin.u32 v12, $0xBB7  }
0x1a: {  	s18 =	simm.s32 $0x0;
	s15 =	smul.u32 $0x30, s31  }
0x1b: {  	s18 =	sand.u32 $0x5DC, s18  }
0x1c: {  	s18 =	sadd.s32 s15, s18  }
0x1d: {  	[tilespmem:s17+$0x3B00] =	vst v1;
	s18 =	sadd.s32 $0x0, s18  }
0x1e: {  	s20 =	simm.s32 $0x0;
	s19 =	simm.s32 $0x8000000;
	v13 =	vadd.s32 s18, v2;
	v12 =	vld.idx.msk [tilespmem:v12+s14+$0x0], $0xffff  }
0x1f: {  	s17 =	simm.s32 $0x3;
	s21 =	sand.u32 $0x3F, s14;
	s15 =	simm.s32 $0x2;
	v13 =	vmin.u32 v13, $0xBB7  }
0x20: {  	s20 =	sand.u32 $0x3FFFFC00, s20;
	s21 =	sshll.u32 s21, $0x4;
	s18 =	sand.u32 $0x1F, s15  }
.LBB2_4:
0x21: {  	p0 =	sne.s32 s17, $0xBF;
	s19 =	sshra.s32 s19, $0x1F;
	s18 =	smul.u32 $0x30, s18  }
0x22: {  	s20 =	sor.u32 s20, s21;
	s21 =	smov.u32 s16;
	s19 =	sand.u32 $0x5DC, s19  }
.Ltmp1:
0x23: {  	s16 =	sshrl.u32 s15, $0x6;
	s18 =	sadd.s32 s18, s19;
	[tilespmem:s20+$0xC00] =	vst v12;
	(pc) =	sbr.rel @p0 .LBB2_4-.Ltmp1, $4  }
0x24: {  	s18 =	sadd.s32 s16, s18;
	v12 =	vld.idx.msk [tilespmem:v13+s14+$0x0], $0xffff;
	s16 =	smov.u32 s15;
	s15 =	smov.u32 s17  }
0x25: {  	s20 =	sshll.u32 s21, $0x4;
	v13 =	vadd.s32 s18, v2  }
0x26: {  	s19 =	sshll.u32 s17, $0x1A;
	s21 =	sand.u32 $0x3F, s21;
	s18 =	sand.u32 $0x1F, s17;
	v13 =	vmin.u32 v13, $0xBB7  }
0x27: {  	s20 =	sand.u32 $0x3FFFFC00, s20;
	s21 =	sshll.u32 s21, $0x4;
	s17 =	sadd.s32 $0x1, s17  }
0x28: {  	s17 =	sshra.s32 s19, $0x1F;
	s18 =	smul.u32 $0x30, s18  }
0x29: {  	s17 =	sand.u32 $0x5DC, s17  }
0x2a: {  	s25 =	sor.u32 s20, s21;
	s26 =	sshrl.u32 s15, $0x6;
	s17 =	sadd.s32 s18, s17  }
0x2b: {  	[tilespmem:s25+$0xC00] =	vst v12;
	s17 =	sadd.s32 s26, s17  }
0x2c: {  	v12 =	vld.idx.msk [tilespmem:v13+s14+$0x0], $0xffff;
	v13 =	vadd.s32 s17, v2  }
0x2d: {  	v13 =	vmin.u32 v13, $0xBB7  }
0x2e: {  	s28 =	sshll.u32 s16, $0x4;
	s29 =	sand.u32 $0x3F, s16  }
0x2f: {  	s16 =	sshll.u32 s29, $0x4;
	s17 =	sand.u32 $0x3FFFFC00, s28  }
0x30: {  	s16 =	sor.u32 s17, s16  }
0x31: {  	[tilespmem:s16+$0xC00] =	vst v12  }
0x32: {  	v12 =	vld.idx.msk [tilespmem:v13+s14+$0x0], $0xffff  }
.Ltmp2:
0x33: {  	_ = 	snop;
	(pc) =	sbr.rel .LBB2_6-.Ltmp2, $4  }
0x34: {  	s30 =	sshll.u32 s15, $0x4;
	s31 =	sand.u32 $0x3F, s15  }
0x35: {  	s15 =	sshll.u32 s31, $0x4;
	s16 =	sand.u32 $0x3FFFFC00, s30  }
0x36: {  	s15 =	sor.u32 s16, s15  }
0x37: {  	[tilespmem:s15+$0xC00] =	vst v12;
	v12 =	vimm.s32 $0x0  }
.LBB2_9:
0x38: {  	v14 =	vsub.f32 $1.000000000e+00, v34;
	v16 =	vmul.f32 v30, v30  }
0x39: {  	v17 =	vsub.f32 v19, v32;
	v18 =	vmul.f32 v38, v38;
	v45 =	vmul.f32 v33, v33  }
0x3a: {  	v20 =	vmin.f32 v31, v35;
	v46 =	vmul.f32 v37, v37;
	v47 =	vmul.f32 v39, v39  }
0x3b: {  	v48 =	vand.u32 $0x7FFFFFFF, v37;
	v27 =	vmul.f32 v27, v27;
	v15 =	vsub.f32 v15, v28  }
0x3c: {  	v26 =	vmul.f32 v26, v26;
	v23 =	vmul.f32 v23, v23;
	v13 =	vsub.f32 v13, v28  }
0x3d: {  	v51 =	vsub.f32 $1.000000000e+00, v29;
	v24 =	vmul.f32 v24, v24;
	v50 =	vsub.f32 $1.000000000e+00, v48  }
0x3e: {  	v49 =	vmul.f32 v17, v17;
	v16 =	vmin.f32 v16, v36;
	v14 =	vmul.f32 v14, v14  }
0x3f: {  	v19 =	vmin.f32 v45, v47;
	v18 =	vmin.f32 v27, v18;
	v23 =	vmin.f32 v25, v23  }
0x40: {  	v53 =	vand.u32 $0x7FFFFFFF, v13;
	v17 =	vand.u32 $0x7FFFFFFF, v17;
	v54 =	vand.u32 $0x7FFFFFFF, v15  }
0x41: {  	v21 =	vmin.f32 v21, v26;
	v13 =	vmul.f32 v13, v13;
	v15 =	vmul.f32 v15, v15  }
0x42: {  	v19 =	vadd.f32 v20, v19;
	v52 =	vmul.f32 v50, v50;
	v25 =	vsub.f32 $1.000000000e+00, v53  }
0x43: {  	v17 =	vsub.f32 $1.000000000e+00, v17;
	v14 =	vmin.f32 v22, v14;
	v22 =	vmul.f32 v51, v51  }
0x44: {  	v57 =	vsub.f32 $1.000000000e+00, v54;
	v20 =	vmin.f32 v46, v52;
	v56 =	vmul.f32 v25, v25  }
0x45: {  	v16 =	vadd.f32 v16, v19;
	v17 =	vmul.f32 v17, v17;
	v55 =	vmin.f32 v24, v22  }
0x46: {  	v58 =	vmul.f32 v57, v57;
	v14 =	vadd.f32 v14, v20;
	v20 =	vadd.f32 v21, v55  }
0x47: {  	v13 =	vmin.f32 v13, v56;
	vm7 =	vlt.f32 v16, $0.0e+00;
	v17 =	vmin.f32 v49, v17  }
0x48: {  	vm9 =	vgt.f32 v16, $0.0e+00;
	v13 =	vadd.f32 v13, v14;
	v14 =	vadd.f32 v23, v17  }
0x49: {  	vm6 =	vlt.f32 v16, $1.325989660e-01;
	v15 =	vmin.f32 v15, v58;
	vm7 =	vmor vm9, vm7  }
0x4a: {  	v18 =	vadd.f32 v18, v20;
	vm6 =	vmand vm6, vm7;
	v14 =	vadd.f32 v15, v14  }
0x4b: {  	vm9 =	vlt.f32 v13, $0.0e+00;
	vm7 =	vlt.f32 v13, $1.325989660e-01;
	vm12 =	vgt.f32 v13, $0.0e+00  }
0x4c: {  	vm5 =	vmand vm5, vm6;
	v15 =	vadd.s32 v10, v12;
	vm8 =	vlt.f32 v18, $0.0e+00  }
0x4d: {  	vm10 =	vgt.f32 v18, $0.0e+00;
	vm11 =	vlt.f32 v18, $1.325989660e-01;
	vm14 =	vmor vm12, vm9  }
0x4e: {  	vm8 =	vmor vm10, vm8;
	vm15 =	vlt.f32 v14, $0.0e+00;
	vm12 =	vgt.f32 v14, $0.0e+00  }
0x4f: {  	vm6 =	vmand vm7, vm14;
	vm13 =	vlt.f32 v14, $1.325989660e-01;
	vm14 =	vmor vm12, vm15  }
0x50: {  	vm4 =	vmand vm4, vm6;
	vm15 =	vmand vm11, vm8;
	vm6 =	vmand vm13, vm14  }
0x51: {  	v59 =	vsel vm4, $0x1, v11;
	vm3 =	vmand vm3, vm15;
	vm2 =	vmand vm2, vm6  }
0x52: {  	v12 =	vadd.s32 v59, v12;
	v60 =	vsel vm3, $0x1, v11;
	vm2 =	vmand vm1, vm2  }
0x53: {  	v61 =	vadd.s32 v10, v12;
	v12 =	vadd.s32 v60, v12;
	v62 =	vsel vm2, $0x1, v11  }
0x54: {  	vm1 =	vmand vm1, vm5;
	v63 =	vadd.s32 v10, v12;
	v12 =	vadd.s32 v62, v12  }
0x55: {  	v17 =	vadd.s32 v10, v12;
	_ =	sdelay $0x1  }
0x56: {  	[tilespmem:v15+s12+$0x0] =	vst.idx.msk vm4, v13  }
0x57: {  	[tilespmem:v61+s12+$0x0] =	vst.idx.msk vm3, v18  }
0x58: {  	v13 =	vsel vm1, $0x1, v11;
	[tilespmem:v63+s12+$0x0] =	vst.idx.msk vm2, v14  }
0x59: {  	v12 =	vadd.s32 v13, v12;
	[tilespmem:v17+s12+$0x0] =	vst.idx.msk vm1, v16  }
.LBB2_10:
0x5a: {  	s14 =	sadd.s32 $0x1, s14  }
0x5b: {  	p0 =	sne.s32 s14, $0x8  }
.Ltmp3:
0x5c: {  	_ = 	snop;
	(pc) =	sbr.rel @!p0 .LBB2_11-.Ltmp3, $1  }
0x5d: {  	_ =	sdelay $0x3  }
.LBB2_6:
0x5e: {  	s15 =	sshll.u32 s14, $0x6  }
0x5f: {  	s15 =	sor.u32 s3, s15  }
0x60: {  	s18 =	sor.u32 $0x20, s15  }
0x61: {  	s16 =	smov.u32 s15;
	p0 =	slt.u32 s18, $0x1F4  }
0x62: {  	s16 =	smov.u32 @p0 s18  }
0x63: {  	s17 =	sadd.s32 $0x1F, s16  }
0x64: {  	s17 =	sshrl.u32 s17, $0x5  }
0x65: {  	p1 =	seq.s32 s17, $0x0  }
.Ltmp4:
0x66: {  	_ = 	snop;
	(pc) =	sbr.rel @p1 .LBB2_10-.Ltmp4, $1  }
0x67: {  	_ =	sdelay $0x3  }
0x68: {  	v14 =	vmov s15;
	v19 =	vmov s16;
	s16 =	simm.s32 $0xC00  }
0x69: {  	v13 =	vor.u32 $0x400, v14;
	v22 =	vld [tilespmem:s16+$0x410]  }
0x6a: {  	s15 =	simm.s32 $0x0;
	v15 =	vadd.s32 $0x400, v19;
	v29 =	vld [tilespmem:s16+$0x10]  }
0x6b: {  	v18 =	vor.u32 $0x800, v14;
	s19 =	sand.u32 $0xFFFFFFE0, s15;
	v32 =	vld [tilespmem:s16+$0x0]  }
0x6c: {  	v20 =	vadd.s32 $0x800, v19;
	v21 =	vld [tilespmem:s19+$0x1000]  }
0x6d: {  	v19 =	vld.idx.msk [tilespmem:v19+s8+$0x0], $0xffff  }
0x6e: {  	v16 =	vld.idx.msk [tilespmem:v13+s8+$0x0], $0xffff  }
0x6f: {  	v17 =	vld.idx.msk [tilespmem:v15+s8+$0x0], $0xffff  }
0x70: {  	v13 =	vld.idx.msk [tilespmem:v18+s8+$0x0], $0xffff  }
0x71: {  	v18 =	vmov s18;
	v15 =	vld.idx.msk [tilespmem:v20+s8+$0x0], $0xffff;
	v20 =	vor.u32 s15, v0  }
0x72: {  	vm2 =	vlt.s32 v20, v18;
	vm4 =	vlt.s32 v20, v14;
	v20 =	vld.idx.msk [tilespmem:v14+s8+$0x0], $0xffff  }
0x73: {  	vm1 =	vmmov vm0  }
0x74: {  	vm1 =	vmneg @p0 vm1;
	v24 =	vor.u32 s15, v9;
	v25 =	vld [tilespmem:s16+$0x810];
	v33 =	vsub.f32 v19, v29  }
0x75: {  	vm3 =	vlt.s32 v24, v14;
	v26 =	vsub.f32 v16, v21;
	v28 =	vsub.f32 v17, v21  }
0x76: {  	vm5 =	vlt.s32 v24, v18;
	v21 =	vsub.f32 v16, v22;
	v27 =	vsub.f32 v17, v22  }
0x77: {  	v39 =	vand.u32 $0x7FFFFFFF, v33;
	v37 =	vsub.f32 v20, v32;
	v22 =	vmul.f32 v26, v26  }
0x78: {  	v23 =	vand.u32 $0x7FFFFFFF, v28;
	v35 =	vand.u32 $0x7FFFFFFF, v21;
	v30 =	vand.u32 $0x7FFFFFFF, v27  }
0x79: {  	p0 =	sne.s32 s17, $0x1;
	v34 =	vand.u32 $0x7FFFFFFF, v26;
	v36 =	vsub.f32 $1.000000000e+00, v30;
	v30 =	vsub.f32 v15, v25  }
.Ltmp5:
0x7a: {  	v31 =	vmul.f32 v27, v27;
	v27 =	vsub.f32 v13, v25;
	v39 =	vsub.f32 $1.000000000e+00, v39;
	(pc) =	sbr.rel @!p0 .LBB2_9-.Ltmp5, $4  }
0x7b: {  	v23 =	vsub.f32 $1.000000000e+00, v23;
	v26 =	vsub.f32 $1.000000000e+00, v35;
	v24 =	vand.u32 $0x7FFFFFFF, v30  }
0x7c: {  	v21 =	vmul.f32 v21, v21;
	v63 =	vsub.f32 $1.000000000e+00, v24;
	v24 =	vsub.f32 v20, v29  }
0x7d: {  	v25 =	vmul.f32 v28, v28;
	v28 =	vld [tilespmem:s19+$0x1400];
	v35 =	vmul.f32 v36, v36;
	v29 =	vand.u32 $0x7FFFFFFF, v27  }
0x7e: {  	s17 =	sadd.s32 $0xFFFFFFFF, s17;
	v38 =	vsub.f32 $1.000000000e+00, v29;
	v36 =	vmul.f32 v63, v63;
	v29 =	vand.u32 $0x7FFFFFFF, v24  }
.LBB2_8:
0x7f: {  	p0 =	sne.s32 s17, $0x1;
	v34 =	vsub.f32 $1.000000000e+00, v34;
	v32 =	vsub.f32 v19, v32;
	v30 =	vmul.f32 v30, v30;
	s15 =	sadd.s32 $0x20, s15;
	s16 =	sadd.s32 $0x20, s16  }
0x80: {  	s17 =	sadd.s32 $0xFFFFFFFF, s17;
	v38 =	vmul.f32 v38, v38;
	v33 =	vmul.f32 v33, v33;
	v31 =	vmin.f32 v31, v35  }
0x81: {  	v35 =	vand.u32 $0x7FFFFFFF, v37;
	v37 =	vmul.f32 v37, v37;
	v39 =	vmul.f32 v39, v39  }
0x82: {  	v27 =	vmul.f32 v27, v27;
	v40 =	vmul.f32 v32, v32;
	v30 =	vmin.f32 v30, v36  }
0x83: {  	v34 =	vmul.f32 v34, v34;
	v36 =	vsub.f32 v15, v28;
	v33 =	vmin.f32 v33, v39  }
0x84: {  	v26 =	vmul.f32 v26, v26;
	v23 =	vmul.f32 v23, v23;
	v27 =	vmin.f32 v27, v38  }
0x85: {  	v35 =	vsub.f32 $1.000000000e+00, v35;
	v28 =	vsub.f32 v13, v28;
	v22 =	vmin.f32 v22, v34  }
0x86: {  	v29 =	vsub.f32 $1.000000000e+00, v29;
	v23 =	vmin.f32 v25, v23;
	v25 =	vadd.f32 v31, v33  }
0x87: {  	v32 =	vand.u32 $0x7FFFFFFF, v32;
	v31 =	vmul.f32 v35, v35;
	v33 =	vand.u32 $0x7FFFFFFF, v28  }
0x88: {  	v24 =	vmul.f32 v24, v24;
	v29 =	vmul.f32 v29, v29;
	v34 =	vand.u32 $0x7FFFFFFF, v36  }
0x89: {  	v21 =	vmin.f32 v21, v26;
	v31 =	vmin.f32 v37, v31;
	v33 =	vsub.f32 $1.000000000e+00, v33  }
0x8a: {  	v26 =	vsub.f32 $1.000000000e+00, v32;
	v24 =	vmin.f32 v24, v29;
	v22 =	vadd.f32 v22, v31  }
0x8b: {  	v21 =	vadd.f32 v21, v24;
	v24 =	vsub.f32 $1.000000000e+00, v34;
	v29 =	vmul.f32 v33, v33  }
0x8c: {  	v28 =	vmul.f32 v28, v28;
	v25 =	vadd.f32 v30, v25;
	v31 =	vmul.f32 v36, v36  }
0x8d: {  	v26 =	vmul.f32 v26, v26;
	v21 =	vadd.f32 v27, v21;
	v24 =	vmul.f32 v24, v24  }
0x8e: {  	vm6 =	vlt.f32 v25, $1.325989660e-01;
	vm7 =	vlt.f32 v25, $0.0e+00;
	v27 =	vmin.f32 v28, v29  }
0x8f: {  	v26 =	vmin.f32 v40, v26;
	vm9 =	vgt.f32 v25, $0.0e+00;
	vm8 =	vlt.f32 v21, $0.0e+00  }
0x90: {  	v23 =	vadd.f32 v23, v26;
	vm10 =	vgt.f32 v21, $0.0e+00;
	v22 =	vadd.f32 v27, v22  }
0x91: {  	vm7 =	vmor vm9, vm7;
	v24 =	vmin.f32 v31, v24;
	vm11 =	vlt.f32 v21, $1.325989660e-01  }
0x92: {  	vm6 =	vmand vm6, vm7;
	v23 =	vadd.f32 v24, v23;
	vm9 =	vlt.f32 v22, $0.0e+00  }
0x93: {  	s18 =	sand.u32 $0xFFFFFFE0, s15;
	vm5 =	vmand vm5, vm6;
	vm7 =	vlt.f32 v22, $1.325989660e-01;
	vm12 =	vgt.f32 v22, $0.0e+00  }
0x94: {  	vm8 =	vmor vm10, vm8;
	vm6 =	vmor vm12, vm9;
	vm9 =	vlt.f32 v23, $0.0e+00  }
0x95: {  	vm10 =	vgt.f32 v23, $0.0e+00;
	vm6 =	vmand vm7, vm6;
	vm7 =	vlt.f32 v23, $1.325989660e-01  }
0x96: {  	vm4 =	vmand vm4, vm6;
	vm6 =	vmand vm11, vm8;
	vm8 =	vmor vm10, vm9  }
0x97: {  	v24 =	vadd.s32 v10, v12;
	vm7 =	vmand vm7, vm8;
	v26 =	vsel vm4, $0x1, v11  }
0x98: {  	vm3 =	vmand vm3, vm6;
	vm2 =	vmand vm2, vm7;
	v12 =	vadd.s32 v26, v12  }
0x99: {  	v27 =	vsel vm3, $0x1, v11;
	vm2 =	vmand vm1, vm2;
	v26 =	vadd.s32 v10, v12  }
0x9a: {  	vm5 =	vmand vm1, vm5;
	v12 =	vadd.s32 v27, v12;
	v27 =	vsel vm2, $0x1, v11  }
0x9b: {  	v28 =	vadd.s32 v10, v12;
	v12 =	vadd.s32 v27, v12;
	v27 =	vsel vm5, $0x1, v11  }
0x9c: {  	v29 =	vor.u32 s15, v9;
	[tilespmem:v24+s12+$0x0] =	vst.idx.msk vm4, v22;
	v22 =	vadd.s32 v10, v12;
	v12 =	vadd.s32 v27, v12  }
0x9d: {  	v24 =	vor.u32 s15, v0  }
0x9e: {  	[tilespmem:v26+s12+$0x0] =	vst.idx.msk vm3, v21;
	_ =	sdelay $0x1  }
0x9f: {  	[tilespmem:v28+s12+$0x0] =	vst.idx.msk vm2, v23  }
0xa0: {  	[tilespmem:v22+s12+$0x0] =	vst.idx.msk vm5, v25  }
0xa1: {  	v21 =	vld [tilespmem:s18+$0x1000]  }
0xa2: {  	v22 =	vld [tilespmem:s16+$0x410];
	_ =	sdelay $0x2  }
0xa3: {  	v25 =	vld [tilespmem:s16+$0x810]  }
0xa4: {  	vm2 =	vlt.s32 v24, v18;
	v26 =	vsub.f32 v16, v21;
	v28 =	vsub.f32 v17, v21  }
0xa5: {  	vm4 =	vlt.s32 v24, v14;
	v36 =	vld [tilespmem:s16+$0x10];
	v21 =	vsub.f32 v16, v22;
	v27 =	vsub.f32 v17, v22  }
0xa6: {  	vm3 =	vlt.s32 v29, v14;
	v22 =	vmul.f32 v26, v26;
	v23 =	vand.u32 $0x7FFFFFFF, v28  }
0xa7: {  	v24 =	vand.u32 $0x7FFFFFFF, v21;
	v23 =	vsub.f32 $1.000000000e+00, v23;
	v30 =	vand.u32 $0x7FFFFFFF, v27  }
0xa8: {  	vm5 =	vlt.s32 v29, v18;
	v35 =	vsub.f32 $1.000000000e+00, v30;
	v30 =	vsub.f32 v15, v25  }
0xa9: {  	v34 =	vand.u32 $0x7FFFFFFF, v26;
	v21 =	vmul.f32 v21, v21;
	v31 =	vmul.f32 v27, v27;
	v32 =	vld [tilespmem:s16+$0x0]  }
.Ltmp6:
0xaa: {  	v27 =	vsub.f32 v13, v25;
	v33 =	vsub.f32 v19, v36;
	v25 =	vand.u32 $0x7FFFFFFF, v30;
	(pc) =	sbr.rel @p0 .LBB2_8-.Ltmp6, $4  }
0xab: {  	v26 =	vsub.f32 $1.000000000e+00, v24;
	v35 =	vmul.f32 v35, v35;
	v29 =	vsub.f32 $1.000000000e+00, v25  }
0xac: {  	v24 =	vsub.f32 v20, v36;
	v36 =	vand.u32 $0x7FFFFFFF, v27;
	v25 =	vmul.f32 v28, v28  }
0xad: {  	v38 =	vsub.f32 $1.000000000e+00, v36;
	v39 =	vand.u32 $0x7FFFFFFF, v33;
	v28 =	vld [tilespmem:s18+$0x1400];
	v36 =	vmul.f32 v29, v29  }
0xae: {  	v29 =	vand.u32 $0x7FFFFFFF, v24;
	v39 =	vsub.f32 $1.000000000e+00, v39;
	v37 =	vsub.f32 v20, v32  }
.Ltmp7:
0xaf: {  	_ = 	snop;
	(pc) =	sbr.rel .LBB2_9-.Ltmp7, $1  }
0xb0: {  	_ =	sdelay $0x3  }
.LBB2_11:
.Ltmp8:
0xb1: {  	(pc) =	sbr.rel .LBB2_12-.Ltmp8, $2  }
0xb2: {  	_ =	sdelay $0x2  }
0xb3: {  	s14 =	simm.s32 $0x0  }
.LBB2_15:
0xb4: {  	v15 =	vmul.f32 v24, v24;
	v16 =	vmul.f32 v36, v36  }
0xb5: {  	v14 =	vadd.f32 v37, v29;
	v17 =	vmul.f32 v26, v26;
	v18 =	vmul.f32 v31, v31  }
0xb6: {  	v13 =	vsub.f32 v13, v22;
	v19 =	vmin.f32 v35, v30;
	v57 =	vmin.f32 v23, v33  }
0xb7: {  	v14 =	vadd.f32 v27, v14;
	v54 =	vmin.f32 v17, v32;
	v55 =	vmin.f32 v18, v34  }
0xb8: {  	v15 =	vmin.f32 v15, v16;
	v56 =	vand.u32 $0x7FFFFFFF, v13;
	v16 =	vadd.f32 v55, v54  }
0xb9: {  	v13 =	vmul.f32 v13, v13;
	v15 =	vadd.f32 v15, v19;
	v18 =	vsub.f32 $1.000000000e+00, v56  }
0xba: {  	vm7 =	vgt.f32 v14, $0.0e+00;
	vm8 =	vlt.f32 v14, $0.0e+00;
	v16 =	vadd.f32 v57, v16  }
0xbb: {  	vm6 =	vlt.f32 v14, $1.325989660e-01;
	v15 =	vadd.f32 v25, v15;
	vm7 =	vmor vm7, vm8  }
0xbc: {  	v58 =	vmul.f32 v18, v18;
	vm6 =	vmand vm6, vm7;
	vm15 =	vlt.f32 v16, $0.0e+00  }
0xbd: {  	vm9 =	vgt.f32 v16, $0.0e+00;
	vm12 =	vlt.f32 v16, $1.325989660e-01;
	vm5 =	vmand vm5, vm6  }
0xbe: {  	v13 =	vmin.f32 v13, v58;
	vm7 =	vlt.f32 v15, $1.325989660e-01;
	vm14 =	vlt.f32 v15, $0.0e+00  }
0xbf: {  	vm8 =	vmor vm9, vm15;
	v13 =	vadd.f32 v13, v28;
	v59 =	vsel vm5, $0x1, v11  }
0xc0: {  	vm15 =	vgt.f32 v15, $0.0e+00;
	vm13 =	vmand vm12, vm8;
	v12 =	vadd.s32 v59, v12  }
0xc1: {  	vm6 =	vmor vm15, vm14;
	vm4 =	vmand vm4, vm13;
	vm12 =	vlt.f32 v13, $1.325989660e-01  }
0xc2: {  	vm13 =	vlt.f32 v13, $0.0e+00;
	vm6 =	vmand vm7, vm6;
	vm14 =	vgt.f32 v13, $0.0e+00  }
0xc3: {  	v61 =	vadd.s32 v10, v12;
	vm3 =	vmand vm3, vm6;
	vm15 =	vmor vm14, vm13  }
0xc4: {  	v60 =	vsel vm4, $0x1, v11;
	vm3 =	vmand vm1, vm3;
	vm6 =	vmand vm12, vm15  }
0xc5: {  	v12 =	vadd.s32 v60, v12;
	vm2 =	vmand vm2, vm6;
	v62 =	vsel vm3, $0x1, v11  }
0xc6: {  	v63 =	vadd.s32 v10, v12;
	vm1 =	vmand vm1, vm2;
	v12 =	vadd.s32 v62, v12  }
0xc7: {  	v17 =	vadd.s32 v10, v12;
	_ =	sdelay $0x1  }
0xc8: {  	[tilespmem:v21+s12+$0x0] =	vst.idx.msk vm5, v14  }
0xc9: {  	[tilespmem:v61+s12+$0x0] =	vst.idx.msk vm4, v16  }
0xca: {  	v14 =	vsel vm1, $0x1, v11;
	[tilespmem:v63+s12+$0x0] =	vst.idx.msk vm3, v15  }
0xcb: {  	v12 =	vadd.s32 v14, v12;
	[tilespmem:v17+s12+$0x0] =	vst.idx.msk vm1, v13  }
.LBB2_16:
0xcc: {  	s14 =	sadd.s32 $0x1, s14  }
0xcd: {  	p0 =	sne.s32 s14, $0x8  }
.Ltmp9:
0xce: {  	_ = 	snop;
	(pc) =	sbr.rel @!p0 .LBB2_17-.Ltmp9, $1  }
0xcf: {  	_ =	sdelay $0x3  }
.LBB2_12:
0xd0: {  	s15 =	sshll.u32 s14, $0x6  }
0xd1: {  	s16 =	sor.u32 s3, s15  }
0xd2: {  	s18 =	sor.u32 $0x20, s16  }
0xd3: {  	s15 =	smov.u32 s16;
	p0 =	slt.u32 s18, $0x1F4  }
0xd4: {  	s15 =	smov.u32 @p0 s18  }
0xd5: {  	s17 =	sadd.s32 $0x1F, s15  }
0xd6: {  	s17 =	sshrl.u32 s17, $0x5  }
0xd7: {  	p1 =	seq.s32 s17, $0x0  }
.Ltmp10:
0xd8: {  	_ = 	snop;
	(pc) =	sbr.rel @p1 .LBB2_16-.Ltmp10, $1  }
0xd9: {  	_ =	sdelay $0x3  }
0xda: {  	s19 =	sor.u32 $0x200, s16;
	s15 =	sor.u32 $0x200, s15  }
0xdb: {  	v13 =	vmov s19;
	v18 =	vmov s15;
	s15 =	simm.s32 $0x0  }
0xdc: {  	s31 =	sand.u32 $0xFFFFFFE0, s15  }
0xdd: {  	v15 =	vadd.s32 $0x400, v13;
	v21 =	vld [tilespmem:s31+$0xE00]  }
0xde: {  	v16 =	vadd.s32 $0x800, v13;
	v23 =	vld [tilespmem:s31+$0x1600]  }
0xdf: {  	v19 =	vadd.s32 $0x800, v18;
	v24 =	vld [tilespmem:s31+$0x1200]  }
0xe0: {  	v20 =	vadd.s32 $0x400, v18;
	v14 =	vld.idx.msk [tilespmem:v13+s8+$0x0], $0xffff  }
0xe1: {  	v17 =	vld.idx.msk [tilespmem:v18+s8+$0x0], $0xffff  }
0xe2: {  	v15 =	vld.idx.msk [tilespmem:v15+s8+$0x0], $0xffff  }
0xe3: {  	v16 =	vld.idx.msk [tilespmem:v16+s8+$0x0], $0xffff  }
0xe4: {  	v13 =	vld.idx.msk [tilespmem:v19+s8+$0x0], $0xffff  }
0xe5: {  	v18 =	vmov s16;
	s16 =	simm.s32 $0x1610;
	v20 =	vld.idx.msk [tilespmem:v20+s8+$0x0], $0xffff  }
0xe6: {  	v22 =	vor.u32 s15, v9;
	v19 =	vmov s18;
	v32 =	vld [tilespmem:s16+$0xFFFFFC00]  }
0xe7: {  	v25 =	vor.u32 s15, v0;
	vm4 =	vlt.s32 v22, v18;
	vm2 =	vlt.s32 v22, v19;
	v22 =	vld [tilespmem:s16+$0x0]  }
0xe8: {  	vm5 =	vlt.s32 v25, v18;
	vm3 =	vlt.s32 v25, v19;
	v25 =	vld [tilespmem:s16+$0xFFFFF800];
	v26 =	vsub.f32 v14, v21  }
0xe9: {  	vm1 =	vmmov vm0;
	v28 =	vsub.f32 v17, v21;
	v27 =	vsub.f32 v16, v23  }
0xea: {  	vm1 =	vmneg @p0 vm1;
	v29 =	vsub.f32 v13, v23;
	v30 =	vsub.f32 v15, v24  }
0xeb: {  	v21 =	vadd.s32 v10, v12;
	v24 =	vsub.f32 v20, v24;
	v40 =	vsub.f32 v20, v32  }
0xec: {  	v23 =	vand.u32 $0x7FFFFFFF, v26;
	v31 =	vand.u32 $0x7FFFFFFF, v28;
	v36 =	vsub.f32 v16, v22  }
0xed: {  	v35 =	vmul.f32 v26, v26;
	v26 =	vsub.f32 v14, v25;
	v39 =	vsub.f32 v17, v25  }
0xee: {  	v33 =	vand.u32 $0x7FFFFFFF, v27;
	v34 =	vand.u32 $0x7FFFFFFF, v29;
	v23 =	vsub.f32 $1.000000000e+00, v23  }
0xef: {  	v27 =	vmul.f32 v27, v27;
	v37 =	vmul.f32 v30, v30;
	v56 =	vsub.f32 $1.000000000e+00, v31  }
0xf0: {  	v31 =	vmul.f32 v29, v29;
	v30 =	vand.u32 $0x7FFFFFFF, v30;
	v58 =	vand.u32 $0x7FFFFFFF, v40  }
0xf1: {  	v40 =	vmul.f32 v40, v40;
	v63 =	vand.u32 $0x7FFFFFFF, v24;
	v33 =	vsub.f32 $1.000000000e+00, v33  }
0xf2: {  	v55 =	vsub.f32 $1.000000000e+00, v34;
	v60 =	vand.u32 $0x7FFFFFFF, v39;
	v39 =	vmul.f32 v39, v39  }
0xf3: {  	v57 =	vand.u32 $0x7FFFFFFF, v26;
	v38 =	vmul.f32 v23, v23;
	v25 =	vmul.f32 v33, v33  }
0xf4: {  	v59 =	vsub.f32 $1.000000000e+00, v30;
	v23 =	vmul.f32 v36, v36;
	v30 =	vmul.f32 v56, v56  }
0xf5: {  	v61 =	vsub.f32 $1.000000000e+00, v60;
	v27 =	vmin.f32 v27, v25;
	v25 =	vmul.f32 v55, v55  }
0xf6: {  	v36 =	vand.u32 $0x7FFFFFFF, v36;
	v33 =	vsub.f32 $1.000000000e+00, v57;
	v29 =	vmin.f32 v35, v38  }
0xf7: {  	p0 =	sne.s32 s17, $0x1;
	v35 =	vsub.f32 $1.000000000e+00, v58;
	v25 =	vmin.f32 v31, v25;
	v31 =	vsub.f32 v15, v32  }
.Ltmp11:
0xf8: {  	v42 =	vsub.f32 $1.000000000e+00, v36;
	v36 =	vsub.f32 $1.000000000e+00, v63;
	v41 =	vmul.f32 v61, v61;
	(pc) =	sbr.rel @!p0 .LBB2_15-.Ltmp11, $4  }
0xf9: {  	v38 =	vmul.f32 v59, v59;
	v35 =	vmul.f32 v35, v35;
	v62 =	vand.u32 $0x7FFFFFFF, v31  }
0xfa: {  	v39 =	vmin.f32 v39, v41;
	v32 =	vmul.f32 v33, v33;
	v33 =	vsub.f32 $1.000000000e+00, v62  }
0xfb: {  	v37 =	vmin.f32 v37, v38;
	v40 =	vmin.f32 v40, v35;
	v35 =	vmul.f32 v28, v28  }
0xfc: {  	s17 =	sadd.s32 $0xFFFFFFFF, s17;
	v28 =	vadd.f32 v40, v39;
	v34 =	vmul.f32 v33, v33;
	v33 =	vmul.f32 v42, v42  }
.LBB2_14:
0xfd: {  	p0 =	sne.s32 s17, $0x1;
	v29 =	vadd.f32 v37, v29;
	v24 =	vmul.f32 v24, v24;
	v36 =	vmul.f32 v36, v36;
	s16 =	sadd.s32 $0x20, s16;
	s15 =	sadd.s32 $0x20, s15  }
0xfe: {  	s17 =	sadd.s32 $0xFFFFFFFF, s17;
	v26 =	vmul.f32 v26, v26;
	v31 =	vmul.f32 v31, v31;
	v22 =	vsub.f32 v13, v22  }
0xff: {  	v27 =	vadd.f32 v27, v29;
	v29 =	vmin.f32 v35, v30;
	v24 =	vmin.f32 v24, v36  }
0x100: {  	v26 =	vmin.f32 v26, v32;
	v30 =	vmin.f32 v31, v34;
	v31 =	vand.u32 $0x7FFFFFFF, v22  }
0x101: {  	v26 =	vadd.f32 v30, v26;
	v24 =	vadd.f32 v24, v29;
	vm6 =	vlt.f32 v27, $1.325989660e-01  }
0x102: {  	v23 =	vmin.f32 v23, v33;
	v29 =	vsub.f32 $1.000000000e+00, v31;
	vm7 =	vgt.f32 v27, $0.0e+00  }
0x103: {  	vm8 =	vlt.f32 v27, $0.0e+00;
	v23 =	vadd.f32 v23, v26;
	v24 =	vadd.f32 v25, v24  }
0x104: {  	v22 =	vmul.f32 v22, v22;
	v25 =	vmul.f32 v29, v29;
	vm7 =	vmor vm7, vm8  }
0x105: {  	vm6 =	vmand vm6, vm7;
	vm7 =	vlt.f32 v23, $0.0e+00;
	vm8 =	vgt.f32 v23, $0.0e+00  }
0x106: {  	vm5 =	vmand vm5, vm6;
	vm6 =	vlt.f32 v23, $1.325989660e-01;
	vm7 =	vmor vm8, vm7  }
0x107: {  	v22 =	vmin.f32 v22, v25;
	vm6 =	vmand vm6, vm7;
	vm7 =	vlt.f32 v24, $1.325989660e-01  }
0x108: {  	v22 =	vadd.f32 v22, v28;
	v25 =	vsel vm5, $0x1, v11;
	vm4 =	vmand vm4, vm6  }
0x109: {  	vm8 =	vgt.f32 v24, $0.0e+00;
	v12 =	vadd.s32 v25, v12;
	vm6 =	vlt.f32 v24, $0.0e+00  }
0x10a: {  	vm9 =	vlt.f32 v22, $0.0e+00;
	vm6 =	vmor vm8, vm6;
	vm8 =	vlt.f32 v22, $1.325989660e-01  }
0x10b: {  	v25 =	vsel vm4, $0x1, v11;
	vm6 =	vmand vm7, vm6;
	vm7 =	vgt.f32 v22, $0.0e+00  }
0x10c: {  	vm3 =	vmand vm3, vm6;
	vm6 =	vmor vm7, vm9;
	[tilespmem:v21+s12+$0x0] =	vst.idx.msk vm5, v27;
	v21 =	vadd.s32 v10, v12  }
0x10d: {  	vm3 =	vmand vm1, vm3;
	vm5 =	vmand vm8, vm6;
	v12 =	vadd.s32 v25, v12  }
0x10e: {  	v26 =	vsel vm3, $0x1, v11;
	vm2 =	vmand vm2, vm5;
	v25 =	vadd.s32 v10, v12  }
0x10f: {  	v27 =	vor.u32 s15, v0;
	v12 =	vadd.s32 v26, v12;
	vm2 =	vmand vm1, vm2  }
0x110: {  	s18 =	sand.u32 $0xFFFFFFE0, s15;
	v26 =	vor.u32 s15, v9;
	v28 =	vadd.s32 v10, v12;
	v29 =	vsel vm2, $0x1, v11  }
0x111: {  	v12 =	vadd.s32 v29, v12;
	[tilespmem:v21+s12+$0x0] =	vst.idx.msk vm4, v23;
	_ =	sdelay $0x1  }
0x112: {  	[tilespmem:v25+s12+$0x0] =	vst.idx.msk vm3, v24;
	_ =	sdelay $0x1  }
0x113: {  	[tilespmem:v28+s12+$0x0] =	vst.idx.msk vm2, v22  }
0x114: {  	v21 =	vld [tilespmem:s18+$0xE00]  }
0x115: {  	v23 =	vld [tilespmem:s18+$0x1600]  }
0x116: {  	v24 =	vld [tilespmem:s18+$0x1200]  }
0x117: {  	v25 =	vld [tilespmem:s16+$0xFFFFF800]  }
0x118: {  	vm4 =	vlt.s32 v26, v18;
	vm3 =	vlt.s32 v27, v19;
	vm2 =	vlt.s32 v26, v19;
	v22 =	vld [tilespmem:s16+$0x0]  }
0x119: {  	vm5 =	vlt.s32 v27, v18;
	v26 =	vsub.f32 v14, v21;
	v28 =	vsub.f32 v17, v21  }
0x11a: {  	v21 =	vadd.s32 v10, v12;
	v27 =	vsub.f32 v16, v23;
	v29 =	vsub.f32 v13, v23  }
0x11b: {  	v30 =	vld [tilespmem:s16+$0xFFFFFC00];
	v23 =	vand.u32 $0x7FFFFFFF, v26;
	v31 =	vsub.f32 v15, v24;
	v32 =	vand.u32 $0x7FFFFFFF, v28  }
0x11c: {  	v24 =	vsub.f32 v20, v24;
	v33 =	vand.u32 $0x7FFFFFFF, v27;
	v34 =	vand.u32 $0x7FFFFFFF, v29  }
0x11d: {  	v35 =	vmul.f32 v26, v26;
	v23 =	vsub.f32 $1.000000000e+00, v23;
	v27 =	vmul.f32 v27, v27  }
0x11e: {  	v37 =	vmul.f32 v31, v31;
	v33 =	vsub.f32 $1.000000000e+00, v33;
	v36 =	vsub.f32 v16, v22  }
0x11f: {  	v26 =	vsub.f32 v14, v25;
	v39 =	vsub.f32 v17, v25;
	v38 =	vmul.f32 v23, v23  }
0x120: {  	v25 =	vmul.f32 v33, v33;
	v23 =	vmul.f32 v36, v36;
	v33 =	vsub.f32 $1.000000000e+00, v34  }
0x121: {  	v32 =	vsub.f32 $1.000000000e+00, v32;
	v34 =	vmul.f32 v29, v29;
	v40 =	vsub.f32 v20, v30  }
0x122: {  	v31 =	vand.u32 $0x7FFFFFFF, v31;
	v27 =	vmin.f32 v27, v25;
	v25 =	vmul.f32 v33, v33  }
0x123: {  	v29 =	vmin.f32 v35, v38;
	v33 =	vand.u32 $0x7FFFFFFF, v26;
	v35 =	vand.u32 $0x7FFFFFFF, v40  }
0x124: {  	v38 =	vsub.f32 $1.000000000e+00, v31;
	v40 =	vmul.f32 v40, v40;
	v25 =	vmin.f32 v34, v25  }
0x125: {  	v31 =	vsub.f32 v15, v30;
	v33 =	vsub.f32 $1.000000000e+00, v33;
	v34 =	vand.u32 $0x7FFFFFFF, v39  }
0x126: {  	v30 =	vmul.f32 v32, v32;
	v39 =	vmul.f32 v39, v39;
	v34 =	vsub.f32 $1.000000000e+00, v34  }
0x127: {  	v35 =	vsub.f32 $1.000000000e+00, v35;
	v32 =	vmul.f32 v33, v33;
	v33 =	vand.u32 $0x7FFFFFFF, v31  }
.Ltmp12:
0x128: {  	v36 =	vand.u32 $0x7FFFFFFF, v36;
	v33 =	vsub.f32 $1.000000000e+00, v33;
	v41 =	vmul.f32 v34, v34;
	(pc) =	sbr.rel @p0 .LBB2_14-.Ltmp12, $4  }
0x129: {  	v42 =	vsub.f32 $1.000000000e+00, v36;
	v36 =	vand.u32 $0x7FFFFFFF, v24;
	v35 =	vmul.f32 v35, v35  }
0x12a: {  	v36 =	vsub.f32 $1.000000000e+00, v36;
	v38 =	vmul.f32 v38, v38;
	v34 =	vmul.f32 v33, v33  }
0x12b: {  	v33 =	vmul.f32 v42, v42;
	v40 =	vmin.f32 v40, v35;
	v39 =	vmin.f32 v39, v41  }
0x12c: {  	v37 =	vmin.f32 v37, v38;
	v35 =	vmul.f32 v28, v28;
	v28 =	vadd.f32 v40, v39  }
.Ltmp13:
0x12d: {  	_ = 	snop;
	(pc) =	sbr.rel .LBB2_15-.Ltmp13, $1  }
0x12e: {  	_ =	sdelay $0x3  }
.LBB2_17:
.Ltmp14:
0x12f: {  	(pc) =	sbr.rel .LBB2_18-.Ltmp14, $2  }
0x130: {  	_ =	sdelay $0x2  }
0x131: {  	[tilespmem:$0x3A80] =	vst v12;
	s14 =	simm.s32 $0x0;
	s15 =	simm.s32 $0x1890  }
.LBB2_21:
0x132: {  	_ =	sdelay $0x4  }
0x133: {  	[tilespmem:v20+s10+$0x0] =	vst.idx.add.f32.msk vm1, v21  }
0x134: {  	v12 =	vadd.s32 v7, v14;
	[tilespmem:v16+s10+$0x0] =	vst.idx.add.f32.msk vm1, v23  }
0x135: {  	v60 =	vmul.f32 v15, v15;
	v61 =	vadd.s32 v8, v14;
	[tilespmem:v19+s10+$0x0] =	vst.idx.add.f32.msk vm1, v22  }
0x136: {  	[tilespmem:v18+s10+$0x0] =	vst.idx.add.f32.msk vm2, v4  }
0x137: {  	v62 =	vmul.f32 v60, v15;
	[tilespmem:v17+s10+$0x0] =	vst.idx.add.f32.msk vm2, v15  }
0x138: {  	v63 =	vmul.f32 v60, v60;
	[tilespmem:v13+s10+$0x0] =	vst.idx.add.f32.msk vm2, v60  }
0x139: {  	[tilespmem:v12+s10+$0x0] =	vst.idx.add.f32.msk vm2, v62  }
0x13a: {  	[tilespmem:v61+s10+$0x0] =	vst.idx.add.f32.msk vm2, v63  }
.LBB2_22:
0x13b: {  	s14 =	sadd.s32 $0x1, s14  }
0x13c: {  	p0 =	sne.s32 s14, $0x10  }
.Ltmp15:
0x13d: {  	_ = 	snop;
	(pc) =	sbr.rel @!p0 .LBB2_23-.Ltmp15, $2  }
0x13e: {  	_ =	sdelay $0x2  }
0x13f: {  	s15 =	sadd.s32 $0x220, s15  }
.LBB2_18:
0x140: {  	v12 =	vmov s14;
	_ =	sdelay $0x4  }
0x141: {  	v12 =	vld.idx.msk [tilespmem:v12+s9+$0x0], $0xffff;
	_ =	sdelay $0x4  }
0x142: {  	(v2sf) =	vpush v12, $0x0;
	_ =	sdelay $0xe  }
0x143: {  	s16 =	spop (v2sf)  }
0x144: {  	s16 =	sadd.s32 $0x1F, s16  }
0x145: {  	s17 =	sand.u32 $0x1F, s16  }
0x146: {  	s31 =	sshra.s32 s16, $0x1F;
	p1 =	slt.s32 s16, $0x1;
	p0 =	sne.s32 s17, $0x0  }
0x147: {  	s17 =	sshrl.u32 s31, $0x1B;
	p0 =	por !p1, !p0  }
0x148: {  	s16 =	sadd.s32 s17, s16;
	s17 =	simm.s32 $0x1;
	p0 =	por !p0, !p0  }
0x149: {  	s16 =	sshra.s32 s16, $0x5;
	s17 =	simm.s32 @!p0 $0x0  }
0x14a: {  	s17 =	ssub.s32 s16, s17  }
0x14b: {  	p0 =	slt.s32 s17, $0x1  }
.Ltmp16:
0x14c: {  	_ = 	snop;
	(pc) =	sbr.rel @p0 .LBB2_22-.Ltmp16, $2  }
0x14d: {  	_ =	sdelay $0x2  }
0x14e: {  	s16 =	simm.s32 $0x10  }
0x14f: {  	v13 =	vld [tilespmem:s15+$0xFFFFFFF0];
	_ =	sdelay $0x1  }
0x150: {  	v14 =	vld [tilespmem:s15+$0x0];
	_ =	sdelay $0x2  }
0x151: {  	v15 =	vshrl.u32 v13, $0x1;
	v16 =	vmul.f32 $5.000000000e-01, v13  }
0x152: {  	v15 =	vsub.s32 $0x5F3759DF, v15  }
0x153: {  	v17 =	vshrl.u32 v14, $0x1;
	v18 =	vmul.f32 $5.000000000e-01, v14;
	v19 =	vmul.f32 v15, v16  }
0x154: {  	v17 =	vsub.s32 $0x5F3759DF, v17  }
0x155: {  	v20 =	vmul.f32 v17, v18;
	v19 =	vmul.f32 v15, v19;
	_ =	sdelay $0x1  }
0x156: {  	v20 =	vmul.f32 v17, v20;
	v19 =	vsub.f32 $1.500000000e+00, v19;
	_ =	sdelay $0x1  }
0x157: {  	v20 =	vsub.f32 $1.500000000e+00, v20;
	v15 =	vmul.f32 v15, v19;
	_ =	sdelay $0x1  }
0x158: {  	v17 =	vmul.f32 v17, v20;
	v19 =	vmul.f32 v15, v16;
	_ =	sdelay $0x1  }
0x159: {  	v20 =	vmul.f32 v17, v18;
	v19 =	vmul.f32 v19, v15;
	_ =	sdelay $0x1  }
0x15a: {  	v20 =	vmul.f32 v20, v17;
	v19 =	vsub.f32 $1.500000000e+00, v19;
	_ =	sdelay $0x1  }
0x15b: {  	v20 =	vsub.f32 $1.500000000e+00, v20;
	v15 =	vmul.f32 v19, v15;
	_ =	sdelay $0x1  }
0x15c: {  	v17 =	vmul.f32 v20, v17;
	v16 =	vmul.f32 v15, v16;
	_ =	sdelay $0x1  }
0x15d: {  	v18 =	vmul.f32 v17, v18;
	v16 =	vmul.f32 v16, v15;
	_ =	sdelay $0x1  }
0x15e: {  	v18 =	vmul.f32 v18, v17;
	v16 =	vsub.f32 $1.500000000e+00, v16;
	_ =	sdelay $0x1  }
0x15f: {  	v18 =	vsub.f32 $1.500000000e+00, v18;
	v15 =	vmul.f32 v16, v15;
	_ =	sdelay $0x1  }
0x160: {  	v16 =	vmul.f32 v18, v17;
	v13 =	vmul.f32 v15, v13;
	_ =	sdelay $0x1  }
0x161: {  	v14 =	vmul.f32 v16, v14;
	v13 =	vmul.f32 $2.828571470e+02, v13;
	_ =	sdelay $0x1  }
0x162: {  	v15 =	vmul.f32 $2.828571470e+02, v14;
	v14 =	vadd.f32 $5.000000000e-01, v13;
	_ =	sdelay $0x1  }
0x163: {  	v16 =	vadd.f32 $5.000000000e-01, v15;
	v14 =	vtrunc.f32 v14  }
0x164: {  	v14 =	vcvt.f32.s32 v14  }
0x165: {  	v16 =	vtrunc.f32 v16  }
0x166: {  	s18 =	sadd.s32 $0xFFFFFFF0, s16;
	v16 =	vcvt.f32.s32 v16;
	vm1 =	vgt.s32 v14, $0x0  }
0x167: {  	v19 =	vor.u32 s16, v0;
	v17 =	vor.u32 s18, v0;
	v14 =	vnsel vm1, $0x0, v14  }
0x168: {  	vm2 =	vgt.s32 v16, $0x0;
	vm1 =	vlt.s32 v17, v12;
	v17 =	vmin.u32 v14, $0x68  }
0x169: {  	v14 =	vnsel vm2, $0x0, v16;
	v16 =	vcvt.s32.f32 v17;
	v18 =	vadd.s32 v3, v17  }
0x16a: {  	p0 =	sne.s32 s17, $0x1;
	vm2 =	vlt.s32 v19, v12;
	v14 =	vmin.u32 v14, $0x68;
	v22 =	vadd.s32 v5, v17  }
.Ltmp17:
0x16b: {  	v20 =	vadd.s32 v6, v17;
	v19 =	vcvt.s32.f32 v14;
	v23 =	vsub.f32 v13, v16;
	(pc) =	sbr.rel @!p0 .LBB2_21-.Ltmp17, $4  }
0x16c: {  	v13 =	vadd.s32 v6, v14;
	v16 =	vadd.s32 v7, v17  }
0x16d: {  	v15 =	vsub.f32 v15, v19;
	v19 =	vadd.s32 v8, v17;
	v21 =	vmul.f32 v23, v23  }
0x16e: {  	v17 =	vadd.s32 v5, v14;
	[tilespmem:v18+s10+$0x0] =	vst.idx.add.f32.msk vm1, v4;
	v18 =	vadd.s32 v3, v14  }
0x16f: {  	s17 =	sadd.s32 $0xFFFFFFFF, s17;
	s18 =	smov.u32 s15;
	[tilespmem:v22+s10+$0x0] =	vst.idx.add.f32.msk vm1, v23;
	v23 =	vmul.f32 v21, v23;
	v22 =	vmul.f32 v21, v21  }
.LBB2_20:
0x170: {  	p0 =	sne.s32 s17, $0x1;
	[tilespmem:v20+s10+$0x0] =	vst.idx.add.f32.msk vm1, v21;
	s18 =	sadd.s32 $0x20, s18;
	s16 =	sadd.s32 $0x20, s16  }
0x171: {  	s17 =	sadd.s32 $0xFFFFFFFF, s17;
	[tilespmem:v16+s10+$0x0] =	vst.idx.add.f32.msk vm1, v23;
	v16 =	vadd.s32 v7, v14  }
0x172: {  	v14 =	vadd.s32 v8, v14;
	[tilespmem:v19+s10+$0x0] =	vst.idx.add.f32.msk vm1, v22;
	v19 =	vmul.f32 v15, v15  }
0x173: {  	[tilespmem:v18+s10+$0x0] =	vst.idx.add.f32.msk vm2, v4  }
0x174: {  	[tilespmem:v17+s10+$0x0] =	vst.idx.add.f32.msk vm2, v15;
	v15 =	vmul.f32 v19, v15  }
0x175: {  	[tilespmem:v13+s10+$0x0] =	vst.idx.add.f32.msk vm2, v19;
	v13 =	vmul.f32 v19, v19  }
0x176: {  	[tilespmem:v16+s10+$0x0] =	vst.idx.add.f32.msk vm2, v15  }
0x177: {  	[tilespmem:v14+s10+$0x0] =	vst.idx.add.f32.msk vm2, v13  }
0x178: {  	v13 =	vld [tilespmem:s18+$0xFFFFFFF0]  }
0x179: {  	v14 =	vld [tilespmem:s18+$0x0];
	_ =	sdelay $0x3  }
0x17a: {  	v15 =	vshrl.u32 v13, $0x1;
	v16 =	vmul.f32 $5.000000000e-01, v13  }
0x17b: {  	v15 =	vsub.s32 $0x5F3759DF, v15;
	v17 =	vshrl.u32 v14, $0x1;
	v18 =	vmul.f32 $5.000000000e-01, v14  }
0x17c: {  	v19 =	vmul.f32 v15, v16;
	v17 =	vsub.s32 $0x5F3759DF, v17  }
0x17d: {  	v20 =	vmul.f32 v17, v18  }
0x17e: {  	v19 =	vmul.f32 v15, v19  }
0x17f: {  	v20 =	vmul.f32 v17, v20  }
0x180: {  	v19 =	vsub.f32 $1.500000000e+00, v19  }
0x181: {  	v20 =	vsub.f32 $1.500000000e+00, v20  }
0x182: {  	v15 =	vmul.f32 v15, v19  }
0x183: {  	v17 =	vmul.f32 v17, v20  }
0x184: {  	v19 =	vmul.f32 v15, v16  }
0x185: {  	v20 =	vmul.f32 v17, v18  }
0x186: {  	v19 =	vmul.f32 v19, v15  }
0x187: {  	v20 =	vmul.f32 v20, v17  }
0x188: {  	v19 =	vsub.f32 $1.500000000e+00, v19  }
0x189: {  	v20 =	vsub.f32 $1.500000000e+00, v20  }
0x18a: {  	v15 =	vmul.f32 v19, v15  }
0x18b: {  	v17 =	vmul.f32 v20, v17  }
0x18c: {  	v16 =	vmul.f32 v15, v16  }
0x18d: {  	v18 =	vmul.f32 v17, v18  }
0x18e: {  	v16 =	vmul.f32 v16, v15  }
0x18f: {  	v18 =	vmul.f32 v18, v17  }
0x190: {  	v16 =	vsub.f32 $1.500000000e+00, v16  }
0x191: {  	v18 =	vsub.f32 $1.500000000e+00, v18  }
0x192: {  	v15 =	vmul.f32 v16, v15  }
0x193: {  	v16 =	vmul.f32 v18, v17  }
0x194: {  	v13 =	vmul.f32 v15, v13  }
0x195: {  	v14 =	vmul.f32 v16, v14  }
0x196: {  	s19 =	sadd.s32 $0xFFFFFFF0, s16;
	v15 =	vmul.f32 $2.828571470e+02, v13  }
0x197: {  	v13 =	vor.u32 s19, v0;
	v17 =	vmul.f32 $2.828571470e+02, v14  }
0x198: {  	vm1 =	vlt.s32 v13, v12;
	v13 =	vadd.f32 $5.000000000e-01, v15  }
0x199: {  	v14 =	vadd.f32 $5.000000000e-01, v17  }
0x19a: {  	v13 =	vtrunc.f32 v13  }
0x19b: {  	v13 =	vcvt.f32.s32 v13;
	v14 =	vtrunc.f32 v14  }
0x19c: {  	v14 =	vcvt.f32.s32 v14  }
0x19d: {  	v16 =	vor.u32 s16, v0;
	vm2 =	vgt.s32 v13, $0x0  }
0x19e: {  	v13 =	vnsel vm2, $0x0, v13;
	vm3 =	vgt.s32 v14, $0x0  }
0x19f: {  	vm2 =	vlt.s32 v16, v12;
	v18 =	vmin.u32 v13, $0x68;
	v13 =	vnsel vm3, $0x0, v14  }
0x1a0: {  	v16 =	vcvt.s32.f32 v18;
	v22 =	vadd.s32 v3, v18;
	v14 =	vmin.u32 v13, $0x68  }
0x1a1: {  	v23 =	vadd.s32 v5, v18;
	v19 =	vcvt.s32.f32 v14;
	v13 =	vadd.s32 v6, v14  }
.Ltmp18:
0x1a2: {  	v20 =	vadd.s32 v6, v18;
	v24 =	vsub.f32 v15, v16;
	(pc) =	sbr.rel @p0 .LBB2_20-.Ltmp18, $4  }
0x1a3: {  	v16 =	vadd.s32 v7, v18;
	v15 =	vsub.f32 v17, v19  }
0x1a4: {  	v19 =	vadd.s32 v8, v18;
	v21 =	vmul.f32 v24, v24  }
0x1a5: {  	v18 =	vadd.s32 v3, v14;
	v17 =	vadd.s32 v5, v14;
	[tilespmem:v22+s10+$0x0] =	vst.idx.add.f32.msk vm1, v4  }
0x1a6: {  	[tilespmem:v23+s10+$0x0] =	vst.idx.add.f32.msk vm1, v24;
	v23 =	vmul.f32 v21, v24;
	v22 =	vmul.f32 v21, v21  }
.Ltmp19:
0x1a7: {  	_ = 	snop;
	(pc) =	sbr.rel .LBB2_21-.Ltmp19, $1  }
0x1a8: {  	_ =	sdelay $0x3  }
.LBB2_23:
0x1a9: {  	s14 =	simm.s32 $0x0;
	s15 =	simm.s32 $0x3B00  }
0x1aa: {  	s14 =	sand.u32 $0x3F0, s14;
	v13 =	vld [tilespmem:s15+$0x0]  }
0x1ab: {  	v12 =	vld [tilespmem:s14+$0x3D80];
	_ =	sdelay $0x1  }
0x1ac: {  	v14 =	vld [tilespmem:s14+$0x4000];
	_ =	sdelay $0x1  }
0x1ad: {  	v15 =	vld [tilespmem:s14+$0x4280]  }
0x1ae: {  	v12 =	vadd.f32 v12, v13  }
0x1af: {  	v13 =	vld [tilespmem:s14+$0x4500]  }
0x1b0: {  	v12 =	vadd.f32 v14, v12  }
0x1b1: {  	v14 =	vld [tilespmem:s14+$0x4780]  }
0x1b2: {  	v12 =	vadd.f32 v15, v12  }
0x1b3: {  	v15 =	vld [tilespmem:s14+$0x4A00]  }
0x1b4: {  	v12 =	vadd.f32 v13, v12  }
0x1b5: {  	v13 =	vld [tilespmem:s14+$0x4C80]  }
0x1b6: {  	v12 =	vadd.f32 v14, v12  }
0x1b7: {  	v14 =	vld [tilespmem:s14+$0x4F00]  }
0x1b8: {  	v12 =	vadd.f32 v15, v12  }
0x1b9: {  	v15 =	vld [tilespmem:s14+$0x5180]  }
0x1ba: {  	v12 =	vadd.f32 v13, v12  }
0x1bb: {  	v13 =	vld [tilespmem:s14+$0x5400]  }
0x1bc: {  	v12 =	vadd.f32 v14, v12  }
0x1bd: {  	v14 =	vld [tilespmem:s14+$0x5680]  }
0x1be: {  	v12 =	vadd.f32 v15, v12  }
0x1bf: {  	v15 =	vld [tilespmem:s14+$0x5900]  }
0x1c0: {  	v12 =	vadd.f32 v13, v12  }
0x1c1: {  	v13 =	vld [tilespmem:s14+$0x5B80]  }
0x1c2: {  	v12 =	vadd.f32 v14, v12  }
0x1c3: {  	v14 =	vld [tilespmem:s14+$0x5E00]  }
0x1c4: {  	v12 =	vadd.f32 v15, v12  }
0x1c5: {  	v15 =	vld [tilespmem:s14+$0x6080]  }
0x1c6: {  	v12 =	vadd.f32 v13, v12;
	_ =	sdelay $0x1  }
0x1c7: {  	v12 =	vadd.f32 v14, v12;
	_ =	sdelay $0x1  }
0x1c8: {  	v12 =	vadd.f32 v15, v12  }
0x1c9: {  	s31 =	simm.s32 $0x10;
	s14 =	simm.s32 $0x6300  }
0x1ca: {  	s15 =	sand.u32 $0x3F0, s31;
	[tilespmem:s14+$0x0] =	vst v12  }
0x1cb: {  	s17 =	simm.s32 $0x20;
	s16 =	simm.s32 $0x3B10;
	v12 =	vld [tilespmem:s15+$0x3D80]  }
.LBB2_24:
0x1cc: {  	p0 =	sne.s32 s17, $0x270;
	v13 =	vld [tilespmem:s16+$0x0];
	_ =	sdelay $0x1  }
0x1cd: {  	v14 =	vld [tilespmem:s15+$0x4000];
	_ =	sdelay $0x1  }
0x1ce: {  	v15 =	vld [tilespmem:s15+$0x4280]  }
0x1cf: {  	v12 =	vadd.f32 v12, v13  }
0x1d0: {  	v13 =	vld [tilespmem:s15+$0x4500]  }
0x1d1: {  	v12 =	vadd.f32 v14, v12  }
0x1d2: {  	v14 =	vld [tilespmem:s15+$0x4780]  }
0x1d3: {  	v12 =	vadd.f32 v15, v12  }
0x1d4: {  	v15 =	vld [tilespmem:s15+$0x4A00]  }
0x1d5: {  	v12 =	vadd.f32 v13, v12  }
0x1d6: {  	v13 =	vld [tilespmem:s15+$0x4C80]  }
0x1d7: {  	v12 =	vadd.f32 v14, v12  }
0x1d8: {  	v14 =	vld [tilespmem:s15+$0x4F00]  }
0x1d9: {  	v12 =	vadd.f32 v15, v12  }
0x1da: {  	v15 =	vld [tilespmem:s15+$0x5180]  }
0x1db: {  	v12 =	vadd.f32 v13, v12  }
0x1dc: {  	v13 =	vld [tilespmem:s15+$0x5400]  }
0x1dd: {  	v12 =	vadd.f32 v14, v12  }
0x1de: {  	v14 =	vld [tilespmem:s15+$0x5680]  }
0x1df: {  	v12 =	vadd.f32 v15, v12  }
0x1e0: {  	v15 =	vld [tilespmem:s15+$0x5900]  }
0x1e1: {  	v12 =	vadd.f32 v13, v12  }
0x1e2: {  	v13 =	vld [tilespmem:s15+$0x5B80]  }
0x1e3: {  	v12 =	vadd.f32 v14, v12  }
0x1e4: {  	v14 =	vld [tilespmem:s15+$0x5E00]  }
0x1e5: {  	v12 =	vadd.f32 v15, v12  }
0x1e6: {  	v15 =	vld [tilespmem:s15+$0x6080]  }
0x1e7: {  	v12 =	vadd.f32 v13, v12;
	_ =	sdelay $0x1  }
0x1e8: {  	v12 =	vadd.f32 v14, v12  }
.Ltmp20:
0x1e9: {  	(pc) =	sbr.rel @p0 .LBB2_24-.Ltmp20, $4  }
0x1ea: {  	v12 =	vadd.f32 v15, v12  }
0x1eb: {  	s14 =	sadd.s32 $0x10, s14  }
0x1ec: {  	s15 =	sand.u32 $0x3F0, s17;
	[tilespmem:s14+$0x0] =	vst v12  }
0x1ed: {  	s16 =	sadd.s32 $0x10, s16;
	s17 =	sadd.s32 $0x10, s17;
	v12 =	vld [tilespmem:s15+$0x3D80]  }
0x1ee: {  	v13 =	vld [tilespmem:s16+$0x0];
	_ =	sdelay $0x1  }
0x1ef: {  	v14 =	vld [tilespmem:s15+$0x4000];
	_ =	sdelay $0x1  }
0x1f0: {  	v15 =	vld [tilespmem:s15+$0x4280]  }
0x1f1: {  	v12 =	vadd.f32 v12, v13  }
0x1f2: {  	v52 =	vld [tilespmem:s15+$0x4500]  }
0x1f3: {  	v12 =	vadd.f32 v14, v12  }
0x1f4: {  	v53 =	vld [tilespmem:s15+$0x4780]  }
0x1f5: {  	v12 =	vadd.f32 v15, v12  }
0x1f6: {  	v54 =	vld [tilespmem:s15+$0x4A00]  }
0x1f7: {  	v12 =	vadd.f32 v52, v12  }
0x1f8: {  	v55 =	vld [tilespmem:s15+$0x4C80]  }
0x1f9: {  	v12 =	vadd.f32 v53, v12  }
0x1fa: {  	v56 =	vld [tilespmem:s15+$0x4F00]  }
0x1fb: {  	v12 =	vadd.f32 v54, v12  }
0x1fc: {  	v57 =	vld [tilespmem:s15+$0x5180]  }
0x1fd: {  	v12 =	vadd.f32 v55, v12  }
0x1fe: {  	v58 =	vld [tilespmem:s15+$0x5400]  }
0x1ff: {  	v12 =	vadd.f32 v56, v12  }
0x200: {  	v59 =	vld [tilespmem:s15+$0x5680]  }
0x201: {  	v12 =	vadd.f32 v57, v12  }
0x202: {  	v60 =	vld [tilespmem:s15+$0x5900]  }
0x203: {  	v12 =	vadd.f32 v58, v12  }
0x204: {  	v61 =	vld [tilespmem:s15+$0x5B80]  }
0x205: {  	v12 =	vadd.f32 v59, v12  }
0x206: {  	v62 =	vld [tilespmem:s15+$0x5E00]  }
0x207: {  	v12 =	vadd.f32 v60, v12  }
0x208: {  	v63 =	vld [tilespmem:s15+$0x6080]  }
0x209: {  	v12 =	vadd.f32 v61, v12;
	_ =	sdelay $0x1  }
0x20a: {  	v12 =	vadd.f32 v62, v12;
	_ =	sdelay $0x1  }
0x20b: {  	s13 =	sadd.s32 $0x1, s13;
	v12 =	vadd.f32 v63, v12  }
0x20c: {  	s14 =	sadd.s32 $0x10, s14;
	p0 =	sne.s32 s13, s6  }
.Ltmp21:
0x20d: {  	[tilespmem:s14+$0x0] =	vst v12;
	(pc) =	sbr.rel @p0 .LBB2_1-.Ltmp21, $4  }
0x20e: {  	[hbm4b:s5+s2] =	stream.linear.scatter [tilespmem:s11], [sflag:$0x1], $0x280, $0x38;
	[tilespmem:$0x6580] =	vst v63  }
0x20f: {  	_ =	swait.ge [sflag:s7], $0x280  }
0x210: {  	[sflag:s7] =	ssyncset.done $0x0  }
0x211: {  	[sflag:s7] =	ssyncadd.s32 $0xFFFFFD80  }
0x212: {  	_ =	sfence.sel $0x180000  }
0x213: {  	[bflag:$0x0] =	sbarrier.arrive $0xFFFF  }
0x214: {  	p0 =	sne.s32 s0, $0x0;
	_ =	strace $0x90000047  }
0x215: {  	s0 =	sadd.s32 @!p0 $0x100000, s1;
	[bflag:$0x2] =	sbarrier.arrive $0xFFFF  }
0x216: {  	[sflag:s0] =	ssyncadd.tile.s32 @!p0 $0x1;
	_ =	shalt  }
.Lfunc_end2:
_tile_overlayer_lowered:
.L_overlay_start_2:
0x217: {  	(tag) =	ssettag $0x2  }
0x218: {  	s0 =	rddreg [dreg:$0x0];
	s2 =	stileid.u32  }
0x219: {  	s1 =	rddreg [dreg:$0x1];
	p0 =	sne.s32 s2, $0x0  }
0x21a: {  	s3 =	rddreg [dreg:$0x2];
	[bflag:$0x3] =	sbarrier.arrive $0xFFFF;
	s2 =	simm.s32 @!p0 $0x1C01  }
0x21b: {  	[timem:s3], [sflag:s2] =	dma.local @!p0 [hbm:s0], s1  }
0x21c: {  	s0 =	simm.s32 @!p0 $0x1  }
0x21d: {  	_ =	swait.ge @!p0 [sflag:s0], s1  }
0x21e: {  	s1 =	ssub.s32 @!p0 $0x0, s1;
	[sflag:s0] =	ssyncset.done @!p0 $0x0  }
0x21f: {  	[sflag:s0] =	ssyncadd.s32 @!p0 s1  }
0x220: {  	[bflag:$0x3] =	sbarrier.arrive $0xFFFF  }
0x221: {  	_ =	shalt  }

</sc_bundles>
